<compile_context>
chip_gen: v7x
topology: tpu7x:2x2x1
jax: 0.10.2.dev20260603
libtpu: 0.0.44.dev20260713+nightly
codegen_flags: <defaults>
</compile_context>

<pallas_src>
import functools

import jax
import jax.numpy as jnp
from jax import lax
from jax.experimental import pallas as pl
from jax.experimental.pallas import tpu as pltpu
from jax.experimental.pallas import tpu_sc as plsc

_B, _N, _D = 64, 576, 768
_NW = 32
_RPW = _N // _NW
_LANES = 16


def _sc_body(patch_hbm, pos_hbm, out_hbm,
             pos_v, in0, in1, out0, out1, si0, si1, so0, so1):
    w = lax.axis_index("s") * 2 + lax.axis_index("c")
    base = w * _RPW

    pltpu.sync_copy(pos_hbm.at[pl.ds(base, _RPW), :], pos_v)

    in_bufs = (in0, in1)
    out_bufs = (out0, out1)
    in_sems = (si0, si1)
    out_sems = (so0, so1)

    def in_copy(b, j):
        return pltpu.make_async_copy(
            patch_hbm.at[b, pl.ds(base, _RPW), :], in_bufs[j], in_sems[j])

    def out_copy(b, j):
        return pltpu.make_async_copy(
            out_bufs[j], out_hbm.at[b, pl.ds(base, _RPW), :], out_sems[j])

    in_copy(0, 0).start()
    in_copy(1, 1).start()

    def pair(p, carry):
        for j in range(2):
            b = p * 2 + j
            in_copy(b, j).wait()

            @pl.when(p >= 1)
            def _():
                out_copy(b - 2, j).wait()

            def row(r, c):
                for i in range(_D // _LANES):
                    sl = pl.ds(i * _LANES, _LANES)
                    out_bufs[j][r, sl] = in_bufs[j][r, sl] + pos_v[r, sl]
                return c

            lax.fori_loop(0, _RPW, row, 0)

            @pl.when(p < 31)
            def _():
                in_copy(b + 2, j).start()

            out_copy(b, j).start()
        return carry

    lax.fori_loop(0, _B // 2, pair, 0)
    out_copy(_B - 2, 0).wait()
    out_copy(_B - 1, 1).wait()


def kernel(patch, pos_table):
    mesh = plsc.VectorSubcoreMesh(core_axis_name="c", subcore_axis_name="s")
    run = functools.partial(
        pl.kernel,
        mesh=mesh,
        out_type=jax.ShapeDtypeStruct((_B, _N, _D), jnp.float32),
        scratch_types=[
            pltpu.VMEM((_RPW, _D), jnp.float32),
            pltpu.VMEM((_RPW, _D), jnp.float32),
            pltpu.VMEM((_RPW, _D), jnp.float32),
            pltpu.VMEM((_RPW, _D), jnp.float32),
            pltpu.VMEM((_RPW, _D), jnp.float32),
            pltpu.SemaphoreType.DMA,
            pltpu.SemaphoreType.DMA,
            pltpu.SemaphoreType.DMA,
            pltpu.SemaphoreType.DMA,
        ],
        compiler_params=pltpu.CompilerParams(use_tc_tiling_on_sc=False),
    )(_sc_body)
    return run(patch, pos_table)

# --- scband reference (transcript-rebuilt; emitter-appended) ---
"""Pipeline reference for scband-patch-encoder-15539191677835 (READ-ONLY COPY).

The authoritative reference and input builder live on the scoring server;
editing this copy changes nothing except your own understanding.
"""

import jax, jax.numpy as jnp
import numpy as np

NUM_PATCHES = 576
PROJ_DIM = 768
BATCH = 64

def setup_inputs(seed: int = 0) -> dict:
    key = jax.random.key(seed)
    k1, k2 = jax.random.split(key)
    patch = jax.random.normal(k1, (BATCH, NUM_PATCHES, PROJ_DIM), dtype=jnp.float32)
    # Keras Embedding default init: uniform(-0.05, 0.05)
    pos_table = jax.random.uniform(k2, (NUM_PATCHES, PROJ_DIM), dtype=jnp.float32, minval=-0.05, maxval=0.05)
    return {"patch": patch, "pos_table": pos_table}

def reference(patch, pos_table):
    positions = jnp.arange(NUM_PATCHES)
    pos_emb = jnp.take(pos_table, positions, axis=0)  # [num_patches, proj_dim]
    encoded = patch + pos_emb[None, :, :]
    return encoded

if __name__ == "__main__":
    import jax
    _d = setup_inputs()
    print(jax.jit(kernel)(*tuple(_d.values())))

</pallas_src>

<mosaic_0001>
#map = affine_map<(d0, d1) -> (0, 0, 0)>
#map1 = affine_map<(d0, d1) -> (0, 0)>
module attributes {stable_mosaic.version = 14 : i64} {
  func.func @_sc_body(%arg0: i32, %arg1: i32, %arg2: memref<64x576x768xf32, #tpu.memory_space<hbm>>, %arg3: memref<576x768xf32, #tpu.memory_space<hbm>>, %arg4: memref<64x576x768xf32, #tpu.memory_space<hbm>>, %arg5: memref<18x768xf32, #tpu.memory_space<vmem>>, %arg6: memref<18x768xf32, #tpu.memory_space<vmem>>, %arg7: memref<18x768xf32, #tpu.memory_space<vmem>>, %arg8: memref<18x768xf32, #tpu.memory_space<vmem>>, %arg9: memref<18x768xf32, #tpu.memory_space<vmem>>, %arg10: memref<!tpu.dma_semaphore, #tpu.memory_space<semaphore_mem>>, %arg11: memref<!tpu.dma_semaphore, #tpu.memory_space<semaphore_mem>>, %arg12: memref<!tpu.dma_semaphore, #tpu.memory_space<semaphore_mem>>, %arg13: memref<!tpu.dma_semaphore, #tpu.memory_space<semaphore_mem>>) attributes {dimension_semantics = [#tpu.dimension_semantics<core_parallel>, #tpu.dimension_semantics<subcore_parallel>], iteration_bounds = array<i64: 2, 16>, scalar_prefetch = 0 : i64, scratch_operands = 9 : i64, tpu.core_type = #tpu.core_type<sc_vector_subcore>, window_params = [{transform_indices = #map}, {transform_indices = #map1}, {transform_indices = #map}]} {
    %mul3A = arith.constant 2 : i32
    %mul3A_0 = arith.muli %arg1, %mul3A : i32
    %add3A = arith.addi %mul3A_0, %arg0 : i32
    %mul3A_1 = arith.constant 18 : i32
    %mul3A_2 = arith.muli %add3A, %mul3A_1 : i32
    "tpu.region"() ({
      %run_scoped3A = tpu.sem_alloc : memref<!tpu.dma_semaphore, #tpu.memory_space<semaphore_mem>>
      %dma_start3A_34 = arith.constant 0 : i32
      %dma_start3A_35 = tpu.memref_slice %arg3[%mul3A_2, %dma_start3A_34] : memref<576x768xf32, #tpu.memory_space<hbm>> -> memref<18x768xf32, #tpu.memory_space<hbm>>
      %dma_start3A_36 = arith.constant 0 : i32
      %dma_start3A_37 = tpu.memref_slice %arg3[%mul3A_2, %dma_start3A_36] : memref<576x768xf32, #tpu.memory_space<hbm>> -> memref<18x768xf32, #tpu.memory_space<hbm>>
      tpu.enqueue_dma source(%dma_start3A_37 : memref<18x768xf32, #tpu.memory_space<hbm>>) target(%arg5 : memref<18x768xf32, #tpu.memory_space<vmem>>) target_semaphore(%run_scoped3A : memref<!tpu.dma_semaphore, #tpu.memory_space<semaphore_mem>>)
      %dma_wait3A_38 = arith.constant 0 : i32
      %dma_wait3A_39 = tpu.memref_slice %arg3[%mul3A_2, %dma_wait3A_38] : memref<576x768xf32, #tpu.memory_space<hbm>> -> memref<18x768xf32, #tpu.memory_space<hbm>>
      %dma_wait3A_40 = arith.constant 0 : i32
      %dma_wait3A_41 = tpu.memref_slice %arg3[%mul3A_2, %dma_wait3A_40] : memref<576x768xf32, #tpu.memory_space<hbm>> -> memref<18x768xf32, #tpu.memory_space<hbm>>
      tpu.wait_dma2 semaphore(%run_scoped3A : memref<!tpu.dma_semaphore, #tpu.memory_space<semaphore_mem>>) src(%dma_wait3A_41 : memref<18x768xf32, #tpu.memory_space<hbm>>) dst(%arg5 : memref<18x768xf32, #tpu.memory_space<vmem>>)
      tpu.yield
    }) : () -> ()
    %dma_start3A = arith.constant 0 : i32
    %dma_start3A_3 = arith.constant 0 : i32
    %dma_start3A_4 = tpu.memref_slice %arg2[%dma_start3A, %mul3A_2, %dma_start3A_3] : memref<64x576x768xf32, #tpu.memory_space<hbm>> -> memref<1x18x768xf32, #tpu.memory_space<hbm>>
    %dma_start3A_5 = tpu.memref_squeeze %dma_start3A_4 : memref<1x18x768xf32, #tpu.memory_space<hbm>> -> memref<18x768xf32, #tpu.memory_space<hbm>>
    %dma_start3A_6 = arith.constant 0 : i32
    %dma_start3A_7 = tpu.memref_slice %arg2[%dma_start3A, %mul3A_2, %dma_start3A_6] : memref<64x576x768xf32, #tpu.memory_space<hbm>> -> memref<1x18x768xf32, #tpu.memory_space<hbm>>
    %dma_start3A_8 = tpu.memref_squeeze %dma_start3A_7 : memref<1x18x768xf32, #tpu.memory_space<hbm>> -> memref<18x768xf32, #tpu.memory_space<hbm>>
    tpu.enqueue_dma source(%dma_start3A_8 : memref<18x768xf32, #tpu.memory_space<hbm>>) target(%arg6 : memref<18x768xf32, #tpu.memory_space<vmem>>) target_semaphore(%arg10 : memref<!tpu.dma_semaphore, #tpu.memory_space<semaphore_mem>>)
    %dma_start3A_9 = arith.constant 1 : i32
    %dma_start3A_10 = arith.constant 0 : i32
    %dma_start3A_11 = tpu.memref_slice %arg2[%dma_start3A_9, %mul3A_2, %dma_start3A_10] : memref<64x576x768xf32, #tpu.memory_space<hbm>> -> memref<1x18x768xf32, #tpu.memory_space<hbm>>
    %dma_start3A_12 = tpu.memref_squeeze %dma_start3A_11 : memref<1x18x768xf32, #tpu.memory_space<hbm>> -> memref<18x768xf32, #tpu.memory_space<hbm>>
    %dma_start3A_13 = arith.constant 0 : i32
    %dma_start3A_14 = tpu.memref_slice %arg2[%dma_start3A_9, %mul3A_2, %dma_start3A_13] : memref<64x576x768xf32, #tpu.memory_space<hbm>> -> memref<1x18x768xf32, #tpu.memory_space<hbm>>
    %dma_start3A_15 = tpu.memref_squeeze %dma_start3A_14 : memref<1x18x768xf32, #tpu.memory_space<hbm>> -> memref<18x768xf32, #tpu.memory_space<hbm>>
    tpu.enqueue_dma source(%dma_start3A_15 : memref<18x768xf32, #tpu.memory_space<hbm>>) target(%arg7 : memref<18x768xf32, #tpu.memory_space<vmem>>) target_semaphore(%arg11 : memref<!tpu.dma_semaphore, #tpu.memory_space<semaphore_mem>>)
    %scan3A = arith.constant 0 : i32
    %scan3A_16 = arith.constant 0 : i32
    %scan3A_17 = arith.constant 32 : i32
    %scan3A_18 = arith.addi %scan3A_16, %scan3A_17 : i32
    %scan3A_19 = arith.constant 1 : i32
    scf.for %scan3A_34 = %scan3A_16 to %scan3A_18 step %scan3A_19  : i32 {
      %mul3A_35 = arith.constant 2 : i32
      %mul3A_36 = arith.muli %scan3A_34, %mul3A_35 : i32
      %add3A_37 = arith.constant 0 : i32
      %add3A_38 = arith.addi %mul3A_36, %add3A_37 : i32
      %dma_wait3A_39 = arith.constant 0 : i32
      %dma_wait3A_40 = tpu.memref_slice %arg2[%add3A_38, %mul3A_2, %dma_wait3A_39] : memref<64x576x768xf32, #tpu.memory_space<hbm>> -> memref<1x18x768xf32, #tpu.memory_space<hbm>>
      %dma_wait3A_41 = tpu.memref_squeeze %dma_wait3A_40 : memref<1x18x768xf32, #tpu.memory_space<hbm>> -> memref<18x768xf32, #tpu.memory_space<hbm>>
      %dma_wait3A_42 = arith.constant 0 : i32
      %dma_wait3A_43 = tpu.memref_slice %arg2[%add3A_38, %mul3A_2, %dma_wait3A_42] : memref<64x576x768xf32, #tpu.memory_space<hbm>> -> memref<1x18x768xf32, #tpu.memory_space<hbm>>
      %dma_wait3A_44 = tpu.memref_squeeze %dma_wait3A_43 : memref<1x18x768xf32, #tpu.memory_space<hbm>> -> memref<18x768xf32, #tpu.memory_space<hbm>>
      tpu.wait_dma2 semaphore(%arg10 : memref<!tpu.dma_semaphore, #tpu.memory_space<semaphore_mem>>) src(%dma_wait3A_44 : memref<18x768xf32, #tpu.memory_space<hbm>>) dst(%arg6 : memref<18x768xf32, #tpu.memory_space<vmem>>)
      %ge3A = arith.constant 1 : i32
      %ge3A_45 = arith.cmpi sge, %scan3A_34, %ge3A : i32
      %convert_element_type3A = arith.extui %ge3A_45 : i1 to i32
      %cond3A = arith.constant 0 : i32
      %cond3A_46 = arith.cmpi ne, %convert_element_type3A, %cond3A : i32
      scf.if %cond3A_46 {
        %sub3A = arith.constant 2 : i32
        %sub3A_95 = arith.subi %add3A_38, %sub3A : i32
        %dma_wait3A_96 = arith.constant 0 : i32
        %dma_wait3A_97 = tpu.memref_slice %arg4[%sub3A_95, %mul3A_2, %dma_wait3A_96] : memref<64x576x768xf32, #tpu.memory_space<hbm>> -> memref<1x18x768xf32, #tpu.memory_space<hbm>>
        %dma_wait3A_98 = tpu.memref_squeeze %dma_wait3A_97 : memref<1x18x768xf32, #tpu.memory_space<hbm>> -> memref<18x768xf32, #tpu.memory_space<hbm>>
        %dma_wait3A_99 = arith.constant 0 : i32
        %dma_wait3A_100 = tpu.memref_slice %arg4[%sub3A_95, %mul3A_2, %dma_wait3A_99] : memref<64x576x768xf32, #tpu.memory_space<hbm>> -> memref<1x18x768xf32, #tpu.memory_space<hbm>>
        %dma_wait3A_101 = tpu.memref_squeeze %dma_wait3A_100 : memref<1x18x768xf32, #tpu.memory_space<hbm>> -> memref<18x768xf32, #tpu.memory_space<hbm>>
        tpu.wait_dma2 semaphore(%arg12 : memref<!tpu.dma_semaphore, #tpu.memory_space<semaphore_mem>>) src(%arg8 : memref<18x768xf32, #tpu.memory_space<vmem>>) dst(%dma_wait3A_101 : memref<18x768xf32, #tpu.memory_space<hbm>>)
      } else {
      }
      %scan3A_47 = arith.constant 0 : i32
      %scan3A_48 = arith.constant 0 : i32
      %scan3A_49 = arith.constant 18 : i32
      %scan3A_50 = arith.addi %scan3A_48, %scan3A_49 : i32
      %scan3A_51 = arith.constant 1 : i32
      scf.for %scan3A_95 = %scan3A_48 to %scan3A_50 step %scan3A_51  : i32 {
        %get3A = arith.index_cast %scan3A_95 : i32 to index
        %get3A_96 = arith.constant 0 : index
        %get3A_97 = tpu.vector_load %arg6[%get3A, %get3A_96] {strides = array<i32>} : memref<18x768xf32, #tpu.memory_space<vmem>>, vector<1x16xf32>,
        %get3A_98 = vector.shape_cast %get3A_97 : vector<1x16xf32> to vector<16xf32>
        %get3A_99 = arith.index_cast %scan3A_95 : i32 to index
        %get3A_100 = arith.constant 0 : index
        %get3A_101 = tpu.vector_load %arg5[%get3A_99, %get3A_100] {strides = array<i32>} : memref<18x768xf32, #tpu.memory_space<vmem>>, vector<1x16xf32>,
        %get3A_102 = vector.shape_cast %get3A_101 : vector<1x16xf32> to vector<16xf32>
        %add3A_103 = arith.addf %get3A_98, %get3A_102 : vector<16xf32>
        %swap3A = arith.index_cast %scan3A_95 : i32 to index
        %swap3A_104 = arith.constant 0 : index
        %swap3A_105 = tpu.vector_load %arg8[%swap3A, %swap3A_104] {strides = array<i32>} : memref<18x768xf32, #tpu.memory_space<vmem>>, vector<1x16xf32>,
        %swap3A_106 = vector.shape_cast %swap3A_105 : vector<1x16xf32> to vector<16xf32>
        %swap3A_107 = vector.shape_cast %add3A_103 : vector<16xf32> to vector<1x16xf32>
        tpu.vector_store %arg8[%swap3A, %swap3A_104], %swap3A_107 {strides = array<i32>} : memref<18x768xf32, #tpu.memory_space<vmem>>, vector<1x16xf32>,
        %get3A_108 = arith.index_cast %scan3A_95 : i32 to index
        %get3A_109 = arith.constant 16 : index
        %get3A_110 = tpu.vector_load %arg6[%get3A_108, %get3A_109] {strides = array<i32>} : memref<18x768xf32, #tpu.memory_space<vmem>>, vector<1x16xf32>,
        %get3A_111 = vector.shape_cast %get3A_110 : vector<1x16xf32> to vector<16xf32>
        %get3A_112 = arith.index_cast %scan3A_95 : i32 to index
        %get3A_113 = arith.constant 16 : index
        %get3A_114 = tpu.vector_load %arg5[%get3A_112, %get3A_113] {strides = array<i32>} : memref<18x768xf32, #tpu.memory_space<vmem>>, vector<1x16xf32>,
        %get3A_115 = vector.shape_cast %get3A_114 : vector<1x16xf32> to vector<16xf32>
        %add3A_116 = arith.addf %get3A_111, %get3A_115 : vector<16xf32>
        %swap3A_117 = arith.index_cast %scan3A_95 : i32 to index
        %swap3A_118 = arith.constant 16 : index
        %swap3A_119 = tpu.vector_load %arg8[%swap3A_117, %swap3A_118] {strides = array<i32>} : memref<18x768xf32, #tpu.memory_space<vmem>>, vector<1x16xf32>,
        %swap3A_120 = vector.shape_cast %swap3A_119 : vector<1x16xf32> to vector<16xf32>
        %swap3A_121 = vector.shape_cast %add3A_116 : vector<16xf32> to vector<1x16xf32>
        tpu.vector_store %arg8[%swap3A_117, %swap3A_118], %swap3A_121 {strides = array<i32>} : memref<18x768xf32, #tpu.memory_space<vmem>>, vector<1x16xf32>,
        %get3A_122 = arith.index_cast %scan3A_95 : i32 to index
        %get3A_123 = arith.constant 32 : index
        %get3A_124 = tpu.vector_load %arg6[%get3A_122, %get3A_123] {strides = array<i32>} : memref<18x768xf32, #tpu.memory_space<vmem>>, vector<1x16xf32>,
        %get3A_125 = vector.shape_cast %get3A_124 : vector<1x16xf32> to vector<16xf32>
        %get3A_126 = arith.index_cast %scan3A_95 : i32 to index
        %get3A_127 = arith.constant 32 : index
        %get3A_128 = tpu.vector_load %arg5[%get3A_126, %get3A_127] {strides = array<i32>} : memref<18x768xf32, #tpu.memory_space<vmem>>, vector<1x16xf32>,
        %get3A_129 = vector.shape_cast %get3A_128 : vector<1x16xf32> to vector<16xf32>
        %add3A_130 = arith.addf %get3A_125, %get3A_129 : vector<16xf32>
        %swap3A_131 = arith.index_cast %scan3A_95 : i32 to index
        %swap3A_132 = arith.constant 32 : index
        %swap3A_133 = tpu.vector_load %arg8[%swap3A_131, %swap3A_132] {strides = array<i32>} : memref<18x768xf32, #tpu.memory_space<vmem>>, vector<1x16xf32>,
        %swap3A_134 = vector.shape_cast %swap3A_133 : vector<1x16xf32> to vector<16xf32>
        %swap3A_135 = vector.shape_cast %add3A_130 : vector<16xf32> to vector<1x16xf32>
        tpu.vector_store %arg8[%swap3A_131, %swap3A_132], %swap3A_135 {strides = array<i32>} : memref<18x768xf32, #tpu.memory_space<vmem>>, vector<1x16xf32>,
        %get3A_136 = arith.index_cast %scan3A_95 : i32 to index
        %get3A_137 = arith.constant 48 : index
        %get3A_138 = tpu.vector_load %arg6[%get3A_136, %get3A_137] {strides = array<i32>} : memref<18x768xf32, #tpu.memory_space<vmem>>, vector<1x16xf32>,
        %get3A_139 = vector.shape_cast %get3A_138 : vector<1x16xf32> to vector<16xf32>
        %get3A_140 = arith.index_cast %scan3A_95 : i32 to index
        %get3A_141 = arith.constant 48 : index
        %get3A_142 = tpu.vector_load %arg5[%get3A_140, %get3A_141] {strides = array<i32>} : memref<18x768xf32, #tpu.memory_space<vmem>>, vector<1x16xf32>,
        %get3A_143 = vector.shape_cast %get3A_142 : vector<1x16xf32> to vector<16xf32>
        %add3A_144 = arith.addf %get3A_139, %get3A_143 : vector<16xf32>
        %swap3A_145 = arith.index_cast %scan3A_95 : i32 to index
        %swap3A_146 = arith.constant 48 : index
        %swap3A_147 = tpu.vector_load %arg8[%swap3A_145, %swap3A_146] {strides = array<i32>} : memref<18x768xf32, #tpu.memory_space<vmem>>, vector<1x16xf32>,
        %swap3A_148 = vector.shape_cast %swap3A_147 : vector<1x16xf32> to vector<16xf32>
        %swap3A_149 = vector.shape_cast %add3A_144 : vector<16xf32> to vector<1x16xf32>
        tpu.vector_store %arg8[%swap3A_145, %swap3A_146], %swap3A_149 {strides = array<i32>} : memref<18x768xf32, #tpu.memory_space<vmem>>, vector<1x16xf32>,
        %get3A_150 = arith.index_cast %scan3A_95 : i32 to index
        %get3A_151 = arith.constant 64 : index
        %get3A_152 = tpu.vector_load %arg6[%get3A_150, %get3A_151] {strides = array<i32>} : memref<18x768xf32, #tpu.memory_space<vmem>>, vector<1x16xf32>,
        %get3A_153 = vector.shape_cast %get3A_152 : vector<1x16xf32> to vector<16xf32>
        %get3A_154 = arith.index_cast %scan3A_95 : i32 to index
        %get3A_155 = arith.constant 64 : index
        %get3A_156 = tpu.vector_load %arg5[%get3A_154, %get3A_155] {strides = array<i32>} : memref<18x768xf32, #tpu.memory_space<vmem>>, vector<1x16xf32>,
        %get3A_157 = vector.shape_cast %get3A_156 : vector<1x16xf32> to vector<16xf32>
        %add3A_158 = arith.addf %get3A_153, %get3A_157 : vector<16xf32>
        %swap3A_159 = arith.index_cast %scan3A_95 : i32 to index
        %swap3A_160 = arith.constant 64 : index
        %swap3A_161 = tpu.vector_load %arg8[%swap3A_159, %swap3A_160] {strides = array<i32>} : memref<18x768xf32, #tpu.memory_space<vmem>>, vector<1x16xf32>,
        %swap3A_162 = vector.shape_cast %swap3A_161 : vector<1x16xf32> to vector<16xf32>
        %swap3A_163 = vector.shape_cast %add3A_158 : vector<16xf32> to vector<1x16xf32>
        tpu.vector_store %arg8[%swap3A_159, %swap3A_160], %swap3A_163 {strides = array<i32>} : memref<18x768xf32, #tpu.memory_space<vmem>>, vector<1x16xf32>,
        %get3A_164 = arith.index_cast %scan3A_95 : i32 to index
        %get3A_165 = arith.constant 80 : index
        %get3A_166 = tpu.vector_load %arg6[%get3A_164, %get3A_165] {strides = array<i32>} : memref<18x768xf32, #tpu.memory_space<vmem>>, vector<1x16xf32>,
        %get3A_167 = vector.shape_cast %get3A_166 : vector<1x16xf32> to vector<16xf32>
        %get3A_168 = arith.index_cast %scan3A_95 : i32 to index
        %get3A_169 = arith.constant 80 : index
        %get3A_170 = tpu.vector_load %arg5[%get3A_168, %get3A_169] {strides = array<i32>} : memref<18x768xf32, #tpu.memory_space<vmem>>, vector<1x16xf32>,
        %get3A_171 = vector.shape_cast %get3A_170 : vector<1x16xf32> to vector<16xf32>
        %add3A_172 = arith.addf %get3A_167, %get3A_171 : vector<16xf32>
        %swap3A_173 = arith.index_cast %scan3A_95 : i32 to index
        %swap3A_174 = arith.constant 80 : index
        %swap3A_175 = tpu.vector_load %arg8[%swap3A_173, %swap3A_174] {strides = array<i32>} : memref<18x768xf32, #tpu.memory_space<vmem>>, vector<1x16xf32>,
        %swap3A_176 = vector.shape_cast %swap3A_175 : vector<1x16xf32> to vector<16xf32>
        %swap3A_177 = vector.shape_cast %add3A_172 : vector<16xf32> to vector<1x16xf32>
        tpu.vector_store %arg8[%swap3A_173, %swap3A_174], %swap3A_177 {strides = array<i32>} : memref<18x768xf32, #tpu.memory_space<vmem>>, vector<1x16xf32>,
        %get3A_178 = arith.index_cast %scan3A_95 : i32 to index
        %get3A_179 = arith.constant 96 : index
        %get3A_180 = tpu.vector_load %arg6[%get3A_178, %get3A_179] {strides = array<i32>} : memref<18x768xf32, #tpu.memory_space<vmem>>, vector<1x16xf32>,
        %get3A_181 = vector.shape_cast %get3A_180 : vector<1x16xf32> to vector<16xf32>
        %get3A_182 = arith.index_cast %scan3A_95 : i32 to index
        %get3A_183 = arith.constant 96 : index
        %get3A_184 = tpu.vector_load %arg5[%get3A_182, %get3A_183] {strides = array<i32>} : memref<18x768xf32, #tpu.memory_space<vmem>>, vector<1x16xf32>,
        %get3A_185 = vector.shape_cast %get3A_184 : vector<1x16xf32> to vector<16xf32>
        %add3A_186 = arith.addf %get3A_181, %get3A_185 : vector<16xf32>
        %swap3A_187 = arith.index_cast %scan3A_95 : i32 to index
        %swap3A_188 = arith.constant 96 : index
        %swap3A_189 = tpu.vector_load %arg8[%swap3A_187, %swap3A_188] {strides = array<i32>} : memref<18x768xf32, #tpu.memory_space<vmem>>, vector<1x16xf32>,
        %swap3A_190 = vector.shape_cast %swap3A_189 : vector<1x16xf32> to vector<16xf32>
        %swap3A_191 = vector.shape_cast %add3A_186 : vector<16xf32> to vector<1x16xf32>
        tpu.vector_store %arg8[%swap3A_187, %swap3A_188], %swap3A_191 {strides = array<i32>} : memref<18x768xf32, #tpu.memory_space<vmem>>, vector<1x16xf32>,
        %get3A_192 = arith.index_cast %scan3A_95 : i32 to index
        %get3A_193 = arith.constant 112 : index
        %get3A_194 = tpu.vector_load %arg6[%get3A_192, %get3A_193] {strides = array<i32>} : memref<18x768xf32, #tpu.memory_space<vmem>>, vector<1x16xf32>,
        %get3A_195 = vector.shape_cast %get3A_194 : vector<1x16xf32> to vector<16xf32>
        %get3A_196 = arith.index_cast %scan3A_95 : i32 to index
        %get3A_197 = arith.constant 112 : index
        %get3A_198 = tpu.vector_load %arg5[%get3A_196, %get3A_197] {strides = array<i32>} : memref<18x768xf32, #tpu.memory_space<vmem>>, vector<1x16xf32>,
        %get3A_199 = vector.shape_cast %get3A_198 : vector<1x16xf32> to vector<16xf32>
        %add3A_200 = arith.addf %get3A_195, %get3A_199 : vector<16xf32>
        %swap3A_201 = arith.index_cast %scan3A_95 : i32 to index
        %swap3A_202 = arith.constant 112 : index
        %swap3A_203 = tpu.vector_load %arg8[%swap3A_201, %swap3A_202] {strides = array<i32>} : memref<18x768xf32, #tpu.memory_space<vmem>>, vector<1x16xf32>,
        %swap3A_204 = vector.shape_cast %swap3A_203 : vector<1x16xf32> to vector<16xf32>
        %swap3A_205 = vector.shape_cast %add3A_200 : vector<16xf32> to vector<1x16xf32>
        tpu.vector_store %arg8[%swap3A_201, %swap3A_202], %swap3A_205 {strides = array<i32>} : memref<18x768xf32, #tpu.memory_space<vmem>>, vector<1x16xf32>,
        %get3A_206 = arith.index_cast %scan3A_95 : i32 to index
        %get3A_207 = arith.constant 128 : index
        %get3A_208 = tpu.vector_load %arg6[%get3A_206, %get3A_207] {strides = array<i32>} : memref<18x768xf32, #tpu.memory_space<vmem>>, vector<1x16xf32>,
        %get3A_209 = vector.shape_cast %get3A_208 : vector<1x16xf32> to vector<16xf32>
        %get3A_210 = arith.index_cast %scan3A_95 : i32 to index
        %get3A_211 = arith.constant 128 : index
        %get3A_212 = tpu.vector_load %arg5[%get3A_210, %get3A_211] {strides = array<i32>} : memref<18x768xf32, #tpu.memory_space<vmem>>, vector<1x16xf32>,
        %get3A_213 = vector.shape_cast %get3A_212 : vector<1x16xf32> to vector<16xf32>
        %add3A_214 = arith.addf %get3A_209, %get3A_213 : vector<16xf32>
        %swap3A_215 = arith.index_cast %scan3A_95 : i32 to index
        %swap3A_216 = arith.constant 128 : index
        %swap3A_217 = tpu.vector_load %arg8[%swap3A_215, %swap3A_216] {strides = array<i32>} : memref<18x768xf32, #tpu.memory_space<vmem>>, vector<1x16xf32>,
        %swap3A_218 = vector.shape_cast %swap3A_217 : vector<1x16xf32> to vector<16xf32>
        %swap3A_219 = vector.shape_cast %add3A_214 : vector<16xf32> to vector<1x16xf32>
        tpu.vector_store %arg8[%swap3A_215, %swap3A_216], %swap3A_219 {strides = array<i32>} : memref<18x768xf32, #tpu.memory_space<vmem>>, vector<1x16xf32>,
        %get3A_220 = arith.index_cast %scan3A_95 : i32 to index
        %get3A_221 = arith.constant 144 : index
        %get3A_222 = tpu.vector_load %arg6[%get3A_220, %get3A_221] {strides = array<i32>} : memref<18x768xf32, #tpu.memory_space<vmem>>, vector<1x16xf32>,
        %get3A_223 = vector.shape_cast %get3A_222 : vector<1x16xf32> to vector<16xf32>
        %get3A_224 = arith.index_cast %scan3A_95 : i32 to index
        %get3A_225 = arith.constant 144 : index
        %get3A_226 = tpu.vector_load %arg5[%get3A_224, %get3A_225] {strides = array<i32>} : memref<18x768xf32, #tpu.memory_space<vmem>>, vector<1x16xf32>,
        %get3A_227 = vector.shape_cast %get3A_226 : vector<1x16xf32> to vector<16xf32>
        %add3A_228 = arith.addf %get3A_223, %get3A_227 : vector<16xf32>
        %swap3A_229 = arith.index_cast %scan3A_95 : i32 to index
        %swap3A_230 = arith.constant 144 : index
        %swap3A_231 = tpu.vector_load %arg8[%swap3A_229, %swap3A_230] {strides = array<i32>} : memref<18x768xf32, #tpu.memory_space<vmem>>, vector<1x16xf32>,
        %swap3A_232 = vector.shape_cast %swap3A_231 : vector<1x16xf32> to vector<16xf32>
        %swap3A_233 = vector.shape_cast %add3A_228 : vector<16xf32> to vector<1x16xf32>
        tpu.vector_store %arg8[%swap3A_229, %swap3A_230], %swap3A_233 {strides = array<i32>} : memref<18x768xf32, #tpu.memory_space<vmem>>, vector<1x16xf32>,
        %get3A_234 = arith.index_cast %scan3A_95 : i32 to index
        %get3A_235 = arith.constant 160 : index
        %get3A_236 = tpu.vector_load %arg6[%get3A_234, %get3A_235] {strides = array<i32>} : memref<18x768xf32, #tpu.memory_space<vmem>>, vector<1x16xf32>,
        %get3A_237 = vector.shape_cast %get3A_236 : vector<1x16xf32> to vector<16xf32>
        %get3A_238 = arith.index_cast %scan3A_95 : i32 to index
        %get3A_239 = arith.constant 160 : index
        %get3A_240 = tpu.vector_load %arg5[%get3A_238, %get3A_239] {strides = array<i32>} : memref<18x768xf32, #tpu.memory_space<vmem>>, vector<1x16xf32>,
        %get3A_241 = vector.shape_cast %get3A_240 : vector<1x16xf32> to vector<16xf32>
        %add3A_242 = arith.addf %get3A_237, %get3A_241 : vector<16xf32>
        %swap3A_243 = arith.index_cast %scan3A_95 : i32 to index
        %swap3A_244 = arith.constant 160 : index
        %swap3A_245 = tpu.vector_load %arg8[%swap3A_243, %swap3A_244] {strides = array<i32>} : memref<18x768xf32, #tpu.memory_space<vmem>>, vector<1x16xf32>,
        %swap3A_246 = vector.shape_cast %swap3A_245 : vector<1x16xf32> to vector<16xf32>
        %swap3A_247 = vector.shape_cast %add3A_242 : vector<16xf32> to vector<1x16xf32>
        tpu.vector_store %arg8[%swap3A_243, %swap3A_244], %swap3A_247 {strides = array<i32>} : memref<18x768xf32, #tpu.memory_space<vmem>>, vector<1x16xf32>,
        %get3A_248 = arith.index_cast %scan3A_95 : i32 to index
        %get3A_249 = arith.constant 176 : index
        %get3A_250 = tpu.vector_load %arg6[%get3A_248, %get3A_249] {strides = array<i32>} : memref<18x768xf32, #tpu.memory_space<vmem>>, vector<1x16xf32>,
        %get3A_251 = vector.shape_cast %get3A_250 : vector<1x16xf32> to vector<16xf32>
        %get3A_252 = arith.index_cast %scan3A_95 : i32 to index
        %get3A_253 = arith.constant 176 : index
        %get3A_254 = tpu.vector_load %arg5[%get3A_252, %get3A_253] {strides = array<i32>} : memref<18x768xf32, #tpu.memory_space<vmem>>, vector<1x16xf32>,
        %get3A_255 = vector.shape_cast %get3A_254 : vector<1x16xf32> to vector<16xf32>
        %add3A_256 = arith.addf %get3A_251, %get3A_255 : vector<16xf32>
        %swap3A_257 = arith.index_cast %scan3A_95 : i32 to index
        %swap3A_258 = arith.constant 176 : index
        %swap3A_259 = tpu.vector_load %arg8[%swap3A_257, %swap3A_258] {strides = array<i32>} : memref<18x768xf32, #tpu.memory_space<vmem>>, vector<1x16xf32>,
        %swap3A_260 = vector.shape_cast %swap3A_259 : vector<1x16xf32> to vector<16xf32>
        %swap3A_261 = vector.shape_cast %add3A_256 : vector<16xf32> to vector<1x16xf32>
        tpu.vector_store %arg8[%swap3A_257, %swap3A_258], %swap3A_261 {strides = array<i32>} : memref<18x768xf32, #tpu.memory_space<vmem>>, vector<1x16xf32>,
        %get3A_262 = arith.index_cast %scan3A_95 : i32 to index
        %get3A_263 = arith.constant 192 : index
        %get3A_264 = tpu.vector_load %arg6[%get3A_262, %get3A_263] {strides = array<i32>} : memref<18x768xf32, #tpu.memory_space<vmem>>, vector<1x16xf32>,
        %get3A_265 = vector.shape_cast %get3A_264 : vector<1x16xf32> to vector<16xf32>
        %get3A_266 = arith.index_cast %scan3A_95 : i32 to index
        %get3A_267 = arith.constant 192 : index
        %get3A_268 = tpu.vector_load %arg5[%get3A_266, %get3A_267] {strides = array<i32>} : memref<18x768xf32, #tpu.memory_space<vmem>>, vector<1x16xf32>,
        %get3A_269 = vector.shape_cast %get3A_268 : vector<1x16xf32> to vector<16xf32>
        %add3A_270 = arith.addf %get3A_265, %get3A_269 : vector<16xf32>
        %swap3A_271 = arith.index_cast %scan3A_95 : i32 to index
        %swap3A_272 = arith.constant 192 : index
        %swap3A_273 = tpu.vector_load %arg8[%swap3A_271, %swap3A_272] {strides = array<i32>} : memref<18x768xf32, #tpu.memory_space<vmem>>, vector<1x16xf32>,
        %swap3A_274 = vector.shape_cast %swap3A_273 : vector<1x16xf32> to vector<16xf32>
        %swap3A_275 = vector.shape_cast %add3A_270 : vector<16xf32> to vector<1x16xf32>
        tpu.vector_store %arg8[%swap3A_271, %swap3A_272], %swap3A_275 {strides = array<i32>} : memref<18x768xf32, #tpu.memory_space<vmem>>, vector<1x16xf32>,
        %get3A_276 = arith.index_cast %scan3A_95 : i32 to index
        %get3A_277 = arith.constant 208 : index
        %get3A_278 = tpu.vector_load %arg6[%get3A_276, %get3A_277] {strides = array<i32>} : memref<18x768xf32, #tpu.memory_space<vmem>>, vector<1x16xf32>,
        %get3A_279 = vector.shape_cast %get3A_278 : vector<1x16xf32> to vector<16xf32>
        %get3A_280 = arith.index_cast %scan3A_95 : i32 to index
        %get3A_281 = arith.constant 208 : index
        %get3A_282 = tpu.vector_load %arg5[%get3A_280, %get3A_281] {strides = array<i32>} : memref<18x768xf32, #tpu.memory_space<vmem>>, vector<1x16xf32>,
        %get3A_283 = vector.shape_cast %get3A_282 : vector<1x16xf32> to vector<16xf32>
        %add3A_284 = arith.addf %get3A_279, %get3A_283 : vector<16xf32>
        %swap3A_285 = arith.index_cast %scan3A_95 : i32 to index
        %swap3A_286 = arith.constant 208 : index
        %swap3A_287 = tpu.vector_load %arg8[%swap3A_285, %swap3A_286] {strides = array<i32>} : memref<18x768xf32, #tpu.memory_space<vmem>>, vector<1x16xf32>,
        %swap3A_288 = vector.shape_cast %swap3A_287 : vector<1x16xf32> to vector<16xf32>
        %swap3A_289 = vector.shape_cast %add3A_284 : vector<16xf32> to vector<1x16xf32>
        tpu.vector_store %arg8[%swap3A_285, %swap3A_286], %swap3A_289 {strides = array<i32>} : memref<18x768xf32, #tpu.memory_space<vmem>>, vector<1x16xf32>,
        %get3A_290 = arith.index_cast %scan3A_95 : i32 to index
        %get3A_291 = arith.constant 224 : index
        %get3A_292 = tpu.vector_load %arg6[%get3A_290, %get3A_291] {strides = array<i32>} : memref<18x768xf32, #tpu.memory_space<vmem>>, vector<1x16xf32>,
        %get3A_293 = vector.shape_cast %get3A_292 : vector<1x16xf32> to vector<16xf32>
        %get3A_294 = arith.index_cast %scan3A_95 : i32 to index
        %get3A_295 = arith.constant 224 : index
        %get3A_296 = tpu.vector_load %arg5[%get3A_294, %get3A_295] {strides = array<i32>} : memref<18x768xf32, #tpu.memory_space<vmem>>, vector<1x16xf32>,
        %get3A_297 = vector.shape_cast %get3A_296 : vector<1x16xf32> to vector<16xf32>
        %add3A_298 = arith.addf %get3A_293, %get3A_297 : vector<16xf32>
        %swap3A_299 = arith.index_cast %scan3A_95 : i32 to index
        %swap3A_300 = arith.constant 224 : index
        %swap3A_301 = tpu.vector_load %arg8[%swap3A_299, %swap3A_300] {strides = array<i32>} : memref<18x768xf32, #tpu.memory_space<vmem>>, vector<1x16xf32>,
        %swap3A_302 = vector.shape_cast %swap3A_301 : vector<1x16xf32> to vector<16xf32>
        %swap3A_303 = vector.shape_cast %add3A_298 : vector<16xf32> to vector<1x16xf32>
        tpu.vector_store %arg8[%swap3A_299, %swap3A_300], %swap3A_303 {strides = array<i32>} : memref<18x768xf32, #tpu.memory_space<vmem>>, vector<1x16xf32>,
        %get3A_304 = arith.index_cast %scan3A_95 : i32 to index
        %get3A_305 = arith.constant 240 : index
        %get3A_306 = tpu.vector_load %arg6[%get3A_304, %get3A_305] {strides = array<i32>} : memref<18x768xf32, #tpu.memory_space<vmem>>, vector<1x16xf32>,
        %get3A_307 = vector.shape_cast %get3A_306 : vector<1x16xf32> to vector<16xf32>
        %get3A_308 = arith.index_cast %scan3A_95 : i32 to index
        %get3A_309 = arith.constant 240 : index
        %get3A_310 = tpu.vector_load %arg5[%get3A_308, %get3A_309] {strides = array<i32>} : memref<18x768xf32, #tpu.memory_space<vmem>>, vector<1x16xf32>,
        %get3A_311 = vector.shape_cast %get3A_310 : vector<1x16xf32> to vector<16xf32>
        %add3A_312 = arith.addf %get3A_307, %get3A_311 : vector<16xf32>
        %swap3A_313 = arith.index_cast %scan3A_95 : i32 to index
        %swap3A_314 = arith.constant 240 : index
        %swap3A_315 = tpu.vector_load %arg8[%swap3A_313, %swap3A_314] {strides = array<i32>} : memref<18x768xf32, #tpu.memory_space<vmem>>, vector<1x16xf32>,
        %swap3A_316 = vector.shape_cast %swap3A_315 : vector<1x16xf32> to vector<16xf32>
        %swap3A_317 = vector.shape_cast %add3A_312 : vector<16xf32> to vector<1x16xf32>
        tpu.vector_store %arg8[%swap3A_313, %swap3A_314], %swap3A_317 {strides = array<i32>} : memref<18x768xf32, #tpu.memory_space<vmem>>, vector<1x16xf32>,
        %get3A_318 = arith.index_cast %scan3A_95 : i32 to index
        %get3A_319 = arith.constant 256 : index
        %get3A_320 = tpu.vector_load %arg6[%get3A_318, %get3A_319] {strides = array<i32>} : memref<18x768xf32, #tpu.memory_space<vmem>>, vector<1x16xf32>,
        %get3A_321 = vector.shape_cast %get3A_320 : vector<1x16xf32> to vector<16xf32>
        %get3A_322 = arith.index_cast %scan3A_95 : i32 to index
        %get3A_323 = arith.constant 256 : index
        %get3A_324 = tpu.vector_load %arg5[%get3A_322, %get3A_323] {strides = array<i32>} : memref<18x768xf32, #tpu.memory_space<vmem>>, vector<1x16xf32>,
        %get3A_325 = vector.shape_cast %get3A_324 : vector<1x16xf32> to vector<16xf32>
        %add3A_326 = arith.addf %get3A_321, %get3A_325 : vector<16xf32>
        %swap3A_327 = arith.index_cast %scan3A_95 : i32 to index
        %swap3A_328 = arith.constant 256 : index
        %swap3A_329 = tpu.vector_load %arg8[%swap3A_327, %swap3A_328] {strides = array<i32>} : memref<18x768xf32, #tpu.memory_space<vmem>>, vector<1x16xf32>,
        %swap3A_330 = vector.shape_cast %swap3A_329 : vector<1x16xf32> to vector<16xf32>
        %swap3A_331 = vector.shape_cast %add3A_326 : vector<16xf32> to vector<1x16xf32>
        tpu.vector_store %arg8[%swap3A_327, %swap3A_328], %swap3A_331 {strides = array<i32>} : memref<18x768xf32, #tpu.memory_space<vmem>>, vector<1x16xf32>,
        %get3A_332 = arith.index_cast %scan3A_95 : i32 to index
        %get3A_333 = arith.constant 272 : index
        %get3A_334 = tpu.vector_load %arg6[%get3A_332, %get3A_333] {strides = array<i32>} : memref<18x768xf32, #tpu.memory_space<vmem>>, vector<1x16xf32>,
        %get3A_335 = vector.shape_cast %get3A_334 : vector<1x16xf32> to vector<16xf32>
        %get3A_336 = arith.index_cast %scan3A_95 : i32 to index
        %get3A_337 = arith.constant 272 : index
        %get3A_338 = tpu.vector_load %arg5[%get3A_336, %get3A_337] {strides = array<i32>} : memref<18x768xf32, #tpu.memory_space<vmem>>, vector<1x16xf32>,
        %get3A_339 = vector.shape_cast %get3A_338 : vector<1x16xf32> to vector<16xf32>
        %add3A_340 = arith.addf %get3A_335, %get3A_339 : vector<16xf32>
        %swap3A_341 = arith.index_cast %scan3A_95 : i32 to index
        %swap3A_342 = arith.constant 272 : index
        %swap3A_343 = tpu.vector_load %arg8[%swap3A_341, %swap3A_342] {strides = array<i32>} : memref<18x768xf32, #tpu.memory_space<vmem>>, vector<1x16xf32>,
        %swap3A_344 = vector.shape_cast %swap3A_343 : vector<1x16xf32> to vector<16xf32>
        %swap3A_345 = vector.shape_cast %add3A_340 : vector<16xf32> to vector<1x16xf32>
        tpu.vector_store %arg8[%swap3A_341, %swap3A_342], %swap3A_345 {strides = array<i32>} : memref<18x768xf32, #tpu.memory_space<vmem>>, vector<1x16xf32>,
        %get3A_346 = arith.index_cast %scan3A_95 : i32 to index
        %get3A_347 = arith.constant 288 : index
        %get3A_348 = tpu.vector_load %arg6[%get3A_346, %get3A_347] {strides = array<i32>} : memref<18x768xf32, #tpu.memory_space<vmem>>, vector<1x16xf32>,
        %get3A_349 = vector.shape_cast %get3A_348 : vector<1x16xf32> to vector<16xf32>
        %get3A_350 = arith.index_cast %scan3A_95 : i32 to index
        %get3A_351 = arith.constant 288 : index
        %get3A_352 = tpu.vector_load %arg5[%get3A_350, %get3A_351] {strides = array<i32>} : memref<18x768xf32, #tpu.memory_space<vmem>>, vector<1x16xf32>,
        %get3A_353 = vector.shape_cast %get3A_352 : vector<1x16xf32> to vector<16xf32>
        %add3A_354 = arith.addf %get3A_349, %get3A_353 : vector<16xf32>
        %swap3A_355 = arith.index_cast %scan3A_95 : i32 to index
        %swap3A_356 = arith.constant 288 : index
        %swap3A_357 = tpu.vector_load %arg8[%swap3A_355, %swap3A_356] {strides = array<i32>} : memref<18x768xf32, #tpu.memory_space<vmem>>, vector<1x16xf32>,
        %swap3A_358 = vector.shape_cast %swap3A_357 : vector<1x16xf32> to vector<16xf32>
        %swap3A_359 = vector.shape_cast %add3A_354 : vector<16xf32> to vector<1x16xf32>
        tpu.vector_store %arg8[%swap3A_355, %swap3A_356], %swap3A_359 {strides = array<i32>} : memref<18x768xf32, #tpu.memory_space<vmem>>, vector<1x16xf32>,
        %get3A_360 = arith.index_cast %scan3A_95 : i32 to index
        %get3A_361 = arith.constant 304 : index
        %get3A_362 = tpu.vector_load %arg6[%get3A_360, %get3A_361] {strides = array<i32>} : memref<18x768xf32, #tpu.memory_space<vmem>>, vector<1x16xf32>,
        %get3A_363 = vector.shape_cast %get3A_362 : vector<1x16xf32> to vector<16xf32>
        %get3A_364 = arith.index_cast %scan3A_95 : i32 to index
        %get3A_365 = arith.constant 304 : index
        %get3A_366 = tpu.vector_load %arg5[%get3A_364, %get3A_365] {strides = array<i32>} : memref<18x768xf32, #tpu.memory_space<vmem>>, vector<1x16xf32>,
        %get3A_367 = vector.shape_cast %get3A_366 : vector<1x16xf32> to vector<16xf32>
        %add3A_368 = arith.addf %get3A_363, %get3A_367 : vector<16xf32>
        %swap3A_369 = arith.index_cast %scan3A_95 : i32 to index
        %swap3A_370 = arith.constant 304 : index
        %swap3A_371 = tpu.vector_load %arg8[%swap3A_369, %swap3A_370] {strides = array<i32>} : memref<18x768xf32, #tpu.memory_space<vmem>>, vector<1x16xf32>,
        %swap3A_372 = vector.shape_cast %swap3A_371 : vector<1x16xf32> to vector<16xf32>
        %swap3A_373 = vector.shape_cast %add3A_368 : vector<16xf32> to vector<1x16xf32>
        tpu.vector_store %arg8[%swap3A_369, %swap3A_370], %swap3A_373 {strides = array<i32>} : memref<18x768xf32, #tpu.memory_space<vmem>>, vector<1x16xf32>,
        %get3A_374 = arith.index_cast %scan3A_95 : i32 to index
        %get3A_375 = arith.constant 320 : index
        %get3A_376 = tpu.vector_load %arg6[%get3A_374, %get3A_375] {strides = array<i32>} : memref<18x768xf32, #tpu.memory_space<vmem>>, vector<1x16xf32>,
        %get3A_377 = vector.shape_cast %get3A_376 : vector<1x16xf32> to vector<16xf32>
        %get3A_378 = arith.index_cast %scan3A_95 : i32 to index
        %get3A_379 = arith.constant 320 : index
        %get3A_380 = tpu.vector_load %arg5[%get3A_378, %get3A_379] {strides = array<i32>} : memref<18x768xf32, #tpu.memory_space<vmem>>, vector<1x16xf32>,
        %get3A_381 = vector.shape_cast %get3A_380 : vector<1x16xf32> to vector<16xf32>
        %add3A_382 = arith.addf %get3A_377, %get3A_381 : vector<16xf32>
        %swap3A_383 = arith.index_cast %scan3A_95 : i32 to index
        %swap3A_384 = arith.constant 320 : index
        %swap3A_385 = tpu.vector_load %arg8[%swap3A_383, %swap3A_384] {strides = array<i32>} : memref<18x768xf32, #tpu.memory_space<vmem>>, vector<1x16xf32>,
        %swap3A_386 = vector.shape_cast %swap3A_385 : vector<1x16xf32> to vector<16xf32>
        %swap3A_387 = vector.shape_cast %add3A_382 : vector<16xf32> to vector<1x16xf32>
        tpu.vector_store %arg8[%swap3A_383, %swap3A_384], %swap3A_387 {strides = array<i32>} : memref<18x768xf32, #tpu.memory_space<vmem>>, vector<1x16xf32>,
        %get3A_388 = arith.index_cast %scan3A_95 : i32 to index
        %get3A_389 = arith.constant 336 : index
        %get3A_390 = tpu.vector_load %arg6[%get3A_388, %get3A_389] {strides = array<i32>} : memref<18x768xf32, #tpu.memory_space<vmem>>, vector<1x16xf32>,
        %get3A_391 = vector.shape_cast %get3A_390 : vector<1x16xf32> to vector<16xf32>
        %get3A_392 = arith.index_cast %scan3A_95 : i32 to index
        %get3A_393 = arith.constant 336 : index
        %get3A_394 = tpu.vector_load %arg5[%get3A_392, %get3A_393] {strides = array<i32>} : memref<18x768xf32, #tpu.memory_space<vmem>>, vector<1x16xf32>,
        %get3A_395 = vector.shape_cast %get3A_394 : vector<1x16xf32> to vector<16xf32>
        %add3A_396 = arith.addf %get3A_391, %get3A_395 : vector<16xf32>
        %swap3A_397 = arith.index_cast %scan3A_95 : i32 to index
        %swap3A_398 = arith.constant 336 : index
        %swap3A_399 = tpu.vector_load %arg8[%swap3A_397, %swap3A_398] {strides = array<i32>} : memref<18x768xf32, #tpu.memory_space<vmem>>, vector<1x16xf32>,
        %swap3A_400 = vector.shape_cast %swap3A_399 : vector<1x16xf32> to vector<16xf32>
        %swap3A_401 = vector.shape_cast %add3A_396 : vector<16xf32> to vector<1x16xf32>
        tpu.vector_store %arg8[%swap3A_397, %swap3A_398], %swap3A_401 {strides = array<i32>} : memref<18x768xf32, #tpu.memory_space<vmem>>, vector<1x16xf32>,
        %get3A_402 = arith.index_cast %scan3A_95 : i32 to index
        %get3A_403 = arith.constant 352 : index
        %get3A_404 = tpu.vector_load %arg6[%get3A_402, %get3A_403] {strides = array<i32>} : memref<18x768xf32, #tpu.memory_space<vmem>>, vector<1x16xf32>,
        %get3A_405 = vector.shape_cast %get3A_404 : vector<1x16xf32> to vector<16xf32>
        %get3A_406 = arith.index_cast %scan3A_95 : i32 to index
        %get3A_407 = arith.constant 352 : index
        %get3A_408 = tpu.vector_load %arg5[%get3A_406, %get3A_407] {strides = array<i32>} : memref<18x768xf32, #tpu.memory_space<vmem>>, vector<1x16xf32>,
        %get3A_409 = vector.shape_cast %get3A_408 : vector<1x16xf32> to vector<16xf32>
        %add3A_410 = arith.addf %get3A_405, %get3A_409 : vector<16xf32>
        %swap3A_411 = arith.index_cast %scan3A_95 : i32 to index
        %swap3A_412 = arith.constant 352 : index
        %swap3A_413 = tpu.vector_load %arg8[%swap3A_411, %swap3A_412] {strides = array<i32>} : memref<18x768xf32, #tpu.memory_space<vmem>>, vector<1x16xf32>,
        %swap3A_414 = vector.shape_cast %swap3A_413 : vector<1x16xf32> to vector<16xf32>
        %swap3A_415 = vector.shape_cast %add3A_410 : vector<16xf32> to vector<1x16xf32>
        tpu.vector_store %arg8[%swap3A_411, %swap3A_412], %swap3A_415 {strides = array<i32>} : memref<18x768xf32, #tpu.memory_space<vmem>>, vector<1x16xf32>,
        %get3A_416 = arith.index_cast %scan3A_95 : i32 to index
        %get3A_417 = arith.constant 368 : index
        %get3A_418 = tpu.vector_load %arg6[%get3A_416, %get3A_417] {strides = array<i32>} : memref<18x768xf32, #tpu.memory_space<vmem>>, vector<1x16xf32>,
        %get3A_419 = vector.shape_cast %get3A_418 : vector<1x16xf32> to vector<16xf32>
        %get3A_420 = arith.index_cast %scan3A_95 : i32 to index
        %get3A_421 = arith.constant 368 : index
        %get3A_422 = tpu.vector_load %arg5[%get3A_420, %get3A_421] {strides = array<i32>} : memref<18x768xf32, #tpu.memory_space<vmem>>, vector<1x16xf32>,
        %get3A_423 = vector.shape_cast %get3A_422 : vector<1x16xf32> to vector<16xf32>
        %add3A_424 = arith.addf %get3A_419, %get3A_423 : vector<16xf32>
        %swap3A_425 = arith.index_cast %scan3A_95 : i32 to index
        %swap3A_426 = arith.constant 368 : index
        %swap3A_427 = tpu.vector_load %arg8[%swap3A_425, %swap3A_426] {strides = array<i32>} : memref<18x768xf32, #tpu.memory_space<vmem>>, vector<1x16xf32>,
        %swap3A_428 = vector.shape_cast %swap3A_427 : vector<1x16xf32> to vector<16xf32>
        %swap3A_429 = vector.shape_cast %add3A_424 : vector<16xf32> to vector<1x16xf32>
        tpu.vector_store %arg8[%swap3A_425, %swap3A_426], %swap3A_429 {strides = array<i32>} : memref<18x768xf32, #tpu.memory_space<vmem>>, vector<1x16xf32>,
        %get3A_430 = arith.index_cast %scan3A_95 : i32 to index
        %get3A_431 = arith.constant 384 : index
        %get3A_432 = tpu.vector_load %arg6[%get3A_430, %get3A_431] {strides = array<i32>} : memref<18x768xf32, #tpu.memory_space<vmem>>, vector<1x16xf32>,
        %get3A_433 = vector.shape_cast %get3A_432 : vector<1x16xf32> to vector<16xf32>
        %get3A_434 = arith.index_cast %scan3A_95 : i32 to index
        %get3A_435 = arith.constant 384 : index
        %get3A_436 = tpu.vector_load %arg5[%get3A_434, %get3A_435] {strides = array<i32>} : memref<18x768xf32, #tpu.memory_space<vmem>>, vector<1x16xf32>,
        %get3A_437 = vector.shape_cast %get3A_436 : vector<1x16xf32> to vector<16xf32>
        %add3A_438 = arith.addf %get3A_433, %get3A_437 : vector<16xf32>
        %swap3A_439 = arith.index_cast %scan3A_95 : i32 to index
        %swap3A_440 = arith.constant 384 : index
        %swap3A_441 = tpu.vector_load %arg8[%swap3A_439, %swap3A_440] {strides = array<i32>} : memref<18x768xf32, #tpu.memory_space<vmem>>, vector<1x16xf32>,
        %swap3A_442 = vector.shape_cast %swap3A_441 : vector<1x16xf32> to vector<16xf32>
        %swap3A_443 = vector.shape_cast %add3A_438 : vector<16xf32> to vector<1x16xf32>
        tpu.vector_store %arg8[%swap3A_439, %swap3A_440], %swap3A_443 {strides = array<i32>} : memref<18x768xf32, #tpu.memory_space<vmem>>, vector<1x16xf32>,
        %get3A_444 = arith.index_cast %scan3A_95 : i32 to index
        %get3A_445 = arith.constant 400 : index
        %get3A_446 = tpu.vector_load %arg6[%get3A_444, %get3A_445] {strides = array<i32>} : memref<18x768xf32, #tpu.memory_space<vmem>>, vector<1x16xf32>,
        %get3A_447 = vector.shape_cast %get3A_446 : vector<1x16xf32> to vector<16xf32>
        %get3A_448 = arith.index_cast %scan3A_95 : i32 to index
        %get3A_449 = arith.constant 400 : index
        %get3A_450 = tpu.vector_load %arg5[%get3A_448, %get3A_449] {strides = array<i32>} : memref<18x768xf32, #tpu.memory_space<vmem>>, vector<1x16xf32>,
        %get3A_451 = vector.shape_cast %get3A_450 : vector<1x16xf32> to vector<16xf32>
        %add3A_452 = arith.addf %get3A_447, %get3A_451 : vector<16xf32>
        %swap3A_453 = arith.index_cast %scan3A_95 : i32 to index
        %swap3A_454 = arith.constant 400 : index
        %swap3A_455 = tpu.vector_load %arg8[%swap3A_453, %swap3A_454] {strides = array<i32>} : memref<18x768xf32, #tpu.memory_space<vmem>>, vector<1x16xf32>,
        %swap3A_456 = vector.shape_cast %swap3A_455 : vector<1x16xf32> to vector<16xf32>
        %swap3A_457 = vector.shape_cast %add3A_452 : vector<16xf32> to vector<1x16xf32>
        tpu.vector_store %arg8[%swap3A_453, %swap3A_454], %swap3A_457 {strides = array<i32>} : memref<18x768xf32, #tpu.memory_space<vmem>>, vector<1x16xf32>,
        %get3A_458 = arith.index_cast %scan3A_95 : i32 to index
        %get3A_459 = arith.constant 416 : index
        %get3A_460 = tpu.vector_load %arg6[%get3A_458, %get3A_459] {strides = array<i32>} : memref<18x768xf32, #tpu.memory_space<vmem>>, vector<1x16xf32>,
        %get3A_461 = vector.shape_cast %get3A_460 : vector<1x16xf32> to vector<16xf32>
        %get3A_462 = arith.index_cast %scan3A_95 : i32 to index
        %get3A_463 = arith.constant 416 : index
        %get3A_464 = tpu.vector_load %arg5[%get3A_462, %get3A_463] {strides = array<i32>} : memref<18x768xf32, #tpu.memory_space<vmem>>, vector<1x16xf32>,
        %get3A_465 = vector.shape_cast %get3A_464 : vector<1x16xf32> to vector<16xf32>
        %add3A_466 = arith.addf %get3A_461, %get3A_465 : vector<16xf32>
        %swap3A_467 = arith.index_cast %scan3A_95 : i32 to index
        %swap3A_468 = arith.constant 416 : index
        %swap3A_469 = tpu.vector_load %arg8[%swap3A_467, %swap3A_468] {strides = array<i32>} : memref<18x768xf32, #tpu.memory_space<vmem>>, vector<1x16xf32>,
        %swap3A_470 = vector.shape_cast %swap3A_469 : vector<1x16xf32> to vector<16xf32>
        %swap3A_471 = vector.shape_cast %add3A_466 : vector<16xf32> to vector<1x16xf32>
        tpu.vector_store %arg8[%swap3A_467, %swap3A_468], %swap3A_471 {strides = array<i32>} : memref<18x768xf32, #tpu.memory_space<vmem>>, vector<1x16xf32>,
        %get3A_472 = arith.index_cast %scan3A_95 : i32 to index
        %get3A_473 = arith.constant 432 : index
        %get3A_474 = tpu.vector_load %arg6[%get3A_472, %get3A_473] {strides = array<i32>} : memref<18x768xf32, #tpu.memory_space<vmem>>, vector<1x16xf32>,
        %get3A_475 = vector.shape_cast %get3A_474 : vector<1x16xf32> to vector<16xf32>
        %get3A_476 = arith.index_cast %scan3A_95 : i32 to index
        %get3A_477 = arith.constant 432 : index
        %get3A_478 = tpu.vector_load %arg5[%get3A_476, %get3A_477] {strides = array<i32>} : memref<18x768xf32, #tpu.memory_space<vmem>>, vector<1x16xf32>,
        %get3A_479 = vector.shape_cast %get3A_478 : vector<1x16xf32> to vector<16xf32>
        %add3A_480 = arith.addf %get3A_475, %get3A_479 : vector<16xf32>
        %swap3A_481 = arith.index_cast %scan3A_95 : i32 to index
        %swap3A_482 = arith.constant 432 : index
        %swap3A_483 = tpu.vector_load %arg8[%swap3A_481, %swap3A_482] {strides = array<i32>} : memref<18x768xf32, #tpu.memory_space<vmem>>, vector<1x16xf32>,
        %swap3A_484 = vector.shape_cast %swap3A_483 : vector<1x16xf32> to vector<16xf32>
        %swap3A_485 = vector.shape_cast %add3A_480 : vector<16xf32> to vector<1x16xf32>
        tpu.vector_store %arg8[%swap3A_481, %swap3A_482], %swap3A_485 {strides = array<i32>} : memref<18x768xf32, #tpu.memory_space<vmem>>, vector<1x16xf32>,
        %get3A_486 = arith.index_cast %scan3A_95 : i32 to index
        %get3A_487 = arith.constant 448 : index
        %get3A_488 = tpu.vector_load %arg6[%get3A_486, %get3A_487] {strides = array<i32>} : memref<18x768xf32, #tpu.memory_space<vmem>>, vector<1x16xf32>,
        %get3A_489 = vector.shape_cast %get3A_488 : vector<1x16xf32> to vector<16xf32>
        %get3A_490 = arith.index_cast %scan3A_95 : i32 to index
        %get3A_491 = arith.constant 448 : index
        %get3A_492 = tpu.vector_load %arg5[%get3A_490, %get3A_491] {strides = array<i32>} : memref<18x768xf32, #tpu.memory_space<vmem>>, vector<1x16xf32>,
        %get3A_493 = vector.shape_cast %get3A_492 : vector<1x16xf32> to vector<16xf32>
        %add3A_494 = arith.addf %get3A_489, %get3A_493 : vector<16xf32>
        %swap3A_495 = arith.index_cast %scan3A_95 : i32 to index
        %swap3A_496 = arith.constant 448 : index
        %swap3A_497 = tpu.vector_load %arg8[%swap3A_495, %swap3A_496] {strides = array<i32>} : memref<18x768xf32, #tpu.memory_space<vmem>>, vector<1x16xf32>,
        %swap3A_498 = vector.shape_cast %swap3A_497 : vector<1x16xf32> to vector<16xf32>
        %swap3A_499 = vector.shape_cast %add3A_494 : vector<16xf32> to vector<1x16xf32>
        tpu.vector_store %arg8[%swap3A_495, %swap3A_496], %swap3A_499 {strides = array<i32>} : memref<18x768xf32, #tpu.memory_space<vmem>>, vector<1x16xf32>,
        %get3A_500 = arith.index_cast %scan3A_95 : i32 to index
        %get3A_501 = arith.constant 464 : index
        %get3A_502 = tpu.vector_load %arg6[%get3A_500, %get3A_501] {strides = array<i32>} : memref<18x768xf32, #tpu.memory_space<vmem>>, vector<1x16xf32>,
        %get3A_503 = vector.shape_cast %get3A_502 : vector<1x16xf32> to vector<16xf32>
        %get3A_504 = arith.index_cast %scan3A_95 : i32 to index
        %get3A_505 = arith.constant 464 : index
        %get3A_506 = tpu.vector_load %arg5[%get3A_504, %get3A_505] {strides = array<i32>} : memref<18x768xf32, #tpu.memory_space<vmem>>, vector<1x16xf32>,
        %get3A_507 = vector.shape_cast %get3A_506 : vector<1x16xf32> to vector<16xf32>
        %add3A_508 = arith.addf %get3A_503, %get3A_507 : vector<16xf32>
        %swap3A_509 = arith.index_cast %scan3A_95 : i32 to index
        %swap3A_510 = arith.constant 464 : index
        %swap3A_511 = tpu.vector_load %arg8[%swap3A_509, %swap3A_510] {strides = array<i32>} : memref<18x768xf32, #tpu.memory_space<vmem>>, vector<1x16xf32>,
        %swap3A_512 = vector.shape_cast %swap3A_511 : vector<1x16xf32> to vector<16xf32>
        %swap3A_513 = vector.shape_cast %add3A_508 : vector<16xf32> to vector<1x16xf32>
        tpu.vector_store %arg8[%swap3A_509, %swap3A_510], %swap3A_513 {strides = array<i32>} : memref<18x768xf32, #tpu.memory_space<vmem>>, vector<1x16xf32>,
        %get3A_514 = arith.index_cast %scan3A_95 : i32 to index
        %get3A_515 = arith.constant 480 : index
        %get3A_516 = tpu.vector_load %arg6[%get3A_514, %get3A_515] {strides = array<i32>} : memref<18x768xf32, #tpu.memory_space<vmem>>, vector<1x16xf32>,
        %get3A_517 = vector.shape_cast %get3A_516 : vector<1x16xf32> to vector<16xf32>
        %get3A_518 = arith.index_cast %scan3A_95 : i32 to index
        %get3A_519 = arith.constant 480 : index
        %get3A_520 = tpu.vector_load %arg5[%get3A_518, %get3A_519] {strides = array<i32>} : memref<18x768xf32, #tpu.memory_space<vmem>>, vector<1x16xf32>,
        %get3A_521 = vector.shape_cast %get3A_520 : vector<1x16xf32> to vector<16xf32>
        %add3A_522 = arith.addf %get3A_517, %get3A_521 : vector<16xf32>
        %swap3A_523 = arith.index_cast %scan3A_95 : i32 to index
        %swap3A_524 = arith.constant 480 : index
        %swap3A_525 = tpu.vector_load %arg8[%swap3A_523, %swap3A_524] {strides = array<i32>} : memref<18x768xf32, #tpu.memory_space<vmem>>, vector<1x16xf32>,
        %swap3A_526 = vector.shape_cast %swap3A_525 : vector<1x16xf32> to vector<16xf32>
        %swap3A_527 = vector.shape_cast %add3A_522 : vector<16xf32> to vector<1x16xf32>
        tpu.vector_store %arg8[%swap3A_523, %swap3A_524], %swap3A_527 {strides = array<i32>} : memref<18x768xf32, #tpu.memory_space<vmem>>, vector<1x16xf32>,
        %get3A_528 = arith.index_cast %scan3A_95 : i32 to index
        %get3A_529 = arith.constant 496 : index
        %get3A_530 = tpu.vector_load %arg6[%get3A_528, %get3A_529] {strides = array<i32>} : memref<18x768xf32, #tpu.memory_space<vmem>>, vector<1x16xf32>,
        %get3A_531 = vector.shape_cast %get3A_530 : vector<1x16xf32> to vector<16xf32>
        %get3A_532 = arith.index_cast %scan3A_95 : i32 to index
        %get3A_533 = arith.constant 496 : index
        %get3A_534 = tpu.vector_load %arg5[%get3A_532, %get3A_533] {strides = array<i32>} : memref<18x768xf32, #tpu.memory_space<vmem>>, vector<1x16xf32>,
        %get3A_535 = vector.shape_cast %get3A_534 : vector<1x16xf32> to vector<16xf32>
        %add3A_536 = arith.addf %get3A_531, %get3A_535 : vector<16xf32>
        %swap3A_537 = arith.index_cast %scan3A_95 : i32 to index
        %swap3A_538 = arith.constant 496 : index
        %swap3A_539 = tpu.vector_load %arg8[%swap3A_537, %swap3A_538] {strides = array<i32>} : memref<18x768xf32, #tpu.memory_space<vmem>>, vector<1x16xf32>,
        %swap3A_540 = vector.shape_cast %swap3A_539 : vector<1x16xf32> to vector<16xf32>
        %swap3A_541 = vector.shape_cast %add3A_536 : vector<16xf32> to vector<1x16xf32>
        tpu.vector_store %arg8[%swap3A_537, %swap3A_538], %swap3A_541 {strides = array<i32>} : memref<18x768xf32, #tpu.memory_space<vmem>>, vector<1x16xf32>,
        %get3A_542 = arith.index_cast %scan3A_95 : i32 to index
        %get3A_543 = arith.constant 512 : index
        %get3A_544 = tpu.vector_load %arg6[%get3A_542, %get3A_543] {strides = array<i32>} : memref<18x768xf32, #tpu.memory_space<vmem>>, vector<1x16xf32>,
        %get3A_545 = vector.shape_cast %get3A_544 : vector<1x16xf32> to vector<16xf32>
        %get3A_546 = arith.index_cast %scan3A_95 : i32 to index
        %get3A_547 = arith.constant 512 : index
        %get3A_548 = tpu.vector_load %arg5[%get3A_546, %get3A_547] {strides = array<i32>} : memref<18x768xf32, #tpu.memory_space<vmem>>, vector<1x16xf32>,
        %get3A_549 = vector.shape_cast %get3A_548 : vector<1x16xf32> to vector<16xf32>
        %add3A_550 = arith.addf %get3A_545, %get3A_549 : vector<16xf32>
        %swap3A_551 = arith.index_cast %scan3A_95 : i32 to index
        %swap3A_552 = arith.constant 512 : index
        %swap3A_553 = tpu.vector_load %arg8[%swap3A_551, %swap3A_552] {strides = array<i32>} : memref<18x768xf32, #tpu.memory_space<vmem>>, vector<1x16xf32>,
        %swap3A_554 = vector.shape_cast %swap3A_553 : vector<1x16xf32> to vector<16xf32>
        %swap3A_555 = vector.shape_cast %add3A_550 : vector<16xf32> to vector<1x16xf32>
        tpu.vector_store %arg8[%swap3A_551, %swap3A_552], %swap3A_555 {strides = array<i32>} : memref<18x768xf32, #tpu.memory_space<vmem>>, vector<1x16xf32>,
        %get3A_556 = arith.index_cast %scan3A_95 : i32 to index
        %get3A_557 = arith.constant 528 : index
        %get3A_558 = tpu.vector_load %arg6[%get3A_556, %get3A_557] {strides = array<i32>} : memref<18x768xf32, #tpu.memory_space<vmem>>, vector<1x16xf32>,
        %get3A_559 = vector.shape_cast %get3A_558 : vector<1x16xf32> to vector<16xf32>
        %get3A_560 = arith.index_cast %scan3A_95 : i32 to index
        %get3A_561 = arith.constant 528 : index
        %get3A_562 = tpu.vector_load %arg5[%get3A_560, %get3A_561] {strides = array<i32>} : memref<18x768xf32, #tpu.memory_space<vmem>>, vector<1x16xf32>,
        %get3A_563 = vector.shape_cast %get3A_562 : vector<1x16xf32> to vector<16xf32>
        %add3A_564 = arith.addf %get3A_559, %get3A_563 : vector<16xf32>
        %swap3A_565 = arith.index_cast %scan3A_95 : i32 to index
        %swap3A_566 = arith.constant 528 : index
        %swap3A_567 = tpu.vector_load %arg8[%swap3A_565, %swap3A_566] {strides = array<i32>} : memref<18x768xf32, #tpu.memory_space<vmem>>, vector<1x16xf32>,
        %swap3A_568 = vector.shape_cast %swap3A_567 : vector<1x16xf32> to vector<16xf32>
        %swap3A_569 = vector.shape_cast %add3A_564 : vector<16xf32> to vector<1x16xf32>
        tpu.vector_store %arg8[%swap3A_565, %swap3A_566], %swap3A_569 {strides = array<i32>} : memref<18x768xf32, #tpu.memory_space<vmem>>, vector<1x16xf32>,
        %get3A_570 = arith.index_cast %scan3A_95 : i32 to index
        %get3A_571 = arith.constant 544 : index
        %get3A_572 = tpu.vector_load %arg6[%get3A_570, %get3A_571] {strides = array<i32>} : memref<18x768xf32, #tpu.memory_space<vmem>>, vector<1x16xf32>,
        %get3A_573 = vector.shape_cast %get3A_572 : vector<1x16xf32> to vector<16xf32>
        %get3A_574 = arith.index_cast %scan3A_95 : i32 to index
        %get3A_575 = arith.constant 544 : index
        %get3A_576 = tpu.vector_load %arg5[%get3A_574, %get3A_575] {strides = array<i32>} : memref<18x768xf32, #tpu.memory_space<vmem>>, vector<1x16xf32>,
        %get3A_577 = vector.shape_cast %get3A_576 : vector<1x16xf32> to vector<16xf32>
        %add3A_578 = arith.addf %get3A_573, %get3A_577 : vector<16xf32>
        %swap3A_579 = arith.index_cast %scan3A_95 : i32 to index
        %swap3A_580 = arith.constant 544 : index
        %swap3A_581 = tpu.vector_load %arg8[%swap3A_579, %swap3A_580] {strides = array<i32>} : memref<18x768xf32, #tpu.memory_space<vmem>>, vector<1x16xf32>,
        %swap3A_582 = vector.shape_cast %swap3A_581 : vector<1x16xf32> to vector<16xf32>
        %swap3A_583 = vector.shape_cast %add3A_578 : vector<16xf32> to vector<1x16xf32>
        tpu.vector_store %arg8[%swap3A_579, %swap3A_580], %swap3A_583 {strides = array<i32>} : memref<18x768xf32, #tpu.memory_space<vmem>>, vector<1x16xf32>,
        %get3A_584 = arith.index_cast %scan3A_95 : i32 to index
        %get3A_585 = arith.constant 560 : index
        %get3A_586 = tpu.vector_load %arg6[%get3A_584, %get3A_585] {strides = array<i32>} : memref<18x768xf32, #tpu.memory_space<vmem>>, vector<1x16xf32>,
        %get3A_587 = vector.shape_cast %get3A_586 : vector<1x16xf32> to vector<16xf32>
        %get3A_588 = arith.index_cast %scan3A_95 : i32 to index
        %get3A_589 = arith.constant 560 : index
        %get3A_590 = tpu.vector_load %arg5[%get3A_588, %get3A_589] {strides = array<i32>} : memref<18x768xf32, #tpu.memory_space<vmem>>, vector<1x16xf32>,
        %get3A_591 = vector.shape_cast %get3A_590 : vector<1x16xf32> to vector<16xf32>
        %add3A_592 = arith.addf %get3A_587, %get3A_591 : vector<16xf32>
        %swap3A_593 = arith.index_cast %scan3A_95 : i32 to index
        %swap3A_594 = arith.constant 560 : index
        %swap3A_595 = tpu.vector_load %arg8[%swap3A_593, %swap3A_594] {strides = array<i32>} : memref<18x768xf32, #tpu.memory_space<vmem>>, vector<1x16xf32>,
        %swap3A_596 = vector.shape_cast %swap3A_595 : vector<1x16xf32> to vector<16xf32>
        %swap3A_597 = vector.shape_cast %add3A_592 : vector<16xf32> to vector<1x16xf32>
        tpu.vector_store %arg8[%swap3A_593, %swap3A_594], %swap3A_597 {strides = array<i32>} : memref<18x768xf32, #tpu.memory_space<vmem>>, vector<1x16xf32>,
        %get3A_598 = arith.index_cast %scan3A_95 : i32 to index
        %get3A_599 = arith.constant 576 : index
        %get3A_600 = tpu.vector_load %arg6[%get3A_598, %get3A_599] {strides = array<i32>} : memref<18x768xf32, #tpu.memory_space<vmem>>, vector<1x16xf32>,
        %get3A_601 = vector.shape_cast %get3A_600 : vector<1x16xf32> to vector<16xf32>
        %get3A_602 = arith.index_cast %scan3A_95 : i32 to index
        %get3A_603 = arith.constant 576 : index
        %get3A_604 = tpu.vector_load %arg5[%get3A_602, %get3A_603] {strides = array<i32>} : memref<18x768xf32, #tpu.memory_space<vmem>>, vector<1x16xf32>,
        %get3A_605 = vector.shape_cast %get3A_604 : vector<1x16xf32> to vector<16xf32>
        %add3A_606 = arith.addf %get3A_601, %get3A_605 : vector<16xf32>
        %swap3A_607 = arith.index_cast %scan3A_95 : i32 to index
        %swap3A_608 = arith.constant 576 : index
        %swap3A_609 = tpu.vector_load %arg8[%swap3A_607, %swap3A_608] {strides = array<i32>} : memref<18x768xf32, #tpu.memory_space<vmem>>, vector<1x16xf32>,
        %swap3A_610 = vector.shape_cast %swap3A_609 : vector<1x16xf32> to vector<16xf32>
        %swap3A_611 = vector.shape_cast %add3A_606 : vector<16xf32> to vector<1x16xf32>
        tpu.vector_store %arg8[%swap3A_607, %swap3A_608], %swap3A_611 {strides = array<i32>} : memref<18x768xf32, #tpu.memory_space<vmem>>, vector<1x16xf32>,
        %get3A_612 = arith.index_cast %scan3A_95 : i32 to index
        %get3A_613 = arith.constant 592 : index
        %get3A_614 = tpu.vector_load %arg6[%get3A_612, %get3A_613] {strides = array<i32>} : memref<18x768xf32, #tpu.memory_space<vmem>>, vector<1x16xf32>,
        %get3A_615 = vector.shape_cast %get3A_614 : vector<1x16xf32> to vector<16xf32>
        %get3A_616 = arith.index_cast %scan3A_95 : i32 to index
        %get3A_617 = arith.constant 592 : index
        %get3A_618 = tpu.vector_load %arg5[%get3A_616, %get3A_617] {strides = array<i32>} : memref<18x768xf32, #tpu.memory_space<vmem>>, vector<1x16xf32>,
        %get3A_619 = vector.shape_cast %get3A_618 : vector<1x16xf32> to vector<16xf32>
        %add3A_620 = arith.addf %get3A_615, %get3A_619 : vector<16xf32>
        %swap3A_621 = arith.index_cast %scan3A_95 : i32 to index
        %swap3A_622 = arith.constant 592 : index
        %swap3A_623 = tpu.vector_load %arg8[%swap3A_621, %swap3A_622] {strides = array<i32>} : memref<18x768xf32, #tpu.memory_space<vmem>>, vector<1x16xf32>,
        %swap3A_624 = vector.shape_cast %swap3A_623 : vector<1x16xf32> to vector<16xf32>
        %swap3A_625 = vector.shape_cast %add3A_620 : vector<16xf32> to vector<1x16xf32>
        tpu.vector_store %arg8[%swap3A_621, %swap3A_622], %swap3A_625 {strides = array<i32>} : memref<18x768xf32, #tpu.memory_space<vmem>>, vector<1x16xf32>,
        %get3A_626 = arith.index_cast %scan3A_95 : i32 to index
        %get3A_627 = arith.constant 608 : index
        %get3A_628 = tpu.vector_load %arg6[%get3A_626, %get3A_627] {strides = array<i32>} : memref<18x768xf32, #tpu.memory_space<vmem>>, vector<1x16xf32>,
        %get3A_629 = vector.shape_cast %get3A_628 : vector<1x16xf32> to vector<16xf32>
        %get3A_630 = arith.index_cast %scan3A_95 : i32 to index
        %get3A_631 = arith.constant 608 : index
        %get3A_632 = tpu.vector_load %arg5[%get3A_630, %get3A_631] {strides = array<i32>} : memref<18x768xf32, #tpu.memory_space<vmem>>, vector<1x16xf32>,
        %get3A_633 = vector.shape_cast %get3A_632 : vector<1x16xf32> to vector<16xf32>
        %add3A_634 = arith.addf %get3A_629, %get3A_633 : vector<16xf32>
        %swap3A_635 = arith.index_cast %scan3A_95 : i32 to index
        %swap3A_636 = arith.constant 608 : index
        %swap3A_637 = tpu.vector_load %arg8[%swap3A_635, %swap3A_636] {strides = array<i32>} : memref<18x768xf32, #tpu.memory_space<vmem>>, vector<1x16xf32>,
        %swap3A_638 = vector.shape_cast %swap3A_637 : vector<1x16xf32> to vector<16xf32>
        %swap3A_639 = vector.shape_cast %add3A_634 : vector<16xf32> to vector<1x16xf32>
        tpu.vector_store %arg8[%swap3A_635, %swap3A_636], %swap3A_639 {strides = array<i32>} : memref<18x768xf32, #tpu.memory_space<vmem>>, vector<1x16xf32>,
        %get3A_640 = arith.index_cast %scan3A_95 : i32 to index
        %get3A_641 = arith.constant 624 : index
        %get3A_642 = tpu.vector_load %arg6[%get3A_640, %get3A_641] {strides = array<i32>} : memref<18x768xf32, #tpu.memory_space<vmem>>, vector<1x16xf32>,
        %get3A_643 = vector.shape_cast %get3A_642 : vector<1x16xf32> to vector<16xf32>
        %get3A_644 = arith.index_cast %scan3A_95 : i32 to index
        %get3A_645 = arith.constant 624 : index
        %get3A_646 = tpu.vector_load %arg5[%get3A_644, %get3A_645] {strides = array<i32>} : memref<18x768xf32, #tpu.memory_space<vmem>>, vector<1x16xf32>,
        %get3A_647 = vector.shape_cast %get3A_646 : vector<1x16xf32> to vector<16xf32>
        %add3A_648 = arith.addf %get3A_643, %get3A_647 : vector<16xf32>
        %swap3A_649 = arith.index_cast %scan3A_95 : i32 to index
        %swap3A_650 = arith.constant 624 : index
        %swap3A_651 = tpu.vector_load %arg8[%swap3A_649, %swap3A_650] {strides = array<i32>} : memref<18x768xf32, #tpu.memory_space<vmem>>, vector<1x16xf32>,
        %swap3A_652 = vector.shape_cast %swap3A_651 : vector<1x16xf32> to vector<16xf32>
        %swap3A_653 = vector.shape_cast %add3A_648 : vector<16xf32> to vector<1x16xf32>
        tpu.vector_store %arg8[%swap3A_649, %swap3A_650], %swap3A_653 {strides = array<i32>} : memref<18x768xf32, #tpu.memory_space<vmem>>, vector<1x16xf32>,
        %get3A_654 = arith.index_cast %scan3A_95 : i32 to index
        %get3A_655 = arith.constant 640 : index
        %get3A_656 = tpu.vector_load %arg6[%get3A_654, %get3A_655] {strides = array<i32>} : memref<18x768xf32, #tpu.memory_space<vmem>>, vector<1x16xf32>,
        %get3A_657 = vector.shape_cast %get3A_656 : vector<1x16xf32> to vector<16xf32>
        %get3A_658 = arith.index_cast %scan3A_95 : i32 to index
        %get3A_659 = arith.constant 640 : index
        %get3A_660 = tpu.vector_load %arg5[%get3A_658, %get3A_659] {strides = array<i32>} : memref<18x768xf32, #tpu.memory_space<vmem>>, vector<1x16xf32>,
        %get3A_661 = vector.shape_cast %get3A_660 : vector<1x16xf32> to vector<16xf32>
        %add3A_662 = arith.addf %get3A_657, %get3A_661 : vector<16xf32>
        %swap3A_663 = arith.index_cast %scan3A_95 : i32 to index
        %swap3A_664 = arith.constant 640 : index
        %swap3A_665 = tpu.vector_load %arg8[%swap3A_663, %swap3A_664] {strides = array<i32>} : memref<18x768xf32, #tpu.memory_space<vmem>>, vector<1x16xf32>,
        %swap3A_666 = vector.shape_cast %swap3A_665 : vector<1x16xf32> to vector<16xf32>
        %swap3A_667 = vector.shape_cast %add3A_662 : vector<16xf32> to vector<1x16xf32>
        tpu.vector_store %arg8[%swap3A_663, %swap3A_664], %swap3A_667 {strides = array<i32>} : memref<18x768xf32, #tpu.memory_space<vmem>>, vector<1x16xf32>,
        %get3A_668 = arith.index_cast %scan3A_95 : i32 to index
        %get3A_669 = arith.constant 656 : index
        %get3A_670 = tpu.vector_load %arg6[%get3A_668, %get3A_669] {strides = array<i32>} : memref<18x768xf32, #tpu.memory_space<vmem>>, vector<1x16xf32>,
        %get3A_671 = vector.shape_cast %get3A_670 : vector<1x16xf32> to vector<16xf32>
        %get3A_672 = arith.index_cast %scan3A_95 : i32 to index
        %get3A_673 = arith.constant 656 : index
        %get3A_674 = tpu.vector_load %arg5[%get3A_672, %get3A_673] {strides = array<i32>} : memref<18x768xf32, #tpu.memory_space<vmem>>, vector<1x16xf32>,
        %get3A_675 = vector.shape_cast %get3A_674 : vector<1x16xf32> to vector<16xf32>
        %add3A_676 = arith.addf %get3A_671, %get3A_675 : vector<16xf32>
        %swap3A_677 = arith.index_cast %scan3A_95 : i32 to index
        %swap3A_678 = arith.constant 656 : index
        %swap3A_679 = tpu.vector_load %arg8[%swap3A_677, %swap3A_678] {strides = array<i32>} : memref<18x768xf32, #tpu.memory_space<vmem>>, vector<1x16xf32>,
        %swap3A_680 = vector.shape_cast %swap3A_679 : vector<1x16xf32> to vector<16xf32>
        %swap3A_681 = vector.shape_cast %add3A_676 : vector<16xf32> to vector<1x16xf32>
        tpu.vector_store %arg8[%swap3A_677, %swap3A_678], %swap3A_681 {strides = array<i32>} : memref<18x768xf32, #tpu.memory_space<vmem>>, vector<1x16xf32>,
        %get3A_682 = arith.index_cast %scan3A_95 : i32 to index
        %get3A_683 = arith.constant 672 : index
        %get3A_684 = tpu.vector_load %arg6[%get3A_682, %get3A_683] {strides = array<i32>} : memref<18x768xf32, #tpu.memory_space<vmem>>, vector<1x16xf32>,
        %get3A_685 = vector.shape_cast %get3A_684 : vector<1x16xf32> to vector<16xf32>
        %get3A_686 = arith.index_cast %scan3A_95 : i32 to index
        %get3A_687 = arith.constant 672 : index
        %get3A_688 = tpu.vector_load %arg5[%get3A_686, %get3A_687] {strides = array<i32>} : memref<18x768xf32, #tpu.memory_space<vmem>>, vector<1x16xf32>,
        %get3A_689 = vector.shape_cast %get3A_688 : vector<1x16xf32> to vector<16xf32>
        %add3A_690 = arith.addf %get3A_685, %get3A_689 : vector<16xf32>
        %swap3A_691 = arith.index_cast %scan3A_95 : i32 to index
        %swap3A_692 = arith.constant 672 : index
        %swap3A_693 = tpu.vector_load %arg8[%swap3A_691, %swap3A_692] {strides = array<i32>} : memref<18x768xf32, #tpu.memory_space<vmem>>, vector<1x16xf32>,
        %swap3A_694 = vector.shape_cast %swap3A_693 : vector<1x16xf32> to vector<16xf32>
        %swap3A_695 = vector.shape_cast %add3A_690 : vector<16xf32> to vector<1x16xf32>
        tpu.vector_store %arg8[%swap3A_691, %swap3A_692], %swap3A_695 {strides = array<i32>} : memref<18x768xf32, #tpu.memory_space<vmem>>, vector<1x16xf32>,
        %get3A_696 = arith.index_cast %scan3A_95 : i32 to index
        %get3A_697 = arith.constant 688 : index
        %get3A_698 = tpu.vector_load %arg6[%get3A_696, %get3A_697] {strides = array<i32>} : memref<18x768xf32, #tpu.memory_space<vmem>>, vector<1x16xf32>,
        %get3A_699 = vector.shape_cast %get3A_698 : vector<1x16xf32> to vector<16xf32>
        %get3A_700 = arith.index_cast %scan3A_95 : i32 to index
        %get3A_701 = arith.constant 688 : index
        %get3A_702 = tpu.vector_load %arg5[%get3A_700, %get3A_701] {strides = array<i32>} : memref<18x768xf32, #tpu.memory_space<vmem>>, vector<1x16xf32>,
        %get3A_703 = vector.shape_cast %get3A_702 : vector<1x16xf32> to vector<16xf32>
        %add3A_704 = arith.addf %get3A_699, %get3A_703 : vector<16xf32>
        %swap3A_705 = arith.index_cast %scan3A_95 : i32 to index
        %swap3A_706 = arith.constant 688 : index
        %swap3A_707 = tpu.vector_load %arg8[%swap3A_705, %swap3A_706] {strides = array<i32>} : memref<18x768xf32, #tpu.memory_space<vmem>>, vector<1x16xf32>,
        %swap3A_708 = vector.shape_cast %swap3A_707 : vector<1x16xf32> to vector<16xf32>
        %swap3A_709 = vector.shape_cast %add3A_704 : vector<16xf32> to vector<1x16xf32>
        tpu.vector_store %arg8[%swap3A_705, %swap3A_706], %swap3A_709 {strides = array<i32>} : memref<18x768xf32, #tpu.memory_space<vmem>>, vector<1x16xf32>,
        %get3A_710 = arith.index_cast %scan3A_95 : i32 to index
        %get3A_711 = arith.constant 704 : index
        %get3A_712 = tpu.vector_load %arg6[%get3A_710, %get3A_711] {strides = array<i32>} : memref<18x768xf32, #tpu.memory_space<vmem>>, vector<1x16xf32>,
        %get3A_713 = vector.shape_cast %get3A_712 : vector<1x16xf32> to vector<16xf32>
        %get3A_714 = arith.index_cast %scan3A_95 : i32 to index
        %get3A_715 = arith.constant 704 : index
        %get3A_716 = tpu.vector_load %arg5[%get3A_714, %get3A_715] {strides = array<i32>} : memref<18x768xf32, #tpu.memory_space<vmem>>, vector<1x16xf32>,
        %get3A_717 = vector.shape_cast %get3A_716 : vector<1x16xf32> to vector<16xf32>
        %add3A_718 = arith.addf %get3A_713, %get3A_717 : vector<16xf32>
        %swap3A_719 = arith.index_cast %scan3A_95 : i32 to index
        %swap3A_720 = arith.constant 704 : index
        %swap3A_721 = tpu.vector_load %arg8[%swap3A_719, %swap3A_720] {strides = array<i32>} : memref<18x768xf32, #tpu.memory_space<vmem>>, vector<1x16xf32>,
        %swap3A_722 = vector.shape_cast %swap3A_721 : vector<1x16xf32> to vector<16xf32>
        %swap3A_723 = vector.shape_cast %add3A_718 : vector<16xf32> to vector<1x16xf32>
        tpu.vector_store %arg8[%swap3A_719, %swap3A_720], %swap3A_723 {strides = array<i32>} : memref<18x768xf32, #tpu.memory_space<vmem>>, vector<1x16xf32>,
        %get3A_724 = arith.index_cast %scan3A_95 : i32 to index
        %get3A_725 = arith.constant 720 : index
        %get3A_726 = tpu.vector_load %arg6[%get3A_724, %get3A_725] {strides = array<i32>} : memref<18x768xf32, #tpu.memory_space<vmem>>, vector<1x16xf32>,
        %get3A_727 = vector.shape_cast %get3A_726 : vector<1x16xf32> to vector<16xf32>
        %get3A_728 = arith.index_cast %scan3A_95 : i32 to index
        %get3A_729 = arith.constant 720 : index
        %get3A_730 = tpu.vector_load %arg5[%get3A_728, %get3A_729] {strides = array<i32>} : memref<18x768xf32, #tpu.memory_space<vmem>>, vector<1x16xf32>,
        %get3A_731 = vector.shape_cast %get3A_730 : vector<1x16xf32> to vector<16xf32>
        %add3A_732 = arith.addf %get3A_727, %get3A_731 : vector<16xf32>
        %swap3A_733 = arith.index_cast %scan3A_95 : i32 to index
        %swap3A_734 = arith.constant 720 : index
        %swap3A_735 = tpu.vector_load %arg8[%swap3A_733, %swap3A_734] {strides = array<i32>} : memref<18x768xf32, #tpu.memory_space<vmem>>, vector<1x16xf32>,
        %swap3A_736 = vector.shape_cast %swap3A_735 : vector<1x16xf32> to vector<16xf32>
        %swap3A_737 = vector.shape_cast %add3A_732 : vector<16xf32> to vector<1x16xf32>
        tpu.vector_store %arg8[%swap3A_733, %swap3A_734], %swap3A_737 {strides = array<i32>} : memref<18x768xf32, #tpu.memory_space<vmem>>, vector<1x16xf32>,
        %get3A_738 = arith.index_cast %scan3A_95 : i32 to index
        %get3A_739 = arith.constant 736 : index
        %get3A_740 = tpu.vector_load %arg6[%get3A_738, %get3A_739] {strides = array<i32>} : memref<18x768xf32, #tpu.memory_space<vmem>>, vector<1x16xf32>,
        %get3A_741 = vector.shape_cast %get3A_740 : vector<1x16xf32> to vector<16xf32>
        %get3A_742 = arith.index_cast %scan3A_95 : i32 to index
        %get3A_743 = arith.constant 736 : index
        %get3A_744 = tpu.vector_load %arg5[%get3A_742, %get3A_743] {strides = array<i32>} : memref<18x768xf32, #tpu.memory_space<vmem>>, vector<1x16xf32>,
        %get3A_745 = vector.shape_cast %get3A_744 : vector<1x16xf32> to vector<16xf32>
        %add3A_746 = arith.addf %get3A_741, %get3A_745 : vector<16xf32>
        %swap3A_747 = arith.index_cast %scan3A_95 : i32 to index
        %swap3A_748 = arith.constant 736 : index
        %swap3A_749 = tpu.vector_load %arg8[%swap3A_747, %swap3A_748] {strides = array<i32>} : memref<18x768xf32, #tpu.memory_space<vmem>>, vector<1x16xf32>,
        %swap3A_750 = vector.shape_cast %swap3A_749 : vector<1x16xf32> to vector<16xf32>
        %swap3A_751 = vector.shape_cast %add3A_746 : vector<16xf32> to vector<1x16xf32>
        tpu.vector_store %arg8[%swap3A_747, %swap3A_748], %swap3A_751 {strides = array<i32>} : memref<18x768xf32, #tpu.memory_space<vmem>>, vector<1x16xf32>,
        %get3A_752 = arith.index_cast %scan3A_95 : i32 to index
        %get3A_753 = arith.constant 752 : index
        %get3A_754 = tpu.vector_load %arg6[%get3A_752, %get3A_753] {strides = array<i32>} : memref<18x768xf32, #tpu.memory_space<vmem>>, vector<1x16xf32>,
        %get3A_755 = vector.shape_cast %get3A_754 : vector<1x16xf32> to vector<16xf32>
        %get3A_756 = arith.index_cast %scan3A_95 : i32 to index
        %get3A_757 = arith.constant 752 : index
        %get3A_758 = tpu.vector_load %arg5[%get3A_756, %get3A_757] {strides = array<i32>} : memref<18x768xf32, #tpu.memory_space<vmem>>, vector<1x16xf32>,
        %get3A_759 = vector.shape_cast %get3A_758 : vector<1x16xf32> to vector<16xf32>
        %add3A_760 = arith.addf %get3A_755, %get3A_759 : vector<16xf32>
        %swap3A_761 = arith.index_cast %scan3A_95 : i32 to index
        %swap3A_762 = arith.constant 752 : index
        %swap3A_763 = tpu.vector_load %arg8[%swap3A_761, %swap3A_762] {strides = array<i32>} : memref<18x768xf32, #tpu.memory_space<vmem>>, vector<1x16xf32>,
        %swap3A_764 = vector.shape_cast %swap3A_763 : vector<1x16xf32> to vector<16xf32>
        %swap3A_765 = vector.shape_cast %add3A_760 : vector<16xf32> to vector<1x16xf32>
        tpu.vector_store %arg8[%swap3A_761, %swap3A_762], %swap3A_765 {strides = array<i32>} : memref<18x768xf32, #tpu.memory_space<vmem>>, vector<1x16xf32>,
      }
      %scan3A_52 = arith.constant 18 : i32
      %lt3A = arith.constant 31 : i32
      %lt3A_53 = arith.cmpi slt, %scan3A_34, %lt3A : i32
      %convert_element_type3A_54 = arith.extui %lt3A_53 : i1 to i32
      %cond3A_55 = arith.constant 0 : i32
      %cond3A_56 = arith.cmpi ne, %convert_element_type3A_54, %cond3A_55 : i32
      scf.if %cond3A_56 {
        %add3A_95 = arith.constant 2 : i32
        %add3A_96 = arith.addi %add3A_38, %add3A_95 : i32
        %dma_start3A_97 = arith.constant 0 : i32
        %dma_start3A_98 = tpu.memref_slice %arg2[%add3A_96, %mul3A_2, %dma_start3A_97] : memref<64x576x768xf32, #tpu.memory_space<hbm>> -> memref<1x18x768xf32, #tpu.memory_space<hbm>>
        %dma_start3A_99 = tpu.memref_squeeze %dma_start3A_98 : memref<1x18x768xf32, #tpu.memory_space<hbm>> -> memref<18x768xf32, #tpu.memory_space<hbm>>
        %dma_start3A_100 = arith.constant 0 : i32
        %dma_start3A_101 = tpu.memref_slice %arg2[%add3A_96, %mul3A_2, %dma_start3A_100] : memref<64x576x768xf32, #tpu.memory_space<hbm>> -> memref<1x18x768xf32, #tpu.memory_space<hbm>>
        %dma_start3A_102 = tpu.memref_squeeze %dma_start3A_101 : memref<1x18x768xf32, #tpu.memory_space<hbm>> -> memref<18x768xf32, #tpu.memory_space<hbm>>
        tpu.enqueue_dma source(%dma_start3A_102 : memref<18x768xf32, #tpu.memory_space<hbm>>) target(%arg6 : memref<18x768xf32, #tpu.memory_space<vmem>>) target_semaphore(%arg10 : memref<!tpu.dma_semaphore, #tpu.memory_space<semaphore_mem>>)
      } else {
      }
      %dma_start3A_57 = arith.constant 0 : i32
      %dma_start3A_58 = tpu.memref_slice %arg4[%add3A_38, %mul3A_2, %dma_start3A_57] : memref<64x576x768xf32, #tpu.memory_space<hbm>> -> memref<1x18x768xf32, #tpu.memory_space<hbm>>
      %dma_start3A_59 = tpu.memref_squeeze %dma_start3A_58 : memref<1x18x768xf32, #tpu.memory_space<hbm>> -> memref<18x768xf32, #tpu.memory_space<hbm>>
      %dma_start3A_60 = arith.constant 0 : i32
      %dma_start3A_61 = tpu.memref_slice %arg4[%add3A_38, %mul3A_2, %dma_start3A_60] : memref<64x576x768xf32, #tpu.memory_space<hbm>> -> memref<1x18x768xf32, #tpu.memory_space<hbm>>
      %dma_start3A_62 = tpu.memref_squeeze %dma_start3A_61 : memref<1x18x768xf32, #tpu.memory_space<hbm>> -> memref<18x768xf32, #tpu.memory_space<hbm>>
      tpu.enqueue_dma source(%arg8 : memref<18x768xf32, #tpu.memory_space<vmem>>) target(%dma_start3A_62 : memref<18x768xf32, #tpu.memory_space<hbm>>) target_semaphore(%arg12 : memref<!tpu.dma_semaphore, #tpu.memory_space<semaphore_mem>>)
      %mul3A_63 = arith.constant 2 : i32
      %mul3A_64 = arith.muli %scan3A_34, %mul3A_63 : i32
      %add3A_65 = arith.constant 1 : i32
      %add3A_66 = arith.addi %mul3A_64, %add3A_65 : i32
      %dma_wait3A_67 = arith.constant 0 : i32
      %dma_wait3A_68 = tpu.memref_slice %arg2[%add3A_66, %mul3A_2, %dma_wait3A_67] : memref<64x576x768xf32, #tpu.memory_space<hbm>> -> memref<1x18x768xf32, #tpu.memory_space<hbm>>
      %dma_wait3A_69 = tpu.memref_squeeze %dma_wait3A_68 : memref<1x18x768xf32, #tpu.memory_space<hbm>> -> memref<18x768xf32, #tpu.memory_space<hbm>>
      %dma_wait3A_70 = arith.constant 0 : i32
      %dma_wait3A_71 = tpu.memref_slice %arg2[%add3A_66, %mul3A_2, %dma_wait3A_70] : memref<64x576x768xf32, #tpu.memory_space<hbm>> -> memref<1x18x768xf32, #tpu.memory_space<hbm>>
      %dma_wait3A_72 = tpu.memref_squeeze %dma_wait3A_71 : memref<1x18x768xf32, #tpu.memory_space<hbm>> -> memref<18x768xf32, #tpu.memory_space<hbm>>
      tpu.wait_dma2 semaphore(%arg11 : memref<!tpu.dma_semaphore, #tpu.memory_space<semaphore_mem>>) src(%dma_wait3A_72 : memref<18x768xf32, #tpu.memory_space<hbm>>) dst(%arg7 : memref<18x768xf32, #tpu.memory_space<vmem>>)
      %ge3A_73 = arith.constant 1 : i32
      %ge3A_74 = arith.cmpi sge, %scan3A_34, %ge3A_73 : i32
      %convert_element_type3A_75 = arith.extui %ge3A_74 : i1 to i32
      %cond3A_76 = arith.constant 0 : i32
      %cond3A_77 = arith.cmpi ne, %convert_element_type3A_75, %cond3A_76 : i32
      scf.if %cond3A_77 {
        %sub3A = arith.constant 2 : i32
        %sub3A_95 = arith.subi %add3A_66, %sub3A : i32
        %dma_wait3A_96 = arith.constant 0 : i32
        %dma_wait3A_97 = tpu.memref_slice %arg4[%sub3A_95, %mul3A_2, %dma_wait3A_96] : memref<64x576x768xf32, #tpu.memory_space<hbm>> -> memref<1x18x768xf32, #tpu.memory_space<hbm>>
        %dma_wait3A_98 = tpu.memref_squeeze %dma_wait3A_97 : memref<1x18x768xf32, #tpu.memory_space<hbm>> -> memref<18x768xf32, #tpu.memory_space<hbm>>
        %dma_wait3A_99 = arith.constant 0 : i32
        %dma_wait3A_100 = tpu.memref_slice %arg4[%sub3A_95, %mul3A_2, %dma_wait3A_99] : memref<64x576x768xf32, #tpu.memory_space<hbm>> -> memref<1x18x768xf32, #tpu.memory_space<hbm>>
        %dma_wait3A_101 = tpu.memref_squeeze %dma_wait3A_100 : memref<1x18x768xf32, #tpu.memory_space<hbm>> -> memref<18x768xf32, #tpu.memory_space<hbm>>
        tpu.wait_dma2 semaphore(%arg13 : memref<!tpu.dma_semaphore, #tpu.memory_space<semaphore_mem>>) src(%arg9 : memref<18x768xf32, #tpu.memory_space<vmem>>) dst(%dma_wait3A_101 : memref<18x768xf32, #tpu.memory_space<hbm>>)
      } else {
      }
      %scan3A_78 = arith.constant 0 : i32
      %scan3A_79 = arith.constant 0 : i32
      %scan3A_80 = arith.constant 18 : i32
      %scan3A_81 = arith.addi %scan3A_79, %scan3A_80 : i32
      %scan3A_82 = arith.constant 1 : i32
      scf.for %scan3A_95 = %scan3A_79 to %scan3A_81 step %scan3A_82  : i32 {
        %get3A = arith.index_cast %scan3A_95 : i32 to index
        %get3A_96 = arith.constant 0 : index
        %get3A_97 = tpu.vector_load %arg7[%get3A, %get3A_96] {strides = array<i32>} : memref<18x768xf32, #tpu.memory_space<vmem>>, vector<1x16xf32>,
        %get3A_98 = vector.shape_cast %get3A_97 : vector<1x16xf32> to vector<16xf32>
        %get3A_99 = arith.index_cast %scan3A_95 : i32 to index
        %get3A_100 = arith.constant 0 : index
        %get3A_101 = tpu.vector_load %arg5[%get3A_99, %get3A_100] {strides = array<i32>} : memref<18x768xf32, #tpu.memory_space<vmem>>, vector<1x16xf32>,
        %get3A_102 = vector.shape_cast %get3A_101 : vector<1x16xf32> to vector<16xf32>
        %add3A_103 = arith.addf %get3A_98, %get3A_102 : vector<16xf32>
        %swap3A = arith.index_cast %scan3A_95 : i32 to index
        %swap3A_104 = arith.constant 0 : index
        %swap3A_105 = tpu.vector_load %arg9[%swap3A, %swap3A_104] {strides = array<i32>} : memref<18x768xf32, #tpu.memory_space<vmem>>, vector<1x16xf32>,
        %swap3A_106 = vector.shape_cast %swap3A_105 : vector<1x16xf32> to vector<16xf32>
        %swap3A_107 = vector.shape_cast %add3A_103 : vector<16xf32> to vector<1x16xf32>
        tpu.vector_store %arg9[%swap3A, %swap3A_104], %swap3A_107 {strides = array<i32>} : memref<18x768xf32, #tpu.memory_space<vmem>>, vector<1x16xf32>,
        %get3A_108 = arith.index_cast %scan3A_95 : i32 to index
        %get3A_109 = arith.constant 16 : index
        %get3A_110 = tpu.vector_load %arg7[%get3A_108, %get3A_109] {strides = array<i32>} : memref<18x768xf32, #tpu.memory_space<vmem>>, vector<1x16xf32>,
        %get3A_111 = vector.shape_cast %get3A_110 : vector<1x16xf32> to vector<16xf32>
        %get3A_112 = arith.index_cast %scan3A_95 : i32 to index
        %get3A_113 = arith.constant 16 : index
        %get3A_114 = tpu.vector_load %arg5[%get3A_112, %get3A_113] {strides = array<i32>} : memref<18x768xf32, #tpu.memory_space<vmem>>, vector<1x16xf32>,
        %get3A_115 = vector.shape_cast %get3A_114 : vector<1x16xf32> to vector<16xf32>
        %add3A_116 = arith.addf %get3A_111, %get3A_115 : vector<16xf32>
        %swap3A_117 = arith.index_cast %scan3A_95 : i32 to index
        %swap3A_118 = arith.constant 16 : index
        %swap3A_119 = tpu.vector_load %arg9[%swap3A_117, %swap3A_118] {strides = array<i32>} : memref<18x768xf32, #tpu.memory_space<vmem>>, vector<1x16xf32>,
        %swap3A_120 = vector.shape_cast %swap3A_119 : vector<1x16xf32> to vector<16xf32>
        %swap3A_121 = vector.shape_cast %add3A_116 : vector<16xf32> to vector<1x16xf32>
        tpu.vector_store %arg9[%swap3A_117, %swap3A_118], %swap3A_121 {strides = array<i32>} : memref<18x768xf32, #tpu.memory_space<vmem>>, vector<1x16xf32>,
        %get3A_122 = arith.index_cast %scan3A_95 : i32 to index
        %get3A_123 = arith.constant 32 : index
        %get3A_124 = tpu.vector_load %arg7[%get3A_122, %get3A_123] {strides = array<i32>} : memref<18x768xf32, #tpu.memory_space<vmem>>, vector<1x16xf32>,
        %get3A_125 = vector.shape_cast %get3A_124 : vector<1x16xf32> to vector<16xf32>
        %get3A_126 = arith.index_cast %scan3A_95 : i32 to index
        %get3A_127 = arith.constant 32 : index
        %get3A_128 = tpu.vector_load %arg5[%get3A_126, %get3A_127] {strides = array<i32>} : memref<18x768xf32, #tpu.memory_space<vmem>>, vector<1x16xf32>,
        %get3A_129 = vector.shape_cast %get3A_128 : vector<1x16xf32> to vector<16xf32>
        %add3A_130 = arith.addf %get3A_125, %get3A_129 : vector<16xf32>
        %swap3A_131 = arith.index_cast %scan3A_95 : i32 to index
        %swap3A_132 = arith.constant 32 : index
        %swap3A_133 = tpu.vector_load %arg9[%swap3A_131, %swap3A_132] {strides = array<i32>} : memref<18x768xf32, #tpu.memory_space<vmem>>, vector<1x16xf32>,
        %swap3A_134 = vector.shape_cast %swap3A_133 : vector<1x16xf32> to vector<16xf32>
        %swap3A_135 = vector.shape_cast %add3A_130 : vector<16xf32> to vector<1x16xf32>
        tpu.vector_store %arg9[%swap3A_131, %swap3A_132], %swap3A_135 {strides = array<i32>} : memref<18x768xf32, #tpu.memory_space<vmem>>, vector<1x16xf32>,
        %get3A_136 = arith.index_cast %scan3A_95 : i32 to index
        %get3A_137 = arith.constant 48 : index
        %get3A_138 = tpu.vector_load %arg7[%get3A_136, %get3A_137] {strides = array<i32>} : memref<18x768xf32, #tpu.memory_space<vmem>>, vector<1x16xf32>,
        %get3A_139 = vector.shape_cast %get3A_138 : vector<1x16xf32> to vector<16xf32>
        %get3A_140 = arith.index_cast %scan3A_95 : i32 to index
        %get3A_141 = arith.constant 48 : index
        %get3A_142 = tpu.vector_load %arg5[%get3A_140, %get3A_141] {strides = array<i32>} : memref<18x768xf32, #tpu.memory_space<vmem>>, vector<1x16xf32>,
        %get3A_143 = vector.shape_cast %get3A_142 : vector<1x16xf32> to vector<16xf32>
        %add3A_144 = arith.addf %get3A_139, %get3A_143 : vector<16xf32>
        %swap3A_145 = arith.index_cast %scan3A_95 : i32 to index
        %swap3A_146 = arith.constant 48 : index
        %swap3A_147 = tpu.vector_load %arg9[%swap3A_145, %swap3A_146] {strides = array<i32>} : memref<18x768xf32, #tpu.memory_space<vmem>>, vector<1x16xf32>,
        %swap3A_148 = vector.shape_cast %swap3A_147 : vector<1x16xf32> to vector<16xf32>
        %swap3A_149 = vector.shape_cast %add3A_144 : vector<16xf32> to vector<1x16xf32>
        tpu.vector_store %arg9[%swap3A_145, %swap3A_146], %swap3A_149 {strides = array<i32>} : memref<18x768xf32, #tpu.memory_space<vmem>>, vector<1x16xf32>,
        %get3A_150 = arith.index_cast %scan3A_95 : i32 to index
        %get3A_151 = arith.constant 64 : index
        %get3A_152 = tpu.vector_load %arg7[%get3A_150, %get3A_151] {strides = array<i32>} : memref<18x768xf32, #tpu.memory_space<vmem>>, vector<1x16xf32>,
        %get3A_153 = vector.shape_cast %get3A_152 : vector<1x16xf32> to vector<16xf32>
        %get3A_154 = arith.index_cast %scan3A_95 : i32 to index
        %get3A_155 = arith.constant 64 : index
        %get3A_156 = tpu.vector_load %arg5[%get3A_154, %get3A_155] {strides = array<i32>} : memref<18x768xf32, #tpu.memory_space<vmem>>, vector<1x16xf32>,
        %get3A_157 = vector.shape_cast %get3A_156 : vector<1x16xf32> to vector<16xf32>
        %add3A_158 = arith.addf %get3A_153, %get3A_157 : vector<16xf32>
        %swap3A_159 = arith.index_cast %scan3A_95 : i32 to index
        %swap3A_160 = arith.constant 64 : index
        %swap3A_161 = tpu.vector_load %arg9[%swap3A_159, %swap3A_160] {strides = array<i32>} : memref<18x768xf32, #tpu.memory_space<vmem>>, vector<1x16xf32>,
        %swap3A_162 = vector.shape_cast %swap3A_161 : vector<1x16xf32> to vector<16xf32>
        %swap3A_163 = vector.shape_cast %add3A_158 : vector<16xf32> to vector<1x16xf32>
        tpu.vector_store %arg9[%swap3A_159, %swap3A_160], %swap3A_163 {strides = array<i32>} : memref<18x768xf32, #tpu.memory_space<vmem>>, vector<1x16xf32>,
        %get3A_164 = arith.index_cast %scan3A_95 : i32 to index
        %get3A_165 = arith.constant 80 : index
        %get3A_166 = tpu.vector_load %arg7[%get3A_164, %get3A_165] {strides = array<i32>} : memref<18x768xf32, #tpu.memory_space<vmem>>, vector<1x16xf32>,
        %get3A_167 = vector.shape_cast %get3A_166 : vector<1x16xf32> to vector<16xf32>
        %get3A_168 = arith.index_cast %scan3A_95 : i32 to index
        %get3A_169 = arith.constant 80 : index
        %get3A_170 = tpu.vector_load %arg5[%get3A_168, %get3A_169] {strides = array<i32>} : memref<18x768xf32, #tpu.memory_space<vmem>>, vector<1x16xf32>,
        %get3A_171 = vector.shape_cast %get3A_170 : vector<1x16xf32> to vector<16xf32>
        %add3A_172 = arith.addf %get3A_167, %get3A_171 : vector<16xf32>
        %swap3A_173 = arith.index_cast %scan3A_95 : i32 to index
        %swap3A_174 = arith.constant 80 : index
        %swap3A_175 = tpu.vector_load %arg9[%swap3A_173, %swap3A_174] {strides = array<i32>} : memref<18x768xf32, #tpu.memory_space<vmem>>, vector<1x16xf32>,
        %swap3A_176 = vector.shape_cast %swap3A_175 : vector<1x16xf32> to vector<16xf32>
        %swap3A_177 = vector.shape_cast %add3A_172 : vector<16xf32> to vector<1x16xf32>
        tpu.vector_store %arg9[%swap3A_173, %swap3A_174], %swap3A_177 {strides = array<i32>} : memref<18x768xf32, #tpu.memory_space<vmem>>, vector<1x16xf32>,
        %get3A_178 = arith.index_cast %scan3A_95 : i32 to index
        %get3A_179 = arith.constant 96 : index
        %get3A_180 = tpu.vector_load %arg7[%get3A_178, %get3A_179] {strides = array<i32>} : memref<18x768xf32, #tpu.memory_space<vmem>>, vector<1x16xf32>,
        %get3A_181 = vector.shape_cast %get3A_180 : vector<1x16xf32> to vector<16xf32>
        %get3A_182 = arith.index_cast %scan3A_95 : i32 to index
        %get3A_183 = arith.constant 96 : index
        %get3A_184 = tpu.vector_load %arg5[%get3A_182, %get3A_183] {strides = array<i32>} : memref<18x768xf32, #tpu.memory_space<vmem>>, vector<1x16xf32>,
        %get3A_185 = vector.shape_cast %get3A_184 : vector<1x16xf32> to vector<16xf32>
        %add3A_186 = arith.addf %get3A_181, %get3A_185 : vector<16xf32>
        %swap3A_187 = arith.index_cast %scan3A_95 : i32 to index
        %swap3A_188 = arith.constant 96 : index
        %swap3A_189 = tpu.vector_load %arg9[%swap3A_187, %swap3A_188] {strides = array<i32>} : memref<18x768xf32, #tpu.memory_space<vmem>>, vector<1x16xf32>,
        %swap3A_190 = vector.shape_cast %swap3A_189 : vector<1x16xf32> to vector<16xf32>
        %swap3A_191 = vector.shape_cast %add3A_186 : vector<16xf32> to vector<1x16xf32>
        tpu.vector_store %arg9[%swap3A_187, %swap3A_188], %swap3A_191 {strides = array<i32>} : memref<18x768xf32, #tpu.memory_space<vmem>>, vector<1x16xf32>,
        %get3A_192 = arith.index_cast %scan3A_95 : i32 to index
        %get3A_193 = arith.constant 112 : index
        %get3A_194 = tpu.vector_load %arg7[%get3A_192, %get3A_193] {strides = array<i32>} : memref<18x768xf32, #tpu.memory_space<vmem>>, vector<1x16xf32>,
        %get3A_195 = vector.shape_cast %get3A_194 : vector<1x16xf32> to vector<16xf32>
        %get3A_196 = arith.index_cast %scan3A_95 : i32 to index
        %get3A_197 = arith.constant 112 : index
        %get3A_198 = tpu.vector_load %arg5[%get3A_196, %get3A_197] {strides = array<i32>} : memref<18x768xf32, #tpu.memory_space<vmem>>, vector<1x16xf32>,
        %get3A_199 = vector.shape_cast %get3A_198 : vector<1x16xf32> to vector<16xf32>
        %add3A_200 = arith.addf %get3A_195, %get3A_199 : vector<16xf32>
        %swap3A_201 = arith.index_cast %scan3A_95 : i32 to index
        %swap3A_202 = arith.constant 112 : index
        %swap3A_203 = tpu.vector_load %arg9[%swap3A_201, %swap3A_202] {strides = array<i32>} : memref<18x768xf32, #tpu.memory_space<vmem>>, vector<1x16xf32>,
        %swap3A_204 = vector.shape_cast %swap3A_203 : vector<1x16xf32> to vector<16xf32>
        %swap3A_205 = vector.shape_cast %add3A_200 : vector<16xf32> to vector<1x16xf32>
        tpu.vector_store %arg9[%swap3A_201, %swap3A_202], %swap3A_205 {strides = array<i32>} : memref<18x768xf32, #tpu.memory_space<vmem>>, vector<1x16xf32>,
        %get3A_206 = arith.index_cast %scan3A_95 : i32 to index
        %get3A_207 = arith.constant 128 : index
        %get3A_208 = tpu.vector_load %arg7[%get3A_206, %get3A_207] {strides = array<i32>} : memref<18x768xf32, #tpu.memory_space<vmem>>, vector<1x16xf32>,
        %get3A_209 = vector.shape_cast %get3A_208 : vector<1x16xf32> to vector<16xf32>
        %get3A_210 = arith.index_cast %scan3A_95 : i32 to index
        %get3A_211 = arith.constant 128 : index
        %get3A_212 = tpu.vector_load %arg5[%get3A_210, %get3A_211] {strides = array<i32>} : memref<18x768xf32, #tpu.memory_space<vmem>>, vector<1x16xf32>,
        %get3A_213 = vector.shape_cast %get3A_212 : vector<1x16xf32> to vector<16xf32>
        %add3A_214 = arith.addf %get3A_209, %get3A_213 : vector<16xf32>
        %swap3A_215 = arith.index_cast %scan3A_95 : i32 to index
        %swap3A_216 = arith.constant 128 : index
        %swap3A_217 = tpu.vector_load %arg9[%swap3A_215, %swap3A_216] {strides = array<i32>} : memref<18x768xf32, #tpu.memory_space<vmem>>, vector<1x16xf32>,
        %swap3A_218 = vector.shape_cast %swap3A_217 : vector<1x16xf32> to vector<16xf32>
        %swap3A_219 = vector.shape_cast %add3A_214 : vector<16xf32> to vector<1x16xf32>
        tpu.vector_store %arg9[%swap3A_215, %swap3A_216], %swap3A_219 {strides = array<i32>} : memref<18x768xf32, #tpu.memory_space<vmem>>, vector<1x16xf32>,
        %get3A_220 = arith.index_cast %scan3A_95 : i32 to index
        %get3A_221 = arith.constant 144 : index
        %get3A_222 = tpu.vector_load %arg7[%get3A_220, %get3A_221] {strides = array<i32>} : memref<18x768xf32, #tpu.memory_space<vmem>>, vector<1x16xf32>,
        %get3A_223 = vector.shape_cast %get3A_222 : vector<1x16xf32> to vector<16xf32>
        %get3A_224 = arith.index_cast %scan3A_95 : i32 to index
        %get3A_225 = arith.constant 144 : index
        %get3A_226 = tpu.vector_load %arg5[%get3A_224, %get3A_225] {strides = array<i32>} : memref<18x768xf32, #tpu.memory_space<vmem>>, vector<1x16xf32>,
        %get3A_227 = vector.shape_cast %get3A_226 : vector<1x16xf32> to vector<16xf32>
        %add3A_228 = arith.addf %get3A_223, %get3A_227 : vector<16xf32>
        %swap3A_229 = arith.index_cast %scan3A_95 : i32 to index
        %swap3A_230 = arith.constant 144 : index
        %swap3A_231 = tpu.vector_load %arg9[%swap3A_229, %swap3A_230] {strides = array<i32>} : memref<18x768xf32, #tpu.memory_space<vmem>>, vector<1x16xf32>,
        %swap3A_232 = vector.shape_cast %swap3A_231 : vector<1x16xf32> to vector<16xf32>
        %swap3A_233 = vector.shape_cast %add3A_228 : vector<16xf32> to vector<1x16xf32>
        tpu.vector_store %arg9[%swap3A_229, %swap3A_230], %swap3A_233 {strides = array<i32>} : memref<18x768xf32, #tpu.memory_space<vmem>>, vector<1x16xf32>,
        %get3A_234 = arith.index_cast %scan3A_95 : i32 to index
        %get3A_235 = arith.constant 160 : index
        %get3A_236 = tpu.vector_load %arg7[%get3A_234, %get3A_235] {strides = array<i32>} : memref<18x768xf32, #tpu.memory_space<vmem>>, vector<1x16xf32>,
        %get3A_237 = vector.shape_cast %get3A_236 : vector<1x16xf32> to vector<16xf32>
        %get3A_238 = arith.index_cast %scan3A_95 : i32 to index
        %get3A_239 = arith.constant 160 : index
        %get3A_240 = tpu.vector_load %arg5[%get3A_238, %get3A_239] {strides = array<i32>} : memref<18x768xf32, #tpu.memory_space<vmem>>, vector<1x16xf32>,
        %get3A_241 = vector.shape_cast %get3A_240 : vector<1x16xf32> to vector<16xf32>
        %add3A_242 = arith.addf %get3A_237, %get3A_241 : vector<16xf32>
        %swap3A_243 = arith.index_cast %scan3A_95 : i32 to index
        %swap3A_244 = arith.constant 160 : index
        %swap3A_245 = tpu.vector_load %arg9[%swap3A_243, %swap3A_244] {strides = array<i32>} : memref<18x768xf32, #tpu.memory_space<vmem>>, vector<1x16xf32>,
        %swap3A_246 = vector.shape_cast %swap3A_245 : vector<1x16xf32> to vector<16xf32>
        %swap3A_247 = vector.shape_cast %add3A_242 : vector<16xf32> to vector<1x16xf32>
        tpu.vector_store %arg9[%swap3A_243, %swap3A_244], %swap3A_247 {strides = array<i32>} : memref<18x768xf32, #tpu.memory_space<vmem>>, vector<1x16xf32>,
        %get3A_248 = arith.index_cast %scan3A_95 : i32 to index
        %get3A_249 = arith.constant 176 : index
        %get3A_250 = tpu.vector_load %arg7[%get3A_248, %get3A_249] {strides = array<i32>} : memref<18x768xf32, #tpu.memory_space<vmem>>, vector<1x16xf32>,
        %get3A_251 = vector.shape_cast %get3A_250 : vector<1x16xf32> to vector<16xf32>
        %get3A_252 = arith.index_cast %scan3A_95 : i32 to index
        %get3A_253 = arith.constant 176 : index
        %get3A_254 = tpu.vector_load %arg5[%get3A_252, %get3A_253] {strides = array<i32>} : memref<18x768xf32, #tpu.memory_space<vmem>>, vector<1x16xf32>,
        %get3A_255 = vector.shape_cast %get3A_254 : vector<1x16xf32> to vector<16xf32>
        %add3A_256 = arith.addf %get3A_251, %get3A_255 : vector<16xf32>
        %swap3A_257 = arith.index_cast %scan3A_95 : i32 to index
        %swap3A_258 = arith.constant 176 : index
        %swap3A_259 = tpu.vector_load %arg9[%swap3A_257, %swap3A_258] {strides = array<i32>} : memref<18x768xf32, #tpu.memory_space<vmem>>, vector<1x16xf32>,
        %swap3A_260 = vector.shape_cast %swap3A_259 : vector<1x16xf32> to vector<16xf32>
        %swap3A_261 = vector.shape_cast %add3A_256 : vector<16xf32> to vector<1x16xf32>
        tpu.vector_store %arg9[%swap3A_257, %swap3A_258], %swap3A_261 {strides = array<i32>} : memref<18x768xf32, #tpu.memory_space<vmem>>, vector<1x16xf32>,
        %get3A_262 = arith.index_cast %scan3A_95 : i32 to index
        %get3A_263 = arith.constant 192 : index
        %get3A_264 = tpu.vector_load %arg7[%get3A_262, %get3A_263] {strides = array<i32>} : memref<18x768xf32, #tpu.memory_space<vmem>>, vector<1x16xf32>,
        %get3A_265 = vector.shape_cast %get3A_264 : vector<1x16xf32> to vector<16xf32>
        %get3A_266 = arith.index_cast %scan3A_95 : i32 to index
        %get3A_267 = arith.constant 192 : index
        %get3A_268 = tpu.vector_load %arg5[%get3A_266, %get3A_267] {strides = array<i32>} : memref<18x768xf32, #tpu.memory_space<vmem>>, vector<1x16xf32>,
        %get3A_269 = vector.shape_cast %get3A_268 : vector<1x16xf32> to vector<16xf32>
        %add3A_270 = arith.addf %get3A_265, %get3A_269 : vector<16xf32>
        %swap3A_271 = arith.index_cast %scan3A_95 : i32 to index
        %swap3A_272 = arith.constant 192 : index
        %swap3A_273 = tpu.vector_load %arg9[%swap3A_271, %swap3A_272] {strides = array<i32>} : memref<18x768xf32, #tpu.memory_space<vmem>>, vector<1x16xf32>,
        %swap3A_274 = vector.shape_cast %swap3A_273 : vector<1x16xf32> to vector<16xf32>
        %swap3A_275 = vector.shape_cast %add3A_270 : vector<16xf32> to vector<1x16xf32>
        tpu.vector_store %arg9[%swap3A_271, %swap3A_272], %swap3A_275 {strides = array<i32>} : memref<18x768xf32, #tpu.memory_space<vmem>>, vector<1x16xf32>,
        %get3A_276 = arith.index_cast %scan3A_95 : i32 to index
        %get3A_277 = arith.constant 208 : index
        %get3A_278 = tpu.vector_load %arg7[%get3A_276, %get3A_277] {strides = array<i32>} : memref<18x768xf32, #tpu.memory_space<vmem>>, vector<1x16xf32>,
        %get3A_279 = vector.shape_cast %get3A_278 : vector<1x16xf32> to vector<16xf32>
        %get3A_280 = arith.index_cast %scan3A_95 : i32 to index
        %get3A_281 = arith.constant 208 : index
        %get3A_282 = tpu.vector_load %arg5[%get3A_280, %get3A_281] {strides = array<i32>} : memref<18x768xf32, #tpu.memory_space<vmem>>, vector<1x16xf32>,
        %get3A_283 = vector.shape_cast %get3A_282 : vector<1x16xf32> to vector<16xf32>
        %add3A_284 = arith.addf %get3A_279, %get3A_283 : vector<16xf32>
        %swap3A_285 = arith.index_cast %scan3A_95 : i32 to index
        %swap3A_286 = arith.constant 208 : index
        %swap3A_287 = tpu.vector_load %arg9[%swap3A_285, %swap3A_286] {strides = array<i32>} : memref<18x768xf32, #tpu.memory_space<vmem>>, vector<1x16xf32>,
        %swap3A_288 = vector.shape_cast %swap3A_287 : vector<1x16xf32> to vector<16xf32>
        %swap3A_289 = vector.shape_cast %add3A_284 : vector<16xf32> to vector<1x16xf32>
        tpu.vector_store %arg9[%swap3A_285, %swap3A_286], %swap3A_289 {strides = array<i32>} : memref<18x768xf32, #tpu.memory_space<vmem>>, vector<1x16xf32>,
        %get3A_290 = arith.index_cast %scan3A_95 : i32 to index
        %get3A_291 = arith.constant 224 : index
        %get3A_292 = tpu.vector_load %arg7[%get3A_290, %get3A_291] {strides = array<i32>} : memref<18x768xf32, #tpu.memory_space<vmem>>, vector<1x16xf32>,
        %get3A_293 = vector.shape_cast %get3A_292 : vector<1x16xf32> to vector<16xf32>
        %get3A_294 = arith.index_cast %scan3A_95 : i32 to index
        %get3A_295 = arith.constant 224 : index
        %get3A_296 = tpu.vector_load %arg5[%get3A_294, %get3A_295] {strides = array<i32>} : memref<18x768xf32, #tpu.memory_space<vmem>>, vector<1x16xf32>,
        %get3A_297 = vector.shape_cast %get3A_296 : vector<1x16xf32> to vector<16xf32>
        %add3A_298 = arith.addf %get3A_293, %get3A_297 : vector<16xf32>
        %swap3A_299 = arith.index_cast %scan3A_95 : i32 to index
        %swap3A_300 = arith.constant 224 : index
        %swap3A_301 = tpu.vector_load %arg9[%swap3A_299, %swap3A_300] {strides = array<i32>} : memref<18x768xf32, #tpu.memory_space<vmem>>, vector<1x16xf32>,
        %swap3A_302 = vector.shape_cast %swap3A_301 : vector<1x16xf32> to vector<16xf32>
        %swap3A_303 = vector.shape_cast %add3A_298 : vector<16xf32> to vector<1x16xf32>
        tpu.vector_store %arg9[%swap3A_299, %swap3A_300], %swap3A_303 {strides = array<i32>} : memref<18x768xf32, #tpu.memory_space<vmem>>, vector<1x16xf32>,
        %get3A_304 = arith.index_cast %scan3A_95 : i32 to index
        %get3A_305 = arith.constant 240 : index
        %get3A_306 = tpu.vector_load %arg7[%get3A_304, %get3A_305] {strides = array<i32>} : memref<18x768xf32, #tpu.memory_space<vmem>>, vector<1x16xf32>,
        %get3A_307 = vector.shape_cast %get3A_306 : vector<1x16xf32> to vector<16xf32>
        %get3A_308 = arith.index_cast %scan3A_95 : i32 to index
        %get3A_309 = arith.constant 240 : index
        %get3A_310 = tpu.vector_load %arg5[%get3A_308, %get3A_309] {strides = array<i32>} : memref<18x768xf32, #tpu.memory_space<vmem>>, vector<1x16xf32>,
        %get3A_311 = vector.shape_cast %get3A_310 : vector<1x16xf32> to vector<16xf32>
        %add3A_312 = arith.addf %get3A_307, %get3A_311 : vector<16xf32>
        %swap3A_313 = arith.index_cast %scan3A_95 : i32 to index
        %swap3A_314 = arith.constant 240 : index
        %swap3A_315 = tpu.vector_load %arg9[%swap3A_313, %swap3A_314] {strides = array<i32>} : memref<18x768xf32, #tpu.memory_space<vmem>>, vector<1x16xf32>,
        %swap3A_316 = vector.shape_cast %swap3A_315 : vector<1x16xf32> to vector<16xf32>
        %swap3A_317 = vector.shape_cast %add3A_312 : vector<16xf32> to vector<1x16xf32>
        tpu.vector_store %arg9[%swap3A_313, %swap3A_314], %swap3A_317 {strides = array<i32>} : memref<18x768xf32, #tpu.memory_space<vmem>>, vector<1x16xf32>,
        %get3A_318 = arith.index_cast %scan3A_95 : i32 to index
        %get3A_319 = arith.constant 256 : index
        %get3A_320 = tpu.vector_load %arg7[%get3A_318, %get3A_319] {strides = array<i32>} : memref<18x768xf32, #tpu.memory_space<vmem>>, vector<1x16xf32>,
        %get3A_321 = vector.shape_cast %get3A_320 : vector<1x16xf32> to vector<16xf32>
        %get3A_322 = arith.index_cast %scan3A_95 : i32 to index
        %get3A_323 = arith.constant 256 : index
        %get3A_324 = tpu.vector_load %arg5[%get3A_322, %get3A_323] {strides = array<i32>} : memref<18x768xf32, #tpu.memory_space<vmem>>, vector<1x16xf32>,
        %get3A_325 = vector.shape_cast %get3A_324 : vector<1x16xf32> to vector<16xf32>
        %add3A_326 = arith.addf %get3A_321, %get3A_325 : vector<16xf32>
        %swap3A_327 = arith.index_cast %scan3A_95 : i32 to index
        %swap3A_328 = arith.constant 256 : index
        %swap3A_329 = tpu.vector_load %arg9[%swap3A_327, %swap3A_328] {strides = array<i32>} : memref<18x768xf32, #tpu.memory_space<vmem>>, vector<1x16xf32>,
        %swap3A_330 = vector.shape_cast %swap3A_329 : vector<1x16xf32> to vector<16xf32>
        %swap3A_331 = vector.shape_cast %add3A_326 : vector<16xf32> to vector<1x16xf32>
        tpu.vector_store %arg9[%swap3A_327, %swap3A_328], %swap3A_331 {strides = array<i32>} : memref<18x768xf32, #tpu.memory_space<vmem>>, vector<1x16xf32>,
        %get3A_332 = arith.index_cast %scan3A_95 : i32 to index
        %get3A_333 = arith.constant 272 : index
        %get3A_334 = tpu.vector_load %arg7[%get3A_332, %get3A_333] {strides = array<i32>} : memref<18x768xf32, #tpu.memory_space<vmem>>, vector<1x16xf32>,
        %get3A_335 = vector.shape_cast %get3A_334 : vector<1x16xf32> to vector<16xf32>
        %get3A_336 = arith.index_cast %scan3A_95 : i32 to index
        %get3A_337 = arith.constant 272 : index
        %get3A_338 = tpu.vector_load %arg5[%get3A_336, %get3A_337] {strides = array<i32>} : memref<18x768xf32, #tpu.memory_space<vmem>>, vector<1x16xf32>,
        %get3A_339 = vector.shape_cast %get3A_338 : vector<1x16xf32> to vector<16xf32>
        %add3A_340 = arith.addf %get3A_335, %get3A_339 : vector<16xf32>
        %swap3A_341 = arith.index_cast %scan3A_95 : i32 to index
        %swap3A_342 = arith.constant 272 : index
        %swap3A_343 = tpu.vector_load %arg9[%swap3A_341, %swap3A_342] {strides = array<i32>} : memref<18x768xf32, #tpu.memory_space<vmem>>, vector<1x16xf32>,
        %swap3A_344 = vector.shape_cast %swap3A_343 : vector<1x16xf32> to vector<16xf32>
        %swap3A_345 = vector.shape_cast %add3A_340 : vector<16xf32> to vector<1x16xf32>
        tpu.vector_store %arg9[%swap3A_341, %swap3A_342], %swap3A_345 {strides = array<i32>} : memref<18x768xf32, #tpu.memory_space<vmem>>, vector<1x16xf32>,
        %get3A_346 = arith.index_cast %scan3A_95 : i32 to index
        %get3A_347 = arith.constant 288 : index
        %get3A_348 = tpu.vector_load %arg7[%get3A_346, %get3A_347] {strides = array<i32>} : memref<18x768xf32, #tpu.memory_space<vmem>>, vector<1x16xf32>,
        %get3A_349 = vector.shape_cast %get3A_348 : vector<1x16xf32> to vector<16xf32>
        %get3A_350 = arith.index_cast %scan3A_95 : i32 to index
        %get3A_351 = arith.constant 288 : index
        %get3A_352 = tpu.vector_load %arg5[%get3A_350, %get3A_351] {strides = array<i32>} : memref<18x768xf32, #tpu.memory_space<vmem>>, vector<1x16xf32>,
        %get3A_353 = vector.shape_cast %get3A_352 : vector<1x16xf32> to vector<16xf32>
        %add3A_354 = arith.addf %get3A_349, %get3A_353 : vector<16xf32>
        %swap3A_355 = arith.index_cast %scan3A_95 : i32 to index
        %swap3A_356 = arith.constant 288 : index
        %swap3A_357 = tpu.vector_load %arg9[%swap3A_355, %swap3A_356] {strides = array<i32>} : memref<18x768xf32, #tpu.memory_space<vmem>>, vector<1x16xf32>,
        %swap3A_358 = vector.shape_cast %swap3A_357 : vector<1x16xf32> to vector<16xf32>
        %swap3A_359 = vector.shape_cast %add3A_354 : vector<16xf32> to vector<1x16xf32>
        tpu.vector_store %arg9[%swap3A_355, %swap3A_356], %swap3A_359 {strides = array<i32>} : memref<18x768xf32, #tpu.memory_space<vmem>>, vector<1x16xf32>,
        %get3A_360 = arith.index_cast %scan3A_95 : i32 to index
        %get3A_361 = arith.constant 304 : index
        %get3A_362 = tpu.vector_load %arg7[%get3A_360, %get3A_361] {strides = array<i32>} : memref<18x768xf32, #tpu.memory_space<vmem>>, vector<1x16xf32>,
        %get3A_363 = vector.shape_cast %get3A_362 : vector<1x16xf32> to vector<16xf32>
        %get3A_364 = arith.index_cast %scan3A_95 : i32 to index
        %get3A_365 = arith.constant 304 : index
        %get3A_366 = tpu.vector_load %arg5[%get3A_364, %get3A_365] {strides = array<i32>} : memref<18x768xf32, #tpu.memory_space<vmem>>, vector<1x16xf32>,
        %get3A_367 = vector.shape_cast %get3A_366 : vector<1x16xf32> to vector<16xf32>
        %add3A_368 = arith.addf %get3A_363, %get3A_367 : vector<16xf32>
        %swap3A_369 = arith.index_cast %scan3A_95 : i32 to index
        %swap3A_370 = arith.constant 304 : index
        %swap3A_371 = tpu.vector_load %arg9[%swap3A_369, %swap3A_370] {strides = array<i32>} : memref<18x768xf32, #tpu.memory_space<vmem>>, vector<1x16xf32>,
        %swap3A_372 = vector.shape_cast %swap3A_371 : vector<1x16xf32> to vector<16xf32>
        %swap3A_373 = vector.shape_cast %add3A_368 : vector<16xf32> to vector<1x16xf32>
        tpu.vector_store %arg9[%swap3A_369, %swap3A_370], %swap3A_373 {strides = array<i32>} : memref<18x768xf32, #tpu.memory_space<vmem>>, vector<1x16xf32>,
        %get3A_374 = arith.index_cast %scan3A_95 : i32 to index
        %get3A_375 = arith.constant 320 : index
        %get3A_376 = tpu.vector_load %arg7[%get3A_374, %get3A_375] {strides = array<i32>} : memref<18x768xf32, #tpu.memory_space<vmem>>, vector<1x16xf32>,
        %get3A_377 = vector.shape_cast %get3A_376 : vector<1x16xf32> to vector<16xf32>
        %get3A_378 = arith.index_cast %scan3A_95 : i32 to index
        %get3A_379 = arith.constant 320 : index
        %get3A_380 = tpu.vector_load %arg5[%get3A_378, %get3A_379] {strides = array<i32>} : memref<18x768xf32, #tpu.memory_space<vmem>>, vector<1x16xf32>,
        %get3A_381 = vector.shape_cast %get3A_380 : vector<1x16xf32> to vector<16xf32>
        %add3A_382 = arith.addf %get3A_377, %get3A_381 : vector<16xf32>
        %swap3A_383 = arith.index_cast %scan3A_95 : i32 to index
        %swap3A_384 = arith.constant 320 : index
        %swap3A_385 = tpu.vector_load %arg9[%swap3A_383, %swap3A_384] {strides = array<i32>} : memref<18x768xf32, #tpu.memory_space<vmem>>, vector<1x16xf32>,
        %swap3A_386 = vector.shape_cast %swap3A_385 : vector<1x16xf32> to vector<16xf32>
        %swap3A_387 = vector.shape_cast %add3A_382 : vector<16xf32> to vector<1x16xf32>
        tpu.vector_store %arg9[%swap3A_383, %swap3A_384], %swap3A_387 {strides = array<i32>} : memref<18x768xf32, #tpu.memory_space<vmem>>, vector<1x16xf32>,
        %get3A_388 = arith.index_cast %scan3A_95 : i32 to index
        %get3A_389 = arith.constant 336 : index
        %get3A_390 = tpu.vector_load %arg7[%get3A_388, %get3A_389] {strides = array<i32>} : memref<18x768xf32, #tpu.memory_space<vmem>>, vector<1x16xf32>,
        %get3A_391 = vector.shape_cast %get3A_390 : vector<1x16xf32> to vector<16xf32>
        %get3A_392 = arith.index_cast %scan3A_95 : i32 to index
        %get3A_393 = arith.constant 336 : index
        %get3A_394 = tpu.vector_load %arg5[%get3A_392, %get3A_393] {strides = array<i32>} : memref<18x768xf32, #tpu.memory_space<vmem>>, vector<1x16xf32>,
        %get3A_395 = vector.shape_cast %get3A_394 : vector<1x16xf32> to vector<16xf32>
        %add3A_396 = arith.addf %get3A_391, %get3A_395 : vector<16xf32>
        %swap3A_397 = arith.index_cast %scan3A_95 : i32 to index
        %swap3A_398 = arith.constant 336 : index
        %swap3A_399 = tpu.vector_load %arg9[%swap3A_397, %swap3A_398] {strides = array<i32>} : memref<18x768xf32, #tpu.memory_space<vmem>>, vector<1x16xf32>,
        %swap3A_400 = vector.shape_cast %swap3A_399 : vector<1x16xf32> to vector<16xf32>
        %swap3A_401 = vector.shape_cast %add3A_396 : vector<16xf32> to vector<1x16xf32>
        tpu.vector_store %arg9[%swap3A_397, %swap3A_398], %swap3A_401 {strides = array<i32>} : memref<18x768xf32, #tpu.memory_space<vmem>>, vector<1x16xf32>,
        %get3A_402 = arith.index_cast %scan3A_95 : i32 to index
        %get3A_403 = arith.constant 352 : index
        %get3A_404 = tpu.vector_load %arg7[%get3A_402, %get3A_403] {strides = array<i32>} : memref<18x768xf32, #tpu.memory_space<vmem>>, vector<1x16xf32>,
        %get3A_405 = vector.shape_cast %get3A_404 : vector<1x16xf32> to vector<16xf32>
        %get3A_406 = arith.index_cast %scan3A_95 : i32 to index
        %get3A_407 = arith.constant 352 : index
        %get3A_408 = tpu.vector_load %arg5[%get3A_406, %get3A_407] {strides = array<i32>} : memref<18x768xf32, #tpu.memory_space<vmem>>, vector<1x16xf32>,
        %get3A_409 = vector.shape_cast %get3A_408 : vector<1x16xf32> to vector<16xf32>
        %add3A_410 = arith.addf %get3A_405, %get3A_409 : vector<16xf32>
        %swap3A_411 = arith.index_cast %scan3A_95 : i32 to index
        %swap3A_412 = arith.constant 352 : index
        %swap3A_413 = tpu.vector_load %arg9[%swap3A_411, %swap3A_412] {strides = array<i32>} : memref<18x768xf32, #tpu.memory_space<vmem>>, vector<1x16xf32>,
        %swap3A_414 = vector.shape_cast %swap3A_413 : vector<1x16xf32> to vector<16xf32>
        %swap3A_415 = vector.shape_cast %add3A_410 : vector<16xf32> to vector<1x16xf32>
        tpu.vector_store %arg9[%swap3A_411, %swap3A_412], %swap3A_415 {strides = array<i32>} : memref<18x768xf32, #tpu.memory_space<vmem>>, vector<1x16xf32>,
        %get3A_416 = arith.index_cast %scan3A_95 : i32 to index
        %get3A_417 = arith.constant 368 : index
        %get3A_418 = tpu.vector_load %arg7[%get3A_416, %get3A_417] {strides = array<i32>} : memref<18x768xf32, #tpu.memory_space<vmem>>, vector<1x16xf32>,
        %get3A_419 = vector.shape_cast %get3A_418 : vector<1x16xf32> to vector<16xf32>
        %get3A_420 = arith.index_cast %scan3A_95 : i32 to index
        %get3A_421 = arith.constant 368 : index
        %get3A_422 = tpu.vector_load %arg5[%get3A_420, %get3A_421] {strides = array<i32>} : memref<18x768xf32, #tpu.memory_space<vmem>>, vector<1x16xf32>,
        %get3A_423 = vector.shape_cast %get3A_422 : vector<1x16xf32> to vector<16xf32>
        %add3A_424 = arith.addf %get3A_419, %get3A_423 : vector<16xf32>
        %swap3A_425 = arith.index_cast %scan3A_95 : i32 to index
        %swap3A_426 = arith.constant 368 : index
        %swap3A_427 = tpu.vector_load %arg9[%swap3A_425, %swap3A_426] {strides = array<i32>} : memref<18x768xf32, #tpu.memory_space<vmem>>, vector<1x16xf32>,
        %swap3A_428 = vector.shape_cast %swap3A_427 : vector<1x16xf32> to vector<16xf32>
        %swap3A_429 = vector.shape_cast %add3A_424 : vector<16xf32> to vector<1x16xf32>
        tpu.vector_store %arg9[%swap3A_425, %swap3A_426], %swap3A_429 {strides = array<i32>} : memref<18x768xf32, #tpu.memory_space<vmem>>, vector<1x16xf32>,
        %get3A_430 = arith.index_cast %scan3A_95 : i32 to index
        %get3A_431 = arith.constant 384 : index
        %get3A_432 = tpu.vector_load %arg7[%get3A_430, %get3A_431] {strides = array<i32>} : memref<18x768xf32, #tpu.memory_space<vmem>>, vector<1x16xf32>,
        %get3A_433 = vector.shape_cast %get3A_432 : vector<1x16xf32> to vector<16xf32>
        %get3A_434 = arith.index_cast %scan3A_95 : i32 to index
        %get3A_435 = arith.constant 384 : index
        %get3A_436 = tpu.vector_load %arg5[%get3A_434, %get3A_435] {strides = array<i32>} : memref<18x768xf32, #tpu.memory_space<vmem>>, vector<1x16xf32>,
        %get3A_437 = vector.shape_cast %get3A_436 : vector<1x16xf32> to vector<16xf32>
        %add3A_438 = arith.addf %get3A_433, %get3A_437 : vector<16xf32>
        %swap3A_439 = arith.index_cast %scan3A_95 : i32 to index
        %swap3A_440 = arith.constant 384 : index
        %swap3A_441 = tpu.vector_load %arg9[%swap3A_439, %swap3A_440] {strides = array<i32>} : memref<18x768xf32, #tpu.memory_space<vmem>>, vector<1x16xf32>,
        %swap3A_442 = vector.shape_cast %swap3A_441 : vector<1x16xf32> to vector<16xf32>
        %swap3A_443 = vector.shape_cast %add3A_438 : vector<16xf32> to vector<1x16xf32>
        tpu.vector_store %arg9[%swap3A_439, %swap3A_440], %swap3A_443 {strides = array<i32>} : memref<18x768xf32, #tpu.memory_space<vmem>>, vector<1x16xf32>,
        %get3A_444 = arith.index_cast %scan3A_95 : i32 to index
        %get3A_445 = arith.constant 400 : index
        %get3A_446 = tpu.vector_load %arg7[%get3A_444, %get3A_445] {strides = array<i32>} : memref<18x768xf32, #tpu.memory_space<vmem>>, vector<1x16xf32>,
        %get3A_447 = vector.shape_cast %get3A_446 : vector<1x16xf32> to vector<16xf32>
        %get3A_448 = arith.index_cast %scan3A_95 : i32 to index
        %get3A_449 = arith.constant 400 : index
        %get3A_450 = tpu.vector_load %arg5[%get3A_448, %get3A_449] {strides = array<i32>} : memref<18x768xf32, #tpu.memory_space<vmem>>, vector<1x16xf32>,
        %get3A_451 = vector.shape_cast %get3A_450 : vector<1x16xf32> to vector<16xf32>
        %add3A_452 = arith.addf %get3A_447, %get3A_451 : vector<16xf32>
        %swap3A_453 = arith.index_cast %scan3A_95 : i32 to index
        %swap3A_454 = arith.constant 400 : index
        %swap3A_455 = tpu.vector_load %arg9[%swap3A_453, %swap3A_454] {strides = array<i32>} : memref<18x768xf32, #tpu.memory_space<vmem>>, vector<1x16xf32>,
        %swap3A_456 = vector.shape_cast %swap3A_455 : vector<1x16xf32> to vector<16xf32>
        %swap3A_457 = vector.shape_cast %add3A_452 : vector<16xf32> to vector<1x16xf32>
        tpu.vector_store %arg9[%swap3A_453, %swap3A_454], %swap3A_457 {strides = array<i32>} : memref<18x768xf32, #tpu.memory_space<vmem>>, vector<1x16xf32>,
        %get3A_458 = arith.index_cast %scan3A_95 : i32 to index
        %get3A_459 = arith.constant 416 : index
        %get3A_460 = tpu.vector_load %arg7[%get3A_458, %get3A_459] {strides = array<i32>} : memref<18x768xf32, #tpu.memory_space<vmem>>, vector<1x16xf32>,
        %get3A_461 = vector.shape_cast %get3A_460 : vector<1x16xf32> to vector<16xf32>
        %get3A_462 = arith.index_cast %scan3A_95 : i32 to index
        %get3A_463 = arith.constant 416 : index
        %get3A_464 = tpu.vector_load %arg5[%get3A_462, %get3A_463] {strides = array<i32>} : memref<18x768xf32, #tpu.memory_space<vmem>>, vector<1x16xf32>,
        %get3A_465 = vector.shape_cast %get3A_464 : vector<1x16xf32> to vector<16xf32>
        %add3A_466 = arith.addf %get3A_461, %get3A_465 : vector<16xf32>
        %swap3A_467 = arith.index_cast %scan3A_95 : i32 to index
        %swap3A_468 = arith.constant 416 : index
        %swap3A_469 = tpu.vector_load %arg9[%swap3A_467, %swap3A_468] {strides = array<i32>} : memref<18x768xf32, #tpu.memory_space<vmem>>, vector<1x16xf32>,
        %swap3A_470 = vector.shape_cast %swap3A_469 : vector<1x16xf32> to vector<16xf32>
        %swap3A_471 = vector.shape_cast %add3A_466 : vector<16xf32> to vector<1x16xf32>
        tpu.vector_store %arg9[%swap3A_467, %swap3A_468], %swap3A_471 {strides = array<i32>} : memref<18x768xf32, #tpu.memory_space<vmem>>, vector<1x16xf32>,
        %get3A_472 = arith.index_cast %scan3A_95 : i32 to index
        %get3A_473 = arith.constant 432 : index
        %get3A_474 = tpu.vector_load %arg7[%get3A_472, %get3A_473] {strides = array<i32>} : memref<18x768xf32, #tpu.memory_space<vmem>>, vector<1x16xf32>,
        %get3A_475 = vector.shape_cast %get3A_474 : vector<1x16xf32> to vector<16xf32>
        %get3A_476 = arith.index_cast %scan3A_95 : i32 to index
        %get3A_477 = arith.constant 432 : index
        %get3A_478 = tpu.vector_load %arg5[%get3A_476, %get3A_477] {strides = array<i32>} : memref<18x768xf32, #tpu.memory_space<vmem>>, vector<1x16xf32>,
        %get3A_479 = vector.shape_cast %get3A_478 : vector<1x16xf32> to vector<16xf32>
        %add3A_480 = arith.addf %get3A_475, %get3A_479 : vector<16xf32>
        %swap3A_481 = arith.index_cast %scan3A_95 : i32 to index
        %swap3A_482 = arith.constant 432 : index
        %swap3A_483 = tpu.vector_load %arg9[%swap3A_481, %swap3A_482] {strides = array<i32>} : memref<18x768xf32, #tpu.memory_space<vmem>>, vector<1x16xf32>,
        %swap3A_484 = vector.shape_cast %swap3A_483 : vector<1x16xf32> to vector<16xf32>
        %swap3A_485 = vector.shape_cast %add3A_480 : vector<16xf32> to vector<1x16xf32>
        tpu.vector_store %arg9[%swap3A_481, %swap3A_482], %swap3A_485 {strides = array<i32>} : memref<18x768xf32, #tpu.memory_space<vmem>>, vector<1x16xf32>,
        %get3A_486 = arith.index_cast %scan3A_95 : i32 to index
        %get3A_487 = arith.constant 448 : index
        %get3A_488 = tpu.vector_load %arg7[%get3A_486, %get3A_487] {strides = array<i32>} : memref<18x768xf32, #tpu.memory_space<vmem>>, vector<1x16xf32>,
        %get3A_489 = vector.shape_cast %get3A_488 : vector<1x16xf32> to vector<16xf32>
        %get3A_490 = arith.index_cast %scan3A_95 : i32 to index
        %get3A_491 = arith.constant 448 : index
        %get3A_492 = tpu.vector_load %arg5[%get3A_490, %get3A_491] {strides = array<i32>} : memref<18x768xf32, #tpu.memory_space<vmem>>, vector<1x16xf32>,
        %get3A_493 = vector.shape_cast %get3A_492 : vector<1x16xf32> to vector<16xf32>
        %add3A_494 = arith.addf %get3A_489, %get3A_493 : vector<16xf32>
        %swap3A_495 = arith.index_cast %scan3A_95 : i32 to index
        %swap3A_496 = arith.constant 448 : index
        %swap3A_497 = tpu.vector_load %arg9[%swap3A_495, %swap3A_496] {strides = array<i32>} : memref<18x768xf32, #tpu.memory_space<vmem>>, vector<1x16xf32>,
        %swap3A_498 = vector.shape_cast %swap3A_497 : vector<1x16xf32> to vector<16xf32>
        %swap3A_499 = vector.shape_cast %add3A_494 : vector<16xf32> to vector<1x16xf32>
        tpu.vector_store %arg9[%swap3A_495, %swap3A_496], %swap3A_499 {strides = array<i32>} : memref<18x768xf32, #tpu.memory_space<vmem>>, vector<1x16xf32>,
        %get3A_500 = arith.index_cast %scan3A_95 : i32 to index
        %get3A_501 = arith.constant 464 : index
        %get3A_502 = tpu.vector_load %arg7[%get3A_500, %get3A_501] {strides = array<i32>} : memref<18x768xf32, #tpu.memory_space<vmem>>, vector<1x16xf32>,
        %get3A_503 = vector.shape_cast %get3A_502 : vector<1x16xf32> to vector<16xf32>
        %get3A_504 = arith.index_cast %scan3A_95 : i32 to index
        %get3A_505 = arith.constant 464 : index
        %get3A_506 = tpu.vector_load %arg5[%get3A_504, %get3A_505] {strides = array<i32>} : memref<18x768xf32, #tpu.memory_space<vmem>>, vector<1x16xf32>,
        %get3A_507 = vector.shape_cast %get3A_506 : vector<1x16xf32> to vector<16xf32>
        %add3A_508 = arith.addf %get3A_503, %get3A_507 : vector<16xf32>
        %swap3A_509 = arith.index_cast %scan3A_95 : i32 to index
        %swap3A_510 = arith.constant 464 : index
        %swap3A_511 = tpu.vector_load %arg9[%swap3A_509, %swap3A_510] {strides = array<i32>} : memref<18x768xf32, #tpu.memory_space<vmem>>, vector<1x16xf32>,
        %swap3A_512 = vector.shape_cast %swap3A_511 : vector<1x16xf32> to vector<16xf32>
        %swap3A_513 = vector.shape_cast %add3A_508 : vector<16xf32> to vector<1x16xf32>
        tpu.vector_store %arg9[%swap3A_509, %swap3A_510], %swap3A_513 {strides = array<i32>} : memref<18x768xf32, #tpu.memory_space<vmem>>, vector<1x16xf32>,
        %get3A_514 = arith.index_cast %scan3A_95 : i32 to index
        %get3A_515 = arith.constant 480 : index
        %get3A_516 = tpu.vector_load %arg7[%get3A_514, %get3A_515] {strides = array<i32>} : memref<18x768xf32, #tpu.memory_space<vmem>>, vector<1x16xf32>,
        %get3A_517 = vector.shape_cast %get3A_516 : vector<1x16xf32> to vector<16xf32>
        %get3A_518 = arith.index_cast %scan3A_95 : i32 to index
        %get3A_519 = arith.constant 480 : index
        %get3A_520 = tpu.vector_load %arg5[%get3A_518, %get3A_519] {strides = array<i32>} : memref<18x768xf32, #tpu.memory_space<vmem>>, vector<1x16xf32>,
        %get3A_521 = vector.shape_cast %get3A_520 : vector<1x16xf32> to vector<16xf32>
        %add3A_522 = arith.addf %get3A_517, %get3A_521 : vector<16xf32>
        %swap3A_523 = arith.index_cast %scan3A_95 : i32 to index
        %swap3A_524 = arith.constant 480 : index
        %swap3A_525 = tpu.vector_load %arg9[%swap3A_523, %swap3A_524] {strides = array<i32>} : memref<18x768xf32, #tpu.memory_space<vmem>>, vector<1x16xf32>,
        %swap3A_526 = vector.shape_cast %swap3A_525 : vector<1x16xf32> to vector<16xf32>
        %swap3A_527 = vector.shape_cast %add3A_522 : vector<16xf32> to vector<1x16xf32>
        tpu.vector_store %arg9[%swap3A_523, %swap3A_524], %swap3A_527 {strides = array<i32>} : memref<18x768xf32, #tpu.memory_space<vmem>>, vector<1x16xf32>,
        %get3A_528 = arith.index_cast %scan3A_95 : i32 to index
        %get3A_529 = arith.constant 496 : index
        %get3A_530 = tpu.vector_load %arg7[%get3A_528, %get3A_529] {strides = array<i32>} : memref<18x768xf32, #tpu.memory_space<vmem>>, vector<1x16xf32>,
        %get3A_531 = vector.shape_cast %get3A_530 : vector<1x16xf32> to vector<16xf32>
        %get3A_532 = arith.index_cast %scan3A_95 : i32 to index
        %get3A_533 = arith.constant 496 : index
        %get3A_534 = tpu.vector_load %arg5[%get3A_532, %get3A_533] {strides = array<i32>} : memref<18x768xf32, #tpu.memory_space<vmem>>, vector<1x16xf32>,
        %get3A_535 = vector.shape_cast %get3A_534 : vector<1x16xf32> to vector<16xf32>
        %add3A_536 = arith.addf %get3A_531, %get3A_535 : vector<16xf32>
        %swap3A_537 = arith.index_cast %scan3A_95 : i32 to index
        %swap3A_538 = arith.constant 496 : index
        %swap3A_539 = tpu.vector_load %arg9[%swap3A_537, %swap3A_538] {strides = array<i32>} : memref<18x768xf32, #tpu.memory_space<vmem>>, vector<1x16xf32>,
        %swap3A_540 = vector.shape_cast %swap3A_539 : vector<1x16xf32> to vector<16xf32>
        %swap3A_541 = vector.shape_cast %add3A_536 : vector<16xf32> to vector<1x16xf32>
        tpu.vector_store %arg9[%swap3A_537, %swap3A_538], %swap3A_541 {strides = array<i32>} : memref<18x768xf32, #tpu.memory_space<vmem>>, vector<1x16xf32>,
        %get3A_542 = arith.index_cast %scan3A_95 : i32 to index
        %get3A_543 = arith.constant 512 : index
        %get3A_544 = tpu.vector_load %arg7[%get3A_542, %get3A_543] {strides = array<i32>} : memref<18x768xf32, #tpu.memory_space<vmem>>, vector<1x16xf32>,
        %get3A_545 = vector.shape_cast %get3A_544 : vector<1x16xf32> to vector<16xf32>
        %get3A_546 = arith.index_cast %scan3A_95 : i32 to index
        %get3A_547 = arith.constant 512 : index
        %get3A_548 = tpu.vector_load %arg5[%get3A_546, %get3A_547] {strides = array<i32>} : memref<18x768xf32, #tpu.memory_space<vmem>>, vector<1x16xf32>,
        %get3A_549 = vector.shape_cast %get3A_548 : vector<1x16xf32> to vector<16xf32>
        %add3A_550 = arith.addf %get3A_545, %get3A_549 : vector<16xf32>
        %swap3A_551 = arith.index_cast %scan3A_95 : i32 to index
        %swap3A_552 = arith.constant 512 : index
        %swap3A_553 = tpu.vector_load %arg9[%swap3A_551, %swap3A_552] {strides = array<i32>} : memref<18x768xf32, #tpu.memory_space<vmem>>, vector<1x16xf32>,
        %swap3A_554 = vector.shape_cast %swap3A_553 : vector<1x16xf32> to vector<16xf32>
        %swap3A_555 = vector.shape_cast %add3A_550 : vector<16xf32> to vector<1x16xf32>
        tpu.vector_store %arg9[%swap3A_551, %swap3A_552], %swap3A_555 {strides = array<i32>} : memref<18x768xf32, #tpu.memory_space<vmem>>, vector<1x16xf32>,
        %get3A_556 = arith.index_cast %scan3A_95 : i32 to index
        %get3A_557 = arith.constant 528 : index
        %get3A_558 = tpu.vector_load %arg7[%get3A_556, %get3A_557] {strides = array<i32>} : memref<18x768xf32, #tpu.memory_space<vmem>>, vector<1x16xf32>,
        %get3A_559 = vector.shape_cast %get3A_558 : vector<1x16xf32> to vector<16xf32>
        %get3A_560 = arith.index_cast %scan3A_95 : i32 to index
        %get3A_561 = arith.constant 528 : index
        %get3A_562 = tpu.vector_load %arg5[%get3A_560, %get3A_561] {strides = array<i32>} : memref<18x768xf32, #tpu.memory_space<vmem>>, vector<1x16xf32>,
        %get3A_563 = vector.shape_cast %get3A_562 : vector<1x16xf32> to vector<16xf32>
        %add3A_564 = arith.addf %get3A_559, %get3A_563 : vector<16xf32>
        %swap3A_565 = arith.index_cast %scan3A_95 : i32 to index
        %swap3A_566 = arith.constant 528 : index
        %swap3A_567 = tpu.vector_load %arg9[%swap3A_565, %swap3A_566] {strides = array<i32>} : memref<18x768xf32, #tpu.memory_space<vmem>>, vector<1x16xf32>,
        %swap3A_568 = vector.shape_cast %swap3A_567 : vector<1x16xf32> to vector<16xf32>
        %swap3A_569 = vector.shape_cast %add3A_564 : vector<16xf32> to vector<1x16xf32>
        tpu.vector_store %arg9[%swap3A_565, %swap3A_566], %swap3A_569 {strides = array<i32>} : memref<18x768xf32, #tpu.memory_space<vmem>>, vector<1x16xf32>,
        %get3A_570 = arith.index_cast %scan3A_95 : i32 to index
        %get3A_571 = arith.constant 544 : index
        %get3A_572 = tpu.vector_load %arg7[%get3A_570, %get3A_571] {strides = array<i32>} : memref<18x768xf32, #tpu.memory_space<vmem>>, vector<1x16xf32>,
        %get3A_573 = vector.shape_cast %get3A_572 : vector<1x16xf32> to vector<16xf32>
        %get3A_574 = arith.index_cast %scan3A_95 : i32 to index
        %get3A_575 = arith.constant 544 : index
        %get3A_576 = tpu.vector_load %arg5[%get3A_574, %get3A_575] {strides = array<i32>} : memref<18x768xf32, #tpu.memory_space<vmem>>, vector<1x16xf32>,
        %get3A_577 = vector.shape_cast %get3A_576 : vector<1x16xf32> to vector<16xf32>
        %add3A_578 = arith.addf %get3A_573, %get3A_577 : vector<16xf32>
        %swap3A_579 = arith.index_cast %scan3A_95 : i32 to index
        %swap3A_580 = arith.constant 544 : index
        %swap3A_581 = tpu.vector_load %arg9[%swap3A_579, %swap3A_580] {strides = array<i32>} : memref<18x768xf32, #tpu.memory_space<vmem>>, vector<1x16xf32>,
        %swap3A_582 = vector.shape_cast %swap3A_581 : vector<1x16xf32> to vector<16xf32>
        %swap3A_583 = vector.shape_cast %add3A_578 : vector<16xf32> to vector<1x16xf32>
        tpu.vector_store %arg9[%swap3A_579, %swap3A_580], %swap3A_583 {strides = array<i32>} : memref<18x768xf32, #tpu.memory_space<vmem>>, vector<1x16xf32>,
        %get3A_584 = arith.index_cast %scan3A_95 : i32 to index
        %get3A_585 = arith.constant 560 : index
        %get3A_586 = tpu.vector_load %arg7[%get3A_584, %get3A_585] {strides = array<i32>} : memref<18x768xf32, #tpu.memory_space<vmem>>, vector<1x16xf32>,
        %get3A_587 = vector.shape_cast %get3A_586 : vector<1x16xf32> to vector<16xf32>
        %get3A_588 = arith.index_cast %scan3A_95 : i32 to index
        %get3A_589 = arith.constant 560 : index
        %get3A_590 = tpu.vector_load %arg5[%get3A_588, %get3A_589] {strides = array<i32>} : memref<18x768xf32, #tpu.memory_space<vmem>>, vector<1x16xf32>,
        %get3A_591 = vector.shape_cast %get3A_590 : vector<1x16xf32> to vector<16xf32>
        %add3A_592 = arith.addf %get3A_587, %get3A_591 : vector<16xf32>
        %swap3A_593 = arith.index_cast %scan3A_95 : i32 to index
        %swap3A_594 = arith.constant 560 : index
        %swap3A_595 = tpu.vector_load %arg9[%swap3A_593, %swap3A_594] {strides = array<i32>} : memref<18x768xf32, #tpu.memory_space<vmem>>, vector<1x16xf32>,
        %swap3A_596 = vector.shape_cast %swap3A_595 : vector<1x16xf32> to vector<16xf32>
        %swap3A_597 = vector.shape_cast %add3A_592 : vector<16xf32> to vector<1x16xf32>
        tpu.vector_store %arg9[%swap3A_593, %swap3A_594], %swap3A_597 {strides = array<i32>} : memref<18x768xf32, #tpu.memory_space<vmem>>, vector<1x16xf32>,
        %get3A_598 = arith.index_cast %scan3A_95 : i32 to index
        %get3A_599 = arith.constant 576 : index
        %get3A_600 = tpu.vector_load %arg7[%get3A_598, %get3A_599] {strides = array<i32>} : memref<18x768xf32, #tpu.memory_space<vmem>>, vector<1x16xf32>,
        %get3A_601 = vector.shape_cast %get3A_600 : vector<1x16xf32> to vector<16xf32>
        %get3A_602 = arith.index_cast %scan3A_95 : i32 to index
        %get3A_603 = arith.constant 576 : index
        %get3A_604 = tpu.vector_load %arg5[%get3A_602, %get3A_603] {strides = array<i32>} : memref<18x768xf32, #tpu.memory_space<vmem>>, vector<1x16xf32>,
        %get3A_605 = vector.shape_cast %get3A_604 : vector<1x16xf32> to vector<16xf32>
        %add3A_606 = arith.addf %get3A_601, %get3A_605 : vector<16xf32>
        %swap3A_607 = arith.index_cast %scan3A_95 : i32 to index
        %swap3A_608 = arith.constant 576 : index
        %swap3A_609 = tpu.vector_load %arg9[%swap3A_607, %swap3A_608] {strides = array<i32>} : memref<18x768xf32, #tpu.memory_space<vmem>>, vector<1x16xf32>,
        %swap3A_610 = vector.shape_cast %swap3A_609 : vector<1x16xf32> to vector<16xf32>
        %swap3A_611 = vector.shape_cast %add3A_606 : vector<16xf32> to vector<1x16xf32>
        tpu.vector_store %arg9[%swap3A_607, %swap3A_608], %swap3A_611 {strides = array<i32>} : memref<18x768xf32, #tpu.memory_space<vmem>>, vector<1x16xf32>,
        %get3A_612 = arith.index_cast %scan3A_95 : i32 to index
        %get3A_613 = arith.constant 592 : index
        %get3A_614 = tpu.vector_load %arg7[%get3A_612, %get3A_613] {strides = array<i32>} : memref<18x768xf32, #tpu.memory_space<vmem>>, vector<1x16xf32>,
        %get3A_615 = vector.shape_cast %get3A_614 : vector<1x16xf32> to vector<16xf32>
        %get3A_616 = arith.index_cast %scan3A_95 : i32 to index
        %get3A_617 = arith.constant 592 : index
        %get3A_618 = tpu.vector_load %arg5[%get3A_616, %get3A_617] {strides = array<i32>} : memref<18x768xf32, #tpu.memory_space<vmem>>, vector<1x16xf32>,
        %get3A_619 = vector.shape_cast %get3A_618 : vector<1x16xf32> to vector<16xf32>
        %add3A_620 = arith.addf %get3A_615, %get3A_619 : vector<16xf32>
        %swap3A_621 = arith.index_cast %scan3A_95 : i32 to index
        %swap3A_622 = arith.constant 592 : index
        %swap3A_623 = tpu.vector_load %arg9[%swap3A_621, %swap3A_622] {strides = array<i32>} : memref<18x768xf32, #tpu.memory_space<vmem>>, vector<1x16xf32>,
        %swap3A_624 = vector.shape_cast %swap3A_623 : vector<1x16xf32> to vector<16xf32>
        %swap3A_625 = vector.shape_cast %add3A_620 : vector<16xf32> to vector<1x16xf32>
        tpu.vector_store %arg9[%swap3A_621, %swap3A_622], %swap3A_625 {strides = array<i32>} : memref<18x768xf32, #tpu.memory_space<vmem>>, vector<1x16xf32>,
        %get3A_626 = arith.index_cast %scan3A_95 : i32 to index
        %get3A_627 = arith.constant 608 : index
        %get3A_628 = tpu.vector_load %arg7[%get3A_626, %get3A_627] {strides = array<i32>} : memref<18x768xf32, #tpu.memory_space<vmem>>, vector<1x16xf32>,
        %get3A_629 = vector.shape_cast %get3A_628 : vector<1x16xf32> to vector<16xf32>
        %get3A_630 = arith.index_cast %scan3A_95 : i32 to index
        %get3A_631 = arith.constant 608 : index
        %get3A_632 = tpu.vector_load %arg5[%get3A_630, %get3A_631] {strides = array<i32>} : memref<18x768xf32, #tpu.memory_space<vmem>>, vector<1x16xf32>,
        %get3A_633 = vector.shape_cast %get3A_632 : vector<1x16xf32> to vector<16xf32>
        %add3A_634 = arith.addf %get3A_629, %get3A_633 : vector<16xf32>
        %swap3A_635 = arith.index_cast %scan3A_95 : i32 to index
        %swap3A_636 = arith.constant 608 : index
        %swap3A_637 = tpu.vector_load %arg9[%swap3A_635, %swap3A_636] {strides = array<i32>} : memref<18x768xf32, #tpu.memory_space<vmem>>, vector<1x16xf32>,
        %swap3A_638 = vector.shape_cast %swap3A_637 : vector<1x16xf32> to vector<16xf32>
        %swap3A_639 = vector.shape_cast %add3A_634 : vector<16xf32> to vector<1x16xf32>
        tpu.vector_store %arg9[%swap3A_635, %swap3A_636], %swap3A_639 {strides = array<i32>} : memref<18x768xf32, #tpu.memory_space<vmem>>, vector<1x16xf32>,
        %get3A_640 = arith.index_cast %scan3A_95 : i32 to index
        %get3A_641 = arith.constant 624 : index
        %get3A_642 = tpu.vector_load %arg7[%get3A_640, %get3A_641] {strides = array<i32>} : memref<18x768xf32, #tpu.memory_space<vmem>>, vector<1x16xf32>,
        %get3A_643 = vector.shape_cast %get3A_642 : vector<1x16xf32> to vector<16xf32>
        %get3A_644 = arith.index_cast %scan3A_95 : i32 to index
        %get3A_645 = arith.constant 624 : index
        %get3A_646 = tpu.vector_load %arg5[%get3A_644, %get3A_645] {strides = array<i32>} : memref<18x768xf32, #tpu.memory_space<vmem>>, vector<1x16xf32>,
        %get3A_647 = vector.shape_cast %get3A_646 : vector<1x16xf32> to vector<16xf32>
        %add3A_648 = arith.addf %get3A_643, %get3A_647 : vector<16xf32>
        %swap3A_649 = arith.index_cast %scan3A_95 : i32 to index
        %swap3A_650 = arith.constant 624 : index
        %swap3A_651 = tpu.vector_load %arg9[%swap3A_649, %swap3A_650] {strides = array<i32>} : memref<18x768xf32, #tpu.memory_space<vmem>>, vector<1x16xf32>,
        %swap3A_652 = vector.shape_cast %swap3A_651 : vector<1x16xf32> to vector<16xf32>
        %swap3A_653 = vector.shape_cast %add3A_648 : vector<16xf32> to vector<1x16xf32>
        tpu.vector_store %arg9[%swap3A_649, %swap3A_650], %swap3A_653 {strides = array<i32>} : memref<18x768xf32, #tpu.memory_space<vmem>>, vector<1x16xf32>,
        %get3A_654 = arith.index_cast %scan3A_95 : i32 to index
        %get3A_655 = arith.constant 640 : index
        %get3A_656 = tpu.vector_load %arg7[%get3A_654, %get3A_655] {strides = array<i32>} : memref<18x768xf32, #tpu.memory_space<vmem>>, vector<1x16xf32>,
        %get3A_657 = vector.shape_cast %get3A_656 : vector<1x16xf32> to vector<16xf32>
        %get3A_658 = arith.index_cast %scan3A_95 : i32 to index
        %get3A_659 = arith.constant 640 : index
        %get3A_660 = tpu.vector_load %arg5[%get3A_658, %get3A_659] {strides = array<i32>} : memref<18x768xf32, #tpu.memory_space<vmem>>, vector<1x16xf32>,
        %get3A_661 = vector.shape_cast %get3A_660 : vector<1x16xf32> to vector<16xf32>
        %add3A_662 = arith.addf %get3A_657, %get3A_661 : vector<16xf32>
        %swap3A_663 = arith.index_cast %scan3A_95 : i32 to index
        %swap3A_664 = arith.constant 640 : index
        %swap3A_665 = tpu.vector_load %arg9[%swap3A_663, %swap3A_664] {strides = array<i32>} : memref<18x768xf32, #tpu.memory_space<vmem>>, vector<1x16xf32>,
        %swap3A_666 = vector.shape_cast %swap3A_665 : vector<1x16xf32> to vector<16xf32>
        %swap3A_667 = vector.shape_cast %add3A_662 : vector<16xf32> to vector<1x16xf32>
        tpu.vector_store %arg9[%swap3A_663, %swap3A_664], %swap3A_667 {strides = array<i32>} : memref<18x768xf32, #tpu.memory_space<vmem>>, vector<1x16xf32>,
        %get3A_668 = arith.index_cast %scan3A_95 : i32 to index
        %get3A_669 = arith.constant 656 : index
        %get3A_670 = tpu.vector_load %arg7[%get3A_668, %get3A_669] {strides = array<i32>} : memref<18x768xf32, #tpu.memory_space<vmem>>, vector<1x16xf32>,
        %get3A_671 = vector.shape_cast %get3A_670 : vector<1x16xf32> to vector<16xf32>
        %get3A_672 = arith.index_cast %scan3A_95 : i32 to index
        %get3A_673 = arith.constant 656 : index
        %get3A_674 = tpu.vector_load %arg5[%get3A_672, %get3A_673] {strides = array<i32>} : memref<18x768xf32, #tpu.memory_space<vmem>>, vector<1x16xf32>,
        %get3A_675 = vector.shape_cast %get3A_674 : vector<1x16xf32> to vector<16xf32>
        %add3A_676 = arith.addf %get3A_671, %get3A_675 : vector<16xf32>
        %swap3A_677 = arith.index_cast %scan3A_95 : i32 to index
        %swap3A_678 = arith.constant 656 : index
        %swap3A_679 = tpu.vector_load %arg9[%swap3A_677, %swap3A_678] {strides = array<i32>} : memref<18x768xf32, #tpu.memory_space<vmem>>, vector<1x16xf32>,
        %swap3A_680 = vector.shape_cast %swap3A_679 : vector<1x16xf32> to vector<16xf32>
        %swap3A_681 = vector.shape_cast %add3A_676 : vector<16xf32> to vector<1x16xf32>
        tpu.vector_store %arg9[%swap3A_677, %swap3A_678], %swap3A_681 {strides = array<i32>} : memref<18x768xf32, #tpu.memory_space<vmem>>, vector<1x16xf32>,
        %get3A_682 = arith.index_cast %scan3A_95 : i32 to index
        %get3A_683 = arith.constant 672 : index
        %get3A_684 = tpu.vector_load %arg7[%get3A_682, %get3A_683] {strides = array<i32>} : memref<18x768xf32, #tpu.memory_space<vmem>>, vector<1x16xf32>,
        %get3A_685 = vector.shape_cast %get3A_684 : vector<1x16xf32> to vector<16xf32>
        %get3A_686 = arith.index_cast %scan3A_95 : i32 to index
        %get3A_687 = arith.constant 672 : index
        %get3A_688 = tpu.vector_load %arg5[%get3A_686, %get3A_687] {strides = array<i32>} : memref<18x768xf32, #tpu.memory_space<vmem>>, vector<1x16xf32>,
        %get3A_689 = vector.shape_cast %get3A_688 : vector<1x16xf32> to vector<16xf32>
        %add3A_690 = arith.addf %get3A_685, %get3A_689 : vector<16xf32>
        %swap3A_691 = arith.index_cast %scan3A_95 : i32 to index
        %swap3A_692 = arith.constant 672 : index
        %swap3A_693 = tpu.vector_load %arg9[%swap3A_691, %swap3A_692] {strides = array<i32>} : memref<18x768xf32, #tpu.memory_space<vmem>>, vector<1x16xf32>,
        %swap3A_694 = vector.shape_cast %swap3A_693 : vector<1x16xf32> to vector<16xf32>
        %swap3A_695 = vector.shape_cast %add3A_690 : vector<16xf32> to vector<1x16xf32>
        tpu.vector_store %arg9[%swap3A_691, %swap3A_692], %swap3A_695 {strides = array<i32>} : memref<18x768xf32, #tpu.memory_space<vmem>>, vector<1x16xf32>,
        %get3A_696 = arith.index_cast %scan3A_95 : i32 to index
        %get3A_697 = arith.constant 688 : index
        %get3A_698 = tpu.vector_load %arg7[%get3A_696, %get3A_697] {strides = array<i32>} : memref<18x768xf32, #tpu.memory_space<vmem>>, vector<1x16xf32>,
        %get3A_699 = vector.shape_cast %get3A_698 : vector<1x16xf32> to vector<16xf32>
        %get3A_700 = arith.index_cast %scan3A_95 : i32 to index
        %get3A_701 = arith.constant 688 : index
        %get3A_702 = tpu.vector_load %arg5[%get3A_700, %get3A_701] {strides = array<i32>} : memref<18x768xf32, #tpu.memory_space<vmem>>, vector<1x16xf32>,
        %get3A_703 = vector.shape_cast %get3A_702 : vector<1x16xf32> to vector<16xf32>
        %add3A_704 = arith.addf %get3A_699, %get3A_703 : vector<16xf32>
        %swap3A_705 = arith.index_cast %scan3A_95 : i32 to index
        %swap3A_706 = arith.constant 688 : index
        %swap3A_707 = tpu.vector_load %arg9[%swap3A_705, %swap3A_706] {strides = array<i32>} : memref<18x768xf32, #tpu.memory_space<vmem>>, vector<1x16xf32>,
        %swap3A_708 = vector.shape_cast %swap3A_707 : vector<1x16xf32> to vector<16xf32>
        %swap3A_709 = vector.shape_cast %add3A_704 : vector<16xf32> to vector<1x16xf32>
        tpu.vector_store %arg9[%swap3A_705, %swap3A_706], %swap3A_709 {strides = array<i32>} : memref<18x768xf32, #tpu.memory_space<vmem>>, vector<1x16xf32>,
        %get3A_710 = arith.index_cast %scan3A_95 : i32 to index
        %get3A_711 = arith.constant 704 : index
        %get3A_712 = tpu.vector_load %arg7[%get3A_710, %get3A_711] {strides = array<i32>} : memref<18x768xf32, #tpu.memory_space<vmem>>, vector<1x16xf32>,
        %get3A_713 = vector.shape_cast %get3A_712 : vector<1x16xf32> to vector<16xf32>
        %get3A_714 = arith.index_cast %scan3A_95 : i32 to index
        %get3A_715 = arith.constant 704 : index
        %get3A_716 = tpu.vector_load %arg5[%get3A_714, %get3A_715] {strides = array<i32>} : memref<18x768xf32, #tpu.memory_space<vmem>>, vector<1x16xf32>,
        %get3A_717 = vector.shape_cast %get3A_716 : vector<1x16xf32> to vector<16xf32>
        %add3A_718 = arith.addf %get3A_713, %get3A_717 : vector<16xf32>
        %swap3A_719 = arith.index_cast %scan3A_95 : i32 to index
        %swap3A_720 = arith.constant 704 : index
        %swap3A_721 = tpu.vector_load %arg9[%swap3A_719, %swap3A_720] {strides = array<i32>} : memref<18x768xf32, #tpu.memory_space<vmem>>, vector<1x16xf32>,
        %swap3A_722 = vector.shape_cast %swap3A_721 : vector<1x16xf32> to vector<16xf32>
        %swap3A_723 = vector.shape_cast %add3A_718 : vector<16xf32> to vector<1x16xf32>
        tpu.vector_store %arg9[%swap3A_719, %swap3A_720], %swap3A_723 {strides = array<i32>} : memref<18x768xf32, #tpu.memory_space<vmem>>, vector<1x16xf32>,
        %get3A_724 = arith.index_cast %scan3A_95 : i32 to index
        %get3A_725 = arith.constant 720 : index
        %get3A_726 = tpu.vector_load %arg7[%get3A_724, %get3A_725] {strides = array<i32>} : memref<18x768xf32, #tpu.memory_space<vmem>>, vector<1x16xf32>,
        %get3A_727 = vector.shape_cast %get3A_726 : vector<1x16xf32> to vector<16xf32>
        %get3A_728 = arith.index_cast %scan3A_95 : i32 to index
        %get3A_729 = arith.constant 720 : index
        %get3A_730 = tpu.vector_load %arg5[%get3A_728, %get3A_729] {strides = array<i32>} : memref<18x768xf32, #tpu.memory_space<vmem>>, vector<1x16xf32>,
        %get3A_731 = vector.shape_cast %get3A_730 : vector<1x16xf32> to vector<16xf32>
        %add3A_732 = arith.addf %get3A_727, %get3A_731 : vector<16xf32>
        %swap3A_733 = arith.index_cast %scan3A_95 : i32 to index
        %swap3A_734 = arith.constant 720 : index
        %swap3A_735 = tpu.vector_load %arg9[%swap3A_733, %swap3A_734] {strides = array<i32>} : memref<18x768xf32, #tpu.memory_space<vmem>>, vector<1x16xf32>,
        %swap3A_736 = vector.shape_cast %swap3A_735 : vector<1x16xf32> to vector<16xf32>
        %swap3A_737 = vector.shape_cast %add3A_732 : vector<16xf32> to vector<1x16xf32>
        tpu.vector_store %arg9[%swap3A_733, %swap3A_734], %swap3A_737 {strides = array<i32>} : memref<18x768xf32, #tpu.memory_space<vmem>>, vector<1x16xf32>,
        %get3A_738 = arith.index_cast %scan3A_95 : i32 to index
        %get3A_739 = arith.constant 736 : index
        %get3A_740 = tpu.vector_load %arg7[%get3A_738, %get3A_739] {strides = array<i32>} : memref<18x768xf32, #tpu.memory_space<vmem>>, vector<1x16xf32>,
        %get3A_741 = vector.shape_cast %get3A_740 : vector<1x16xf32> to vector<16xf32>
        %get3A_742 = arith.index_cast %scan3A_95 : i32 to index
        %get3A_743 = arith.constant 736 : index
        %get3A_744 = tpu.vector_load %arg5[%get3A_742, %get3A_743] {strides = array<i32>} : memref<18x768xf32, #tpu.memory_space<vmem>>, vector<1x16xf32>,
        %get3A_745 = vector.shape_cast %get3A_744 : vector<1x16xf32> to vector<16xf32>
        %add3A_746 = arith.addf %get3A_741, %get3A_745 : vector<16xf32>
        %swap3A_747 = arith.index_cast %scan3A_95 : i32 to index
        %swap3A_748 = arith.constant 736 : index
        %swap3A_749 = tpu.vector_load %arg9[%swap3A_747, %swap3A_748] {strides = array<i32>} : memref<18x768xf32, #tpu.memory_space<vmem>>, vector<1x16xf32>,
        %swap3A_750 = vector.shape_cast %swap3A_749 : vector<1x16xf32> to vector<16xf32>
        %swap3A_751 = vector.shape_cast %add3A_746 : vector<16xf32> to vector<1x16xf32>
        tpu.vector_store %arg9[%swap3A_747, %swap3A_748], %swap3A_751 {strides = array<i32>} : memref<18x768xf32, #tpu.memory_space<vmem>>, vector<1x16xf32>,
        %get3A_752 = arith.index_cast %scan3A_95 : i32 to index
        %get3A_753 = arith.constant 752 : index
        %get3A_754 = tpu.vector_load %arg7[%get3A_752, %get3A_753] {strides = array<i32>} : memref<18x768xf32, #tpu.memory_space<vmem>>, vector<1x16xf32>,
        %get3A_755 = vector.shape_cast %get3A_754 : vector<1x16xf32> to vector<16xf32>
        %get3A_756 = arith.index_cast %scan3A_95 : i32 to index
        %get3A_757 = arith.constant 752 : index
        %get3A_758 = tpu.vector_load %arg5[%get3A_756, %get3A_757] {strides = array<i32>} : memref<18x768xf32, #tpu.memory_space<vmem>>, vector<1x16xf32>,
        %get3A_759 = vector.shape_cast %get3A_758 : vector<1x16xf32> to vector<16xf32>
        %add3A_760 = arith.addf %get3A_755, %get3A_759 : vector<16xf32>
        %swap3A_761 = arith.index_cast %scan3A_95 : i32 to index
        %swap3A_762 = arith.constant 752 : index
        %swap3A_763 = tpu.vector_load %arg9[%swap3A_761, %swap3A_762] {strides = array<i32>} : memref<18x768xf32, #tpu.memory_space<vmem>>, vector<1x16xf32>,
        %swap3A_764 = vector.shape_cast %swap3A_763 : vector<1x16xf32> to vector<16xf32>
        %swap3A_765 = vector.shape_cast %add3A_760 : vector<16xf32> to vector<1x16xf32>
        tpu.vector_store %arg9[%swap3A_761, %swap3A_762], %swap3A_765 {strides = array<i32>} : memref<18x768xf32, #tpu.memory_space<vmem>>, vector<1x16xf32>,
      }
      %scan3A_83 = arith.constant 18 : i32
      %lt3A_84 = arith.constant 31 : i32
      %lt3A_85 = arith.cmpi slt, %scan3A_34, %lt3A_84 : i32
      %convert_element_type3A_86 = arith.extui %lt3A_85 : i1 to i32
      %cond3A_87 = arith.constant 0 : i32
      %cond3A_88 = arith.cmpi ne, %convert_element_type3A_86, %cond3A_87 : i32
      scf.if %cond3A_88 {
        %add3A_95 = arith.constant 2 : i32
        %add3A_96 = arith.addi %add3A_66, %add3A_95 : i32
        %dma_start3A_97 = arith.constant 0 : i32
        %dma_start3A_98 = tpu.memref_slice %arg2[%add3A_96, %mul3A_2, %dma_start3A_97] : memref<64x576x768xf32, #tpu.memory_space<hbm>> -> memref<1x18x768xf32, #tpu.memory_space<hbm>>
        %dma_start3A_99 = tpu.memref_squeeze %dma_start3A_98 : memref<1x18x768xf32, #tpu.memory_space<hbm>> -> memref<18x768xf32, #tpu.memory_space<hbm>>
        %dma_start3A_100 = arith.constant 0 : i32
        %dma_start3A_101 = tpu.memref_slice %arg2[%add3A_96, %mul3A_2, %dma_start3A_100] : memref<64x576x768xf32, #tpu.memory_space<hbm>> -> memref<1x18x768xf32, #tpu.memory_space<hbm>>
        %dma_start3A_102 = tpu.memref_squeeze %dma_start3A_101 : memref<1x18x768xf32, #tpu.memory_space<hbm>> -> memref<18x768xf32, #tpu.memory_space<hbm>>
        tpu.enqueue_dma source(%dma_start3A_102 : memref<18x768xf32, #tpu.memory_space<hbm>>) target(%arg7 : memref<18x768xf32, #tpu.memory_space<vmem>>) target_semaphore(%arg11 : memref<!tpu.dma_semaphore, #tpu.memory_space<semaphore_mem>>)
      } else {
      }
      %dma_start3A_89 = arith.constant 0 : i32
      %dma_start3A_90 = tpu.memref_slice %arg4[%add3A_66, %mul3A_2, %dma_start3A_89] : memref<64x576x768xf32, #tpu.memory_space<hbm>> -> memref<1x18x768xf32, #tpu.memory_space<hbm>>
      %dma_start3A_91 = tpu.memref_squeeze %dma_start3A_90 : memref<1x18x768xf32, #tpu.memory_space<hbm>> -> memref<18x768xf32, #tpu.memory_space<hbm>>
      %dma_start3A_92 = arith.constant 0 : i32
      %dma_start3A_93 = tpu.memref_slice %arg4[%add3A_66, %mul3A_2, %dma_start3A_92] : memref<64x576x768xf32, #tpu.memory_space<hbm>> -> memref<1x18x768xf32, #tpu.memory_space<hbm>>
      %dma_start3A_94 = tpu.memref_squeeze %dma_start3A_93 : memref<1x18x768xf32, #tpu.memory_space<hbm>> -> memref<18x768xf32, #tpu.memory_space<hbm>>
      tpu.enqueue_dma source(%arg9 : memref<18x768xf32, #tpu.memory_space<vmem>>) target(%dma_start3A_94 : memref<18x768xf32, #tpu.memory_space<hbm>>) target_semaphore(%arg13 : memref<!tpu.dma_semaphore, #tpu.memory_space<semaphore_mem>>)
    }
    %scan3A_20 = arith.constant 32 : i32
    %dma_wait3A = arith.constant 62 : i32
    %dma_wait3A_21 = arith.constant 0 : i32
    %dma_wait3A_22 = tpu.memref_slice %arg4[%dma_wait3A, %mul3A_2, %dma_wait3A_21] : memref<64x576x768xf32, #tpu.memory_space<hbm>> -> memref<1x18x768xf32, #tpu.memory_space<hbm>>
    %dma_wait3A_23 = tpu.memref_squeeze %dma_wait3A_22 : memref<1x18x768xf32, #tpu.memory_space<hbm>> -> memref<18x768xf32, #tpu.memory_space<hbm>>
    %dma_wait3A_24 = arith.constant 0 : i32
    %dma_wait3A_25 = tpu.memref_slice %arg4[%dma_wait3A, %mul3A_2, %dma_wait3A_24] : memref<64x576x768xf32, #tpu.memory_space<hbm>> -> memref<1x18x768xf32, #tpu.memory_space<hbm>>
    %dma_wait3A_26 = tpu.memref_squeeze %dma_wait3A_25 : memref<1x18x768xf32, #tpu.memory_space<hbm>> -> memref<18x768xf32, #tpu.memory_space<hbm>>
    tpu.wait_dma2 semaphore(%arg12 : memref<!tpu.dma_semaphore, #tpu.memory_space<semaphore_mem>>) src(%arg8 : memref<18x768xf32, #tpu.memory_space<vmem>>) dst(%dma_wait3A_26 : memref<18x768xf32, #tpu.memory_space<hbm>>)
    %dma_wait3A_27 = arith.constant 63 : i32
    %dma_wait3A_28 = arith.constant 0 : i32
    %dma_wait3A_29 = tpu.memref_slice %arg4[%dma_wait3A_27, %mul3A_2, %dma_wait3A_28] : memref<64x576x768xf32, #tpu.memory_space<hbm>> -> memref<1x18x768xf32, #tpu.memory_space<hbm>>
    %dma_wait3A_30 = tpu.memref_squeeze %dma_wait3A_29 : memref<1x18x768xf32, #tpu.memory_space<hbm>> -> memref<18x768xf32, #tpu.memory_space<hbm>>
    %dma_wait3A_31 = arith.constant 0 : i32
    %dma_wait3A_32 = tpu.memref_slice %arg4[%dma_wait3A_27, %mul3A_2, %dma_wait3A_31] : memref<64x576x768xf32, #tpu.memory_space<hbm>> -> memref<1x18x768xf32, #tpu.memory_space<hbm>>
    %dma_wait3A_33 = tpu.memref_squeeze %dma_wait3A_32 : memref<1x18x768xf32, #tpu.memory_space<hbm>> -> memref<18x768xf32, #tpu.memory_space<hbm>>
    tpu.wait_dma2 semaphore(%arg13 : memref<!tpu.dma_semaphore, #tpu.memory_space<semaphore_mem>>) src(%arg9 : memref<18x768xf32, #tpu.memory_space<vmem>>) dst(%dma_wait3A_33 : memref<18x768xf32, #tpu.memory_space<hbm>>)
    return
  }
}

</mosaic_0001>

<sc_bundles>
// kernel: kernel.3.cloned.1.call-start
scs
__scs_entry_jumppad:
0x0: {  	(pc) =	sbr.rel $0x88, $3  }
0x1: {  	(tag) =	ssettag $0x0;
	lr =	simm.s32 $0x1  }
0x2: {  	[smem:$0x3F9F] =	sst lr;
	_ =	strace $0xD0000000  }
0x3: {  	_ = 	snop  }
0x4: {  	_ = 	snop  }
0x5: {  	_ = 	snop  }
0x6: {  	_ = 	snop  }
0x7: {  	_ = 	snop  }
__scs_overlays_trampoline_lowered:
0x8: {  	[smem:$0x3FAE] =	sst s0  }
0x9: {  	[smem:$0x3FAF] =	sst s1  }
0xa: {  	[smem:$0x3FB0] =	sst s2  }
0xb: {  	[smem:$0x3FB1] =	sst s3  }
0xc: {  	[smem:$0x3FB2] =	sst s4  }
0xd: {  	[smem:$0x3FB3] =	sst s5  }
0xe: {  	[smem:$0x3FB4] =	sst s6  }
0xf: {  	[smem:$0x3FB5] =	sst s7  }
0x10: {  	[smem:$0x3FB6] =	sst s8  }
0x11: {  	[smem:$0x3FB7] =	sst s9;
	s0 =	simm.s32 @!p0 $0x0  }
0x12: {  	s1 =	sld [smem:$0x3F9D];
	s0 =	simm.s32 @p0 $0x1  }
0x13: {  	[smem:$0x3FB8] =	sst s0;
	s0 =	simm.s32 @!p1 $0x0  }
0x14: {  	s2 =	sld [smem:$0x3F9C];
	s0 =	simm.s32 @p1 $0x1  }
0x15: {  	[smem:$0x3FB9] =	sst s0;
	s0 =	simm.s32 @!p2 $0x0  }
0x16: {  	s3 =	sld [smem:$0x3FDB];
	s0 =	simm.s32 @p2 $0x1  }
0x17: {  	s4 =	simm.s32 $0x1BF5;
	[smem:$0x3FBB] =	sst s0  }
0x18: {  	s0 =	sld [smem:$0x3F9E];
	_ =	swait.ge [sflag:s4], $0x0  }
0x19: {  	s7 =	sld [smem:$0x3F9F]  }
0x1a: {  	s8 =	sadd.s32 $0xFFFFE003, lr  }
0x1b: {  	s9 =	sadd.s32 $0xFFFFFEF7, lr;
	s5 =	simm.s32 $0xFFFFFFFF;
	p2 =	slt.u32 s8, $0xFFFFF086  }
0x1c: {  	p1 =	slt.u32 s9, $0xF7A;
	s5 =	simm.s32 @!p2 $0x0  }
0x1d: {  	s5 =	simm.s32 @p1 $0x1;
	p0 =	seq.s32 s7, s2  }
0x1e: {  	s7 =	smul.u32 @!p0 $0xF7A, s2;
	p2 =	seq.s32 @!p0 s5, $0x0  }
0x1f: {  	s9 =	smul.u32 $0xF7A, s1;
	s8 =	simm.s32 @!p0 $0x1BF5;
	p2 =	por !p2, p0  }
0x20: {  	[sflag:s8] =	ssyncset.s32 @!p0 $0xFFFFF086;
	s6 =	sadd.s32 @!p0 s3, s7;
	s7 =	simm.s32 @!p0 $0x108  }
0x21: {  	s3 =	sadd.s32 s3, s9;
	s6 =	sadd.s32 @!p0 $0x88, s6;
	s7 =	simm.s32 @p2 $0x1082  }
0x22: {  	[simem:s7], [sflag:s8] =	dma.local @!p0 [hbm:s6], $0xF7A  }
0x23: {  	s9 =	sor.u32 $0xD0000000, s2;
	s6 =	simm.s32 $0x108;
	_ =	swait.ge @!p0 [sflag:s8], $0x0  }
0x24: {  	s3 =	sadd.s32 $0x88, s3;
	s6 =	simm.s32 @!p1 $0x1082;
	[sflag:s4] =	ssyncset.s32 $0xFFFFF086  }
0x25: {  	[simem:s6], [sflag:s4] =	dma.local [hbm:s3], $0xF7A  }
0x26: {  	[smem:$0x3F9F] =	sst s1;
	(tag) =	ssettag s2;
	_ =	strace s9  }
0x27: {  	s1 =	sld [smem:$0x3FAF]  }
0x28: {  	s2 =	sld [smem:$0x3FB0]  }
0x29: {  	s4 =	sld [smem:$0x3FB2]  }
0x2a: {  	p0 =	seq.s32 s5, $0x0;
	s5 =	sld [smem:$0x3FB3]  }
0x2b: {  	s6 =	sld [smem:$0x3FB4]  }
0x2c: {  	s7 =	sld [smem:$0x3FB5]  }
0x2d: {  	s3 =	simm.s32 $0x108;
	s8 =	sld [smem:$0x3FB6]  }
0x2e: {  	s3 =	simm.s32 @!p0 $0x1082;
	s9 =	sld [smem:$0x3FB7]  }
0x2f: {  	lr =	sadd.s32 s0, s3;
	s0 =	sld [smem:$0x3FAE]  }
0x30: {  	s3 =	sld [smem:$0x3FB1]  }
0x31: {  	[smem:$0x3FBA] =	sst s10  }
0x32: {  	s10 =	sld [smem:$0x3FB8];
	_ =	sdelay $0x3  }
0x33: {  	p0 =	seq.s32 s10, $0x1;
	s10 =	sld [smem:$0x3FBA];
	_ =	sdelay $0x3  }
0x34: {  	[smem:$0x3FBA] =	sst s10  }
0x35: {  	s10 =	sld [smem:$0x3FB9];
	_ =	sdelay $0x3  }
0x36: {  	p1 =	seq.s32 s10, $0x1;
	s10 =	sld [smem:$0x3FBA];
	_ =	sdelay $0x3  }
0x37: {  	[smem:$0x3FBA] =	sst s10  }
0x38: {  	s10 =	sld [smem:$0x3FBB]  }
0x39: {  	_ = 	snop;
	(pc) =	sbr.ind lr, $3  }
0x3a: {  	_ = 	snop  }
0x3b: {  	_ = 	snop  }
0x3c: {  	p2 =	seq.s32 s10, $0x1;
	s10 =	sld [smem:$0x3FBA]  }
0x3d: {  	_ =	shalt  }
0x3e: {  	_ =	shalt  }
0x3f: {  	_ =	shalt  }
0x40: {  	_ =	shalt  }
0x41: {  	_ =	shalt  }
0x42: {  	_ =	shalt  }
0x43: {  	_ =	shalt  }
0x44: {  	_ =	shalt  }
0x45: {  	_ =	shalt  }
0x46: {  	_ =	shalt  }
0x47: {  	_ =	shalt  }
0x48: {  	_ =	shalt  }
0x49: {  	_ =	shalt  }
0x4a: {  	_ =	shalt  }
0x4b: {  	_ =	shalt  }
0x4c: {  	_ =	shalt  }
0x4d: {  	_ =	shalt  }
0x4e: {  	_ =	shalt  }
0x4f: {  	_ =	shalt  }
0x50: {  	_ =	shalt  }
0x51: {  	_ =	shalt  }
0x52: {  	_ =	shalt  }
0x53: {  	_ =	shalt  }
0x54: {  	_ =	shalt  }
0x55: {  	_ =	shalt  }
0x56: {  	_ =	shalt  }
0x57: {  	_ =	shalt  }
0x58: {  	_ =	shalt  }
0x59: {  	_ =	shalt  }
0x5a: {  	_ =	shalt  }
0x5b: {  	_ =	shalt  }
0x5c: {  	_ =	shalt  }
0x5d: {  	_ =	shalt  }
0x5e: {  	_ =	shalt  }
0x5f: {  	_ =	shalt  }
0x60: {  	_ =	shalt  }
0x61: {  	_ =	shalt  }
0x62: {  	_ =	shalt  }
0x63: {  	_ =	shalt  }
0x64: {  	_ =	shalt  }
0x65: {  	_ =	shalt  }
0x66: {  	_ =	shalt  }
0x67: {  	_ =	shalt  }
0x68: {  	_ =	shalt  }
0x69: {  	_ =	shalt  }
0x6a: {  	_ =	shalt  }
0x6b: {  	_ =	shalt  }
0x6c: {  	_ =	shalt  }
0x6d: {  	_ =	shalt  }
0x6e: {  	_ =	shalt  }
0x6f: {  	_ =	shalt  }
0x70: {  	_ =	shalt  }
0x71: {  	_ =	shalt  }
0x72: {  	_ =	shalt  }
0x73: {  	_ =	shalt  }
0x74: {  	_ =	shalt  }
0x75: {  	_ =	shalt  }
0x76: {  	_ =	shalt  }
0x77: {  	_ =	shalt  }
0x78: {  	_ =	shalt  }
0x79: {  	_ =	shalt  }
0x7a: {  	_ =	shalt  }
0x7b: {  	_ =	shalt  }
0x7c: {  	_ =	shalt  }
0x7d: {  	_ =	shalt  }
0x7e: {  	_ =	shalt  }
0x7f: {  	_ =	shalt  }
0x80: {  	_ =	shalt  }
0x81: {  	_ =	shalt  }
0x82: {  	_ =	shalt  }
0x83: {  	_ =	shalt  }
0x84: {  	_ =	shalt  }
0x85: {  	_ =	shalt  }
0x86: {  	_ =	shalt  }
0x87: {  	_ =	shalt  }
.Lfunc_end0:
.L_simem_size_0:
called_computation_lowered:
.L_overlay_start_0:
0x88: {  	s2 =	sld [smem:$0x3FD9]  }
0x89: {  	s3 =	sld [smem:$0x3FFE];
	_ =	sdelay $0x1  }
0x8a: {  	s1 =	srdreg.scid  }
0x8b: {  	s0 =	sand.u32 $0x1, s1  }
0x8c: {  	s17 =	sshll.u32 s0, $0xA;
	s2 =	sadd.s32 s3, s2  }
0x8d: {  	s2 =	sadd.s32 s2, s17  }
0x8e: {  	[smem:$0x3FC6] =	sst s2  }
0x8f: {  	_ = 	snop  }
0x90: {  	s2 =	sld [smem:$0x3FD0];
	(tm) =	ssettm $0x1  }
0x91: {  	s18 =	sld [smem:$0x3FFB];
	_ =	sdelay $0x3  }
0x92: {  	_ =	strace s18  }
0x93: {  	s3 =	sld [smem:$0x3FFC];
	_ =	sdelay $0x3  }
0x94: {  	_ =	strace s3  }
0x95: {  	s3 =	sld [smem:$0x3FFD];
	_ =	sdelay $0x3  }
0x96: {  	_ =	strace s3  }
0x97: {  	_ =	strace $0x8FFFFFFF  }
0x98: {  	s19 =	sld [smem:$0x3FDB];
	_ =	sdelay $0x1  }
0x99: {  	s4 =	simm.s32 $_scs_section_size  }
0x9a: {  	s5 =	simm.s32 $_size__tile_overlayer_lowered;
	s6 =	simm.s32 $_tile_overlayer_lowered  }
0x9b: {  	s22 =	simm.s32 $0x1BFF;
	s21 =	sshll.u32 s6, $0x1;
	s3 =	sadd.s32 s4, s19  }
0x9c: {  	s7 =	simm.s32 $0x0;
	s20 =	sshll.u32 s5, $0x1;
	s5 =	sadd.s32 s21, s3  }
0x9d: {  	[timem:s7], [sflag:s22] =	dma.local [hbm:s5], s20  }
0x9e: {  	_ =	swait.ge [sflag:s22], s20  }
0x9f: {  	s4 =	ssub.s32 $0x0, s20;
	[sflag:s22] =	ssyncset.done $0x0  }
0xa0: {  	[sflag:s22] =	ssyncadd.s32 s4;
	_ =	sdelay $0x1  }
0xa1: {  	s23 =	simm.s32 $0x1B8B  }
0xa2: {  	_ =	swait.ge [sflag:s23], $0x1  }
0xa3: {  	[sflag:s23] =	ssyncset.done $0x0  }
0xa4: {  	s25 =	simm.s32 $0x1B8E;
	s24 =	sld [smem:$0x3FFE];
	[sflag:s23] =	ssyncadd.s32 $0xFFFFFFFF  }
0xa5: {  	s26 =	simm.s32 $execute0_lowered;
	[smem:$0x3FD2] =	sst s25  }
0xa6: {  	s5 =	sshll.u32 s26, $0x1;
	_ =	strace $0x80000046;
	[dreg:$0x1] =	wrdreg $0xFFFFFFFF  }
0xa7: {  	s28 =	simm.s32 $_size_execute0_lowered;
	s3 =	sadd.s32 s3, s5;
	[dreg:$0x0] =	wrdreg $0x0  }
0xa8: {  	s5 =	sshll.u32 s28, $0x1;
	[dreg:$0x2] =	wrdreg s3  }
0xa9: {  	[dreg:$0x3] =	wrdreg s5  }
0xaa: {  	[dreg:$0x4] =	wrdreg $0xC0  }
0xab: {  	_ =	task [dreg:s7], $0x5FFFF  }
0xac: {  	[dreg:$0x1] =	wrdreg $0xFFFFFFFF  }
0xad: {  	[dreg:$0x0] =	wrdreg $0x60  }
0xae: {  	[dreg:$0x2] =	wrdreg s2  }
0xaf: {  	[dreg:$0x3] =	wrdreg s24  }
0xb0: {  	[dreg:$0x4] =	wrdreg $0x9  }
0xb1: {  	_ =	task.clear_ibuf [dreg:s7], $0x5FFFF;
	_ =	strace $0x90000046  }
0xb2: {  	s29 =	simm.s32 $0x9;
	_ =	strace $0x80000048  }
0xb3: {  	_ =	swait.ge [sflag:s29], $0x1  }
0xb4: {  	[sflag:s29] =	ssyncadd.s32 $0xFFFFFFFF  }
0xb5: {  	_ =	strace $0x90000048  }
0xb6: {  	_ =	sfence  }
0xb7: {  	s30 =	sld [smem:$0x0];
	_ =	sdelay $0x2  }
0xb8: {  	s31 =	sshll.u32 s1, $0xD;
	s1 =	sshrl.u32 s1, $0x2  }
0xb9: {  	s3 =	sand.u32 $0x4000, s31;
	s1 =	sadd.s32 s1, s30  }
0xba: {  	s0 =	sor.u32 s3, s0;
	s1 =	sshll.u32 s1, $0x11  }
0xbb: {  	s0 =	sor.u32 s1, s0  }
0xbc: {  	s0 =	sadd.s32 $0x8F2B, s0  }
0xbd: {  	[sflag:s0] =	ssyncadd.remote.s32 $0x1  }
0xbe: {  	_ =	sfence.sel $0xFFFF  }
0xbf: {  	[dreg:$0x0] =	wrdreg $0xFFFFFFFF;
	(pc) =	sbr.abs _section_cstart, $3  }
0xc0: {  	[dreg:$0x1] =	wrdreg $0xFFFFFFFF  }
0xc1: {  	_ =	task.clear_ibuf [dreg:s7], $0x2FFFF;
	_ =	strace $0x9FFFFFFF  }
0xc2: {  	(tm) =	ssettm $0x7FFFFFFF  }
0xc3: {  	_ =	shalt  }
tec
execute0_lowered:
.L_overlay_start_1:
0x0: {  	(tag) =	ssettag $0x1  }
0x1: {  	s1 =	srdreg.scid  }
0x2: {  	s0 =	stileid.u32;
	s2 =	rddreg [dreg:$0x0]  }
0x3: {  	s6 =	rddreg [dreg:$0x1];
	s4 =	simm.s32 $0x0;
	s13 =	simm.s32 $0x5  }
0x4: {  	s14 =	simm.s32 $0x3600;
	s15 =	simm.s32 $0x6C00;
	s16 =	simm.s32 $0x1  }
0x5: {  	s17 =	simm.s32 $0xA200;
	s18 =	simm.s32 $0x2;
	s19 =	simm.s32 $0xD800  }
0x6: {  	s20 =	simm.s32 $0x3;
	s5 =	sand.u32 $0x1, s1;
	s30 =	sshll.u32 s0, $0x1  }
0x7: {  	s21 =	simm.s32 $0x4;
	s22 =	simm.s32 $0x0;
	s1 =	sor.u32 s5, s30  }
0x8: {  	[smem:$0x7FF] =	sst s4;
	s9 =	ssub.s32 $0x2, s5;
	s3 =	smul.u32 $0x3600, s1  }
0x9: {  	s5 =	sadd.s32 $0xDC00, s6;
	s1 =	rddreg [dreg:$0x2];
	s10 =	sshrl.u32 s9, $0x1  }
0xa: {  	_ =	strace $0x80000047;
	s12 =	ssub.s32 s9, s10;
	s8 =	sshrl.u32 s3, $0x3  }
0xb: {  	s10 =	sadd.s32 $0xD8000, s3;
	s7 =	sadd.s32 s8, s6;
	s6 =	sadd.s32 $0x6C000, s3  }
0xc: {  	s11 =	sadd.s32 $0x144000, s3;
	s12 =	smax.u32 s12, $0x1;
	s31 =	sshrl.u32 s6, $0x3  }
0xd: {  	s8 =	sadd.s32 s2, s8;
	s7 =	sadd.s32 $0x400, s7;
	s9 =	sadd.s32 s2, s31  }
.LBB2_1:
0xe: {  	[tilespmem:s4], [sflag:$0x5] =	stream.linear.gather [hbm4b:s7+s4], $0x3600, $0x38;
	[tilespmem:$0x10E00] =	vst v63  }
0xf: {  	_ =	swait.ge [sflag:s13], $0x3600  }
0x10: {  	[sflag:s13] =	ssyncset.done $0x0  }
0x11: {  	[sflag:s13] =	ssyncadd.s32 $0xFFFFCA00  }
0x12: {  	[tilespmem:s14], [sflag:$0x1] =	stream.linear.gather [hbm4b:s8+s4], $0x3600, $0x38;
	[tilespmem:$0x10E00] =	vst v63  }
0x13: {  	s23 =	simm.s32 $0x0  }
0x14: {  	[tilespmem:s15], [sflag:$0x2] =	stream.linear.gather [hbm4b:s9+s4], $0x3600, $0x38;
	[tilespmem:$0x10E00] =	vst v63  }
.LBB2_2:
0x15: {  	_ =	swait.ge [sflag:s16], $0x3600  }
0x16: {  	p1 =	seq.s32 s23, $0x0;
	[sflag:s16] =	ssyncset.done $0x0  }
0x17: {  	s24 =	simm.s32 @!p1 $0x3;
	[sflag:s16] =	ssyncadd.s32 $0xFFFFCA00  }
0x18: {  	_ =	swait.ge @!p1 [sflag:s24], $0x3600  }
0x19: {  	[sflag:s24] =	ssyncset.done @!p1 $0x0  }
0x1a: {  	[sflag:s24] =	ssyncadd.s32 @!p1 $0xFFFFCA00;
	s24 =	simm.s32 $0x2F0  }
0x1b: {  	v0 =	vld [tilespmem:s24+$0x3600]  }
0x1c: {  	v1 =	vld [tilespmem:s24+$0x0]  }
0x1d: {  	v2 =	vld [tilespmem:s24+$0x3310]  }
0x1e: {  	v3 =	vld [tilespmem:s24+$0xFFFFFD10]  }
0x1f: {  	v4 =	vld [tilespmem:s24+$0x3320]  }
0x20: {  	v5 =	vld [tilespmem:s24+$0xFFFFFD20]  }
0x21: {  	v6 =	vld [tilespmem:s24+$0x3330]  }
0x22: {  	v7 =	vld [tilespmem:s24+$0x3340]  }
0x23: {  	v0 =	vadd.f32 v1, v0;
	v1 =	vld [tilespmem:s24+$0xFFFFFD30]  }
0x24: {  	v2 =	vadd.f32 v3, v2;
	v3 =	vld [tilespmem:s24+$0x3350]  }
0x25: {  	[tilespmem:s24+$0xA200] =	vst v0;
	v0 =	vld [tilespmem:s24+$0xFFFFFD40]  }
0x26: {  	[tilespmem:s24+$0x9F10] =	vst v2;
	v2 =	vadd.f32 v5, v4;
	v4 =	vld [tilespmem:s24+$0xFFFFFD50]  }
0x27: {  	v5 =	vld [tilespmem:s24+$0xFFFFFD60]  }
0x28: {  	[tilespmem:s24+$0x9F20] =	vst v2;
	v2 =	vld [tilespmem:s24+$0x3360];
	v1 =	vadd.f32 v1, v6  }
0x29: {  	v6 =	vld [tilespmem:s24+$0xFFFFFD70]  }
0x2a: {  	[tilespmem:s24+$0x9F30] =	vst v1;
	v0 =	vadd.f32 v0, v7;
	v1 =	vld [tilespmem:s24+$0x3370]  }
0x2b: {  	v7 =	vld [tilespmem:s24+$0xFFFFFFC0]  }
0x2c: {  	[tilespmem:s24+$0x9F40] =	vst v0;
	v0 =	vadd.f32 v4, v3;
	v3 =	vld [tilespmem:s24+$0x3380]  }
0x2d: {  	v4 =	vld [tilespmem:s24+$0xFFFFFD80]  }
0x2e: {  	[tilespmem:s24+$0x9F50] =	vst v0;
	v0 =	vadd.f32 v5, v2;
	v2 =	vld [tilespmem:s24+$0x3390]  }
0x2f: {  	v5 =	vld [tilespmem:s24+$0xFFFFFD90]  }
0x30: {  	[tilespmem:s24+$0x9F60] =	vst v0;
	v0 =	vadd.f32 v6, v1;
	v1 =	vld [tilespmem:s24+$0x33A0]  }
0x31: {  	v6 =	vld [tilespmem:s24+$0xFFFFFDA0]  }
0x32: {  	[tilespmem:s24+$0x9F70] =	vst v0;
	v0 =	vadd.f32 v4, v3;
	v3 =	vld [tilespmem:s24+$0x33B0]  }
0x33: {  	v4 =	vld [tilespmem:s24+$0xFFFFFDB0]  }
0x34: {  	[tilespmem:s24+$0x9F80] =	vst v0;
	v0 =	vadd.f32 v5, v2;
	v2 =	vld [tilespmem:s24+$0x33C0]  }
0x35: {  	v5 =	vld [tilespmem:s24+$0xFFFFFDC0]  }
0x36: {  	[tilespmem:s24+$0x9F90] =	vst v0;
	v0 =	vadd.f32 v6, v1;
	v1 =	vld [tilespmem:s24+$0x33D0]  }
0x37: {  	v6 =	vld [tilespmem:s24+$0xFFFFFDD0]  }
0x38: {  	[tilespmem:s24+$0x9FA0] =	vst v0;
	v0 =	vadd.f32 v4, v3;
	v3 =	vld [tilespmem:s24+$0x33E0]  }
0x39: {  	v4 =	vld [tilespmem:s24+$0xFFFFFDE0]  }
0x3a: {  	[tilespmem:s24+$0x9FB0] =	vst v0;
	v0 =	vadd.f32 v5, v2;
	v2 =	vld [tilespmem:s24+$0x33F0]  }
0x3b: {  	v5 =	vld [tilespmem:s24+$0xFFFFFDF0]  }
0x3c: {  	[tilespmem:s24+$0x9FC0] =	vst v0;
	v0 =	vadd.f32 v6, v1;
	v1 =	vld [tilespmem:s24+$0x3400]  }
0x3d: {  	v6 =	vld [tilespmem:s24+$0xFFFFFE00]  }
0x3e: {  	[tilespmem:s24+$0x9FD0] =	vst v0;
	v0 =	vadd.f32 v4, v3;
	v3 =	vld [tilespmem:s24+$0x3410]  }
0x3f: {  	v4 =	vld [tilespmem:s24+$0xFFFFFE10]  }
0x40: {  	[tilespmem:s24+$0x9FE0] =	vst v0;
	v0 =	vadd.f32 v5, v2;
	v2 =	vld [tilespmem:s24+$0x3420]  }
0x41: {  	v5 =	vld [tilespmem:s24+$0xFFFFFE20]  }
0x42: {  	[tilespmem:s24+$0x9FF0] =	vst v0;
	v0 =	vadd.f32 v6, v1;
	v1 =	vld [tilespmem:s24+$0x3430]  }
0x43: {  	v6 =	vld [tilespmem:s24+$0xFFFFFE30]  }
0x44: {  	[tilespmem:s24+$0xA000] =	vst v0;
	v0 =	vadd.f32 v4, v3;
	v3 =	vld [tilespmem:s24+$0x3440]  }
0x45: {  	v4 =	vld [tilespmem:s24+$0xFFFFFE40]  }
0x46: {  	[tilespmem:s24+$0xA010] =	vst v0;
	v0 =	vadd.f32 v5, v2;
	v2 =	vld [tilespmem:s24+$0x3450]  }
0x47: {  	v5 =	vld [tilespmem:s24+$0xFFFFFE50]  }
0x48: {  	[tilespmem:s24+$0xA020] =	vst v0;
	v0 =	vadd.f32 v6, v1;
	v1 =	vld [tilespmem:s24+$0x3460]  }
0x49: {  	v6 =	vld [tilespmem:s24+$0xFFFFFE60]  }
0x4a: {  	[tilespmem:s24+$0xA030] =	vst v0;
	v0 =	vadd.f32 v4, v3;
	v3 =	vld [tilespmem:s24+$0x3470]  }
0x4b: {  	v4 =	vld [tilespmem:s24+$0xFFFFFE70]  }
0x4c: {  	[tilespmem:s24+$0xA040] =	vst v0;
	v0 =	vadd.f32 v5, v2;
	v2 =	vld [tilespmem:s24+$0x3480]  }
0x4d: {  	v5 =	vld [tilespmem:s24+$0xFFFFFE80]  }
0x4e: {  	[tilespmem:s24+$0xA050] =	vst v0;
	v0 =	vadd.f32 v6, v1;
	v1 =	vld [tilespmem:s24+$0x3490]  }
0x4f: {  	v6 =	vld [tilespmem:s24+$0xFFFFFE90]  }
0x50: {  	[tilespmem:s24+$0xA060] =	vst v0;
	v0 =	vadd.f32 v4, v3;
	v3 =	vld [tilespmem:s24+$0x34A0]  }
0x51: {  	v4 =	vld [tilespmem:s24+$0xFFFFFEA0]  }
0x52: {  	[tilespmem:s24+$0xA070] =	vst v0;
	v0 =	vadd.f32 v5, v2;
	v2 =	vld [tilespmem:s24+$0x34B0]  }
0x53: {  	v5 =	vld [tilespmem:s24+$0xFFFFFEB0]  }
0x54: {  	[tilespmem:s24+$0xA080] =	vst v0;
	v0 =	vadd.f32 v6, v1;
	v1 =	vld [tilespmem:s24+$0x34C0]  }
0x55: {  	v6 =	vld [tilespmem:s24+$0xFFFFFEC0]  }
0x56: {  	[tilespmem:s24+$0xA090] =	vst v0;
	v0 =	vadd.f32 v4, v3;
	v3 =	vld [tilespmem:s24+$0x34D0]  }
0x57: {  	v4 =	vld [tilespmem:s24+$0xFFFFFED0]  }
0x58: {  	[tilespmem:s24+$0xA0A0] =	vst v0;
	v0 =	vadd.f32 v5, v2;
	v2 =	vld [tilespmem:s24+$0x34E0]  }
0x59: {  	v5 =	vld [tilespmem:s24+$0xFFFFFEE0]  }
0x5a: {  	[tilespmem:s24+$0xA0B0] =	vst v0;
	v0 =	vadd.f32 v6, v1;
	v1 =	vld [tilespmem:s24+$0x34F0]  }
0x5b: {  	v6 =	vld [tilespmem:s24+$0xFFFFFEF0]  }
0x5c: {  	[tilespmem:s24+$0xA0C0] =	vst v0;
	v0 =	vadd.f32 v4, v3;
	v3 =	vld [tilespmem:s24+$0x3500]  }
0x5d: {  	v4 =	vld [tilespmem:s24+$0xFFFFFF00]  }
0x5e: {  	[tilespmem:s24+$0xA0D0] =	vst v0;
	v0 =	vadd.f32 v5, v2;
	v2 =	vld [tilespmem:s24+$0x3510]  }
0x5f: {  	v5 =	vld [tilespmem:s24+$0xFFFFFF10]  }
0x60: {  	[tilespmem:s24+$0xA0E0] =	vst v0;
	v0 =	vadd.f32 v6, v1;
	v1 =	vld [tilespmem:s24+$0x3520]  }
0x61: {  	v6 =	vld [tilespmem:s24+$0xFFFFFF20]  }
0x62: {  	[tilespmem:s24+$0xA0F0] =	vst v0;
	v0 =	vadd.f32 v4, v3;
	v3 =	vld [tilespmem:s24+$0x3530]  }
0x63: {  	v4 =	vld [tilespmem:s24+$0xFFFFFF30]  }
0x64: {  	[tilespmem:s24+$0xA100] =	vst v0;
	v0 =	vadd.f32 v5, v2;
	v2 =	vld [tilespmem:s24+$0x3540]  }
0x65: {  	v5 =	vld [tilespmem:s24+$0xFFFFFF40]  }
0x66: {  	[tilespmem:s24+$0xA110] =	vst v0;
	v0 =	vadd.f32 v6, v1;
	v1 =	vld [tilespmem:s24+$0x3550]  }
0x67: {  	v6 =	vld [tilespmem:s24+$0xFFFFFF50]  }
0x68: {  	[tilespmem:s24+$0xA120] =	vst v0;
	v0 =	vadd.f32 v4, v3;
	v3 =	vld [tilespmem:s24+$0x3560]  }
0x69: {  	v4 =	vld [tilespmem:s24+$0xFFFFFF60]  }
0x6a: {  	[tilespmem:s24+$0xA130] =	vst v0;
	v0 =	vadd.f32 v5, v2;
	v2 =	vld [tilespmem:s24+$0x3570]  }
0x6b: {  	v5 =	vld [tilespmem:s24+$0xFFFFFF70]  }
0x6c: {  	[tilespmem:s24+$0xA140] =	vst v0;
	v0 =	vadd.f32 v6, v1;
	v1 =	vld [tilespmem:s24+$0x3580]  }
0x6d: {  	v6 =	vld [tilespmem:s24+$0xFFFFFF80]  }
0x6e: {  	[tilespmem:s24+$0xA150] =	vst v0;
	v0 =	vadd.f32 v4, v3;
	v3 =	vld [tilespmem:s24+$0x3590]  }
0x6f: {  	v4 =	vld [tilespmem:s24+$0xFFFFFF90]  }
0x70: {  	[tilespmem:s24+$0xA160] =	vst v0;
	v0 =	vadd.f32 v5, v2;
	v2 =	vld [tilespmem:s24+$0x35A0]  }
0x71: {  	v5 =	vld [tilespmem:s24+$0xFFFFFFA0]  }
0x72: {  	[tilespmem:s24+$0xA170] =	vst v0;
	v0 =	vadd.f32 v6, v1;
	v1 =	vld [tilespmem:s24+$0x35B0]  }
0x73: {  	v6 =	vld [tilespmem:s24+$0xFFFFFFB0]  }
0x74: {  	[tilespmem:s24+$0xA180] =	vst v0;
	v0 =	vadd.f32 v4, v3;
	v4 =	vld [tilespmem:s24+$0x35C0]  }
0x75: {  	v8 =	vld [tilespmem:s24+$0xFFFFFFD0]  }
0x76: {  	[tilespmem:s24+$0xA190] =	vst v0;
	v0 =	vadd.f32 v5, v2;
	v5 =	vld [tilespmem:s24+$0x35D0]  }
0x77: {  	v3 =	vld [tilespmem:s24+$0xFFFFFFE0]  }
0x78: {  	v2 =	vld [tilespmem:s24+$0x35E0];
	[tilespmem:s24+$0xA1A0] =	vst v0;
	v0 =	vadd.f32 v6, v1  }
0x79: {  	v6 =	vadd.f32 v7, v4;
	v4 =	vld [tilespmem:s24+$0xFFFFFFF0]  }
0x7a: {  	s26 =	simm.s32 $0x5F0;
	[tilespmem:s24+$0xA1B0] =	vst v0;
	v0 =	vld [tilespmem:s24+$0x35F0]  }
0x7b: {  	s25 =	simm.s32 $0x23C0;
	v1 =	vld [tilespmem:s26+$0x3600];
	[tilespmem:s24+$0xA1C0] =	vst v6;
	v5 =	vadd.f32 v8, v5  }
.LBB2_3:
0x7c: {  	p0 =	sne.s32 s25, $0xD7C0;
	v6 =	vld [tilespmem:s26+$0x0]  }
0x7d: {  	v7 =	vld [tilespmem:s26+$0x3310];
	[tilespmem:s24+$0xA1D0] =	vst v5;
	v2 =	vadd.f32 v3, v2  }
0x7e: {  	v3 =	vld [tilespmem:s26+$0xFFFFFD10]  }
0x7f: {  	v5 =	vld [tilespmem:s26+$0x3320];
	[tilespmem:s24+$0xA1E0] =	vst v2;
	v0 =	vadd.f32 v4, v0  }
0x80: {  	v2 =	vld [tilespmem:s26+$0xFFFFFD20]  }
0x81: {  	v4 =	vld [tilespmem:s26+$0x3330];
	v1 =	vadd.f32 v6, v1;
	[tilespmem:s24+$0xA1F0] =	vst v0;
	s24 =	smov.u32 s26  }
0x82: {  	v0 =	vld [tilespmem:s24+$0xFFFFFD30]  }
0x83: {  	v3 =	vadd.f32 v3, v7;
	v6 =	vld [tilespmem:s24+$0x3340];
	[tilespmem:s24+$0xA200] =	vst v1  }
0x84: {  	v1 =	vld [tilespmem:s24+$0xFFFFFD40]  }
0x85: {  	[tilespmem:s24+$0x9F10] =	vst v3;
	v2 =	vadd.f32 v2, v5;
	v3 =	vld [tilespmem:s24+$0x3350]  }
0x86: {  	v5 =	vld [tilespmem:s24+$0xFFFFFD50]  }
0x87: {  	[tilespmem:s24+$0x9F20] =	vst v2;
	v0 =	vadd.f32 v0, v4;
	v2 =	vld [tilespmem:s24+$0x3360]  }
0x88: {  	v4 =	vld [tilespmem:s24+$0xFFFFFD60]  }
0x89: {  	[tilespmem:s24+$0x9F30] =	vst v0;
	v0 =	vadd.f32 v1, v6;
	v1 =	vld [tilespmem:s24+$0x3370]  }
0x8a: {  	v6 =	vld [tilespmem:s24+$0xFFFFFD70]  }
0x8b: {  	[tilespmem:s24+$0x9F40] =	vst v0;
	v0 =	vadd.f32 v5, v3;
	v3 =	vld [tilespmem:s24+$0x3380]  }
0x8c: {  	v5 =	vld [tilespmem:s24+$0xFFFFFD80]  }
0x8d: {  	[tilespmem:s24+$0x9F50] =	vst v0;
	v0 =	vadd.f32 v4, v2;
	v2 =	vld [tilespmem:s24+$0x3390]  }
0x8e: {  	v4 =	vld [tilespmem:s24+$0xFFFFFD90]  }
0x8f: {  	[tilespmem:s24+$0x9F60] =	vst v0;
	v0 =	vadd.f32 v6, v1;
	v1 =	vld [tilespmem:s24+$0x33A0]  }
0x90: {  	v6 =	vld [tilespmem:s24+$0xFFFFFDA0]  }
0x91: {  	[tilespmem:s24+$0x9F70] =	vst v0;
	v0 =	vadd.f32 v5, v3;
	v3 =	vld [tilespmem:s24+$0x33B0]  }
0x92: {  	v5 =	vld [tilespmem:s24+$0xFFFFFDB0]  }
0x93: {  	[tilespmem:s24+$0x9F80] =	vst v0;
	v0 =	vadd.f32 v4, v2;
	v2 =	vld [tilespmem:s24+$0x33C0]  }
0x94: {  	v4 =	vld [tilespmem:s24+$0xFFFFFDC0]  }
0x95: {  	[tilespmem:s24+$0x9F90] =	vst v0;
	v0 =	vadd.f32 v6, v1;
	v1 =	vld [tilespmem:s24+$0x33D0]  }
0x96: {  	v6 =	vld [tilespmem:s24+$0xFFFFFDD0]  }
0x97: {  	[tilespmem:s24+$0x9FA0] =	vst v0;
	v0 =	vadd.f32 v5, v3;
	v3 =	vld [tilespmem:s24+$0x33E0]  }
0x98: {  	v5 =	vld [tilespmem:s24+$0xFFFFFDE0]  }
0x99: {  	[tilespmem:s24+$0x9FB0] =	vst v0;
	v0 =	vadd.f32 v4, v2;
	v2 =	vld [tilespmem:s24+$0x33F0]  }
0x9a: {  	v4 =	vld [tilespmem:s24+$0xFFFFFDF0]  }
0x9b: {  	[tilespmem:s24+$0x9FC0] =	vst v0;
	v0 =	vadd.f32 v6, v1;
	v1 =	vld [tilespmem:s24+$0x3400]  }
0x9c: {  	v6 =	vld [tilespmem:s24+$0xFFFFFE00]  }
0x9d: {  	[tilespmem:s24+$0x9FD0] =	vst v0;
	v0 =	vadd.f32 v5, v3;
	v3 =	vld [tilespmem:s24+$0x3410]  }
0x9e: {  	v5 =	vld [tilespmem:s24+$0xFFFFFE10]  }
0x9f: {  	[tilespmem:s24+$0x9FE0] =	vst v0;
	v0 =	vadd.f32 v4, v2;
	v2 =	vld [tilespmem:s24+$0x3420]  }
0xa0: {  	v4 =	vld [tilespmem:s24+$0xFFFFFE20]  }
0xa1: {  	[tilespmem:s24+$0x9FF0] =	vst v0;
	v0 =	vadd.f32 v6, v1;
	v1 =	vld [tilespmem:s24+$0x3430]  }
0xa2: {  	v6 =	vld [tilespmem:s24+$0xFFFFFE30]  }
0xa3: {  	[tilespmem:s24+$0xA000] =	vst v0;
	v0 =	vadd.f32 v5, v3;
	v3 =	vld [tilespmem:s24+$0x3440]  }
0xa4: {  	v5 =	vld [tilespmem:s24+$0xFFFFFE40]  }
0xa5: {  	[tilespmem:s24+$0xA010] =	vst v0;
	v0 =	vadd.f32 v4, v2;
	v2 =	vld [tilespmem:s24+$0x3450]  }
0xa6: {  	v4 =	vld [tilespmem:s24+$0xFFFFFE50]  }
0xa7: {  	[tilespmem:s24+$0xA020] =	vst v0;
	v0 =	vadd.f32 v6, v1;
	v1 =	vld [tilespmem:s24+$0x3460]  }
0xa8: {  	v6 =	vld [tilespmem:s24+$0xFFFFFE60]  }
0xa9: {  	[tilespmem:s24+$0xA030] =	vst v0;
	v0 =	vadd.f32 v5, v3;
	v3 =	vld [tilespmem:s24+$0x3470]  }
0xaa: {  	v5 =	vld [tilespmem:s24+$0xFFFFFE70]  }
0xab: {  	[tilespmem:s24+$0xA040] =	vst v0;
	v0 =	vadd.f32 v4, v2;
	v2 =	vld [tilespmem:s24+$0x3480]  }
0xac: {  	v4 =	vld [tilespmem:s24+$0xFFFFFE80]  }
0xad: {  	[tilespmem:s24+$0xA050] =	vst v0;
	v0 =	vadd.f32 v6, v1;
	v1 =	vld [tilespmem:s24+$0x3490]  }
0xae: {  	v6 =	vld [tilespmem:s24+$0xFFFFFE90]  }
0xaf: {  	[tilespmem:s24+$0xA060] =	vst v0;
	v0 =	vadd.f32 v5, v3;
	v3 =	vld [tilespmem:s24+$0x34A0]  }
0xb0: {  	v5 =	vld [tilespmem:s24+$0xFFFFFEA0]  }
0xb1: {  	[tilespmem:s24+$0xA070] =	vst v0;
	v0 =	vadd.f32 v4, v2;
	v2 =	vld [tilespmem:s24+$0x34B0]  }
0xb2: {  	v4 =	vld [tilespmem:s24+$0xFFFFFEB0]  }
0xb3: {  	[tilespmem:s24+$0xA080] =	vst v0;
	v0 =	vadd.f32 v6, v1;
	v1 =	vld [tilespmem:s24+$0x34C0]  }
0xb4: {  	v6 =	vld [tilespmem:s24+$0xFFFFFEC0]  }
0xb5: {  	[tilespmem:s24+$0xA090] =	vst v0;
	v0 =	vadd.f32 v5, v3;
	v3 =	vld [tilespmem:s24+$0x34D0]  }
0xb6: {  	v5 =	vld [tilespmem:s24+$0xFFFFFED0]  }
0xb7: {  	[tilespmem:s24+$0xA0A0] =	vst v0;
	v0 =	vadd.f32 v4, v2;
	v2 =	vld [tilespmem:s24+$0x34E0]  }
0xb8: {  	v4 =	vld [tilespmem:s24+$0xFFFFFEE0]  }
0xb9: {  	[tilespmem:s24+$0xA0B0] =	vst v0;
	v0 =	vadd.f32 v6, v1;
	v1 =	vld [tilespmem:s24+$0x34F0]  }
0xba: {  	v6 =	vld [tilespmem:s24+$0xFFFFFEF0]  }
0xbb: {  	[tilespmem:s24+$0xA0C0] =	vst v0;
	v0 =	vadd.f32 v5, v3;
	v3 =	vld [tilespmem:s24+$0x3500]  }
0xbc: {  	v5 =	vld [tilespmem:s24+$0xFFFFFF00]  }
0xbd: {  	[tilespmem:s24+$0xA0D0] =	vst v0;
	v0 =	vadd.f32 v4, v2;
	v2 =	vld [tilespmem:s24+$0x3510]  }
0xbe: {  	v4 =	vld [tilespmem:s24+$0xFFFFFF10]  }
0xbf: {  	[tilespmem:s24+$0xA0E0] =	vst v0;
	v0 =	vadd.f32 v6, v1;
	v1 =	vld [tilespmem:s24+$0x3520]  }
0xc0: {  	v6 =	vld [tilespmem:s24+$0xFFFFFF20]  }
0xc1: {  	[tilespmem:s24+$0xA0F0] =	vst v0;
	v0 =	vadd.f32 v5, v3;
	v3 =	vld [tilespmem:s24+$0x3530]  }
0xc2: {  	v5 =	vld [tilespmem:s24+$0xFFFFFF30]  }
0xc3: {  	[tilespmem:s24+$0xA100] =	vst v0;
	v0 =	vadd.f32 v4, v2;
	v2 =	vld [tilespmem:s24+$0x3540]  }
0xc4: {  	v4 =	vld [tilespmem:s24+$0xFFFFFF40]  }
0xc5: {  	[tilespmem:s24+$0xA110] =	vst v0;
	v0 =	vadd.f32 v6, v1;
	v1 =	vld [tilespmem:s24+$0x3550]  }
0xc6: {  	v6 =	vld [tilespmem:s24+$0xFFFFFF50]  }
0xc7: {  	[tilespmem:s24+$0xA120] =	vst v0;
	v0 =	vadd.f32 v5, v3;
	v3 =	vld [tilespmem:s24+$0x3560]  }
0xc8: {  	v5 =	vld [tilespmem:s24+$0xFFFFFF60]  }
0xc9: {  	[tilespmem:s24+$0xA130] =	vst v0;
	v0 =	vadd.f32 v4, v2;
	v2 =	vld [tilespmem:s24+$0x3570]  }
0xca: {  	v4 =	vld [tilespmem:s24+$0xFFFFFF70]  }
0xcb: {  	[tilespmem:s24+$0xA140] =	vst v0;
	v0 =	vadd.f32 v6, v1;
	v1 =	vld [tilespmem:s24+$0x3580]  }
0xcc: {  	v6 =	vld [tilespmem:s24+$0xFFFFFF80]  }
0xcd: {  	[tilespmem:s24+$0xA150] =	vst v0;
	v0 =	vadd.f32 v5, v3;
	v3 =	vld [tilespmem:s24+$0x3590]  }
0xce: {  	v5 =	vld [tilespmem:s24+$0xFFFFFF90]  }
0xcf: {  	[tilespmem:s24+$0xA160] =	vst v0;
	v0 =	vadd.f32 v4, v2;
	v2 =	vld [tilespmem:s24+$0x35A0]  }
0xd0: {  	v4 =	vld [tilespmem:s24+$0xFFFFFFA0]  }
0xd1: {  	[tilespmem:s24+$0xA170] =	vst v0;
	v0 =	vadd.f32 v6, v1;
	v1 =	vld [tilespmem:s24+$0x35B0]  }
0xd2: {  	v6 =	vld [tilespmem:s24+$0xFFFFFFB0]  }
0xd3: {  	[tilespmem:s24+$0xA180] =	vst v0;
	v0 =	vadd.f32 v5, v3;
	v5 =	vld [tilespmem:s24+$0x35C0]  }
0xd4: {  	v7 =	vld [tilespmem:s24+$0xFFFFFFC0]  }
0xd5: {  	[tilespmem:s24+$0xA190] =	vst v0;
	v0 =	vadd.f32 v4, v2;
	v8 =	vld [tilespmem:s24+$0x35D0]  }
0xd6: {  	v9 =	vld [tilespmem:s24+$0xFFFFFFD0]  }
.Ltmp0:
0xd7: {  	[tilespmem:s24+$0xA1A0] =	vst v0;
	v0 =	vadd.f32 v6, v1;
	v2 =	vld [tilespmem:s24+$0x35E0];
	(pc) =	sbr.rel @p0 .LBB2_3-.Ltmp0, $4  }
0xd8: {  	v3 =	vld [tilespmem:s24+$0xFFFFFFE0]  }
0xd9: {  	[tilespmem:s24+$0xA1B0] =	vst v0;
	v5 =	vadd.f32 v7, v5;
	v0 =	vld [tilespmem:s24+$0x35F0]  }
0xda: {  	s26 =	sshra.s32 s25, $0x2;
	v4 =	vld [tilespmem:s24+$0xFFFFFFF0]  }
0xdb: {  	s25 =	sadd.s32 $0xC00, s25;
	v1 =	vld [tilespmem:s26+$0x3600];
	[tilespmem:s24+$0xA1C0] =	vst v5;
	v5 =	vadd.f32 v9, v8  }
0xdc: {  	v6 =	vld [tilespmem:s26+$0x0]  }
0xdd: {  	v7 =	vld [tilespmem:s26+$0x3310];
	[tilespmem:s24+$0xA1D0] =	vst v5;
	v2 =	vadd.f32 v3, v2  }
0xde: {  	v3 =	vld [tilespmem:s26+$0xFFFFFD10]  }
0xdf: {  	v5 =	vld [tilespmem:s26+$0x3320];
	[tilespmem:s24+$0xA1E0] =	vst v2;
	v0 =	vadd.f32 v4, v0  }
0xe0: {  	v2 =	vld [tilespmem:s26+$0xFFFFFD20]  }
0xe1: {  	v4 =	vld [tilespmem:s26+$0x3330];
	[tilespmem:s24+$0xA1F0] =	vst v0  }
0xe2: {  	v0 =	vadd.f32 v6, v1;
	v1 =	vld [tilespmem:s26+$0xFFFFFD30]  }
0xe3: {  	v6 =	vld [tilespmem:s26+$0x3340]  }
0xe4: {  	v3 =	vadd.f32 v3, v7;
	[tilespmem:s26+$0xA200] =	vst v0;
	v0 =	vld [tilespmem:s26+$0xFFFFFD40]  }
0xe5: {  	v7 =	vld [tilespmem:s26+$0xFFFFFFF0]  }
0xe6: {  	[tilespmem:s26+$0x9F10] =	vst v3;
	v2 =	vadd.f32 v2, v5;
	v3 =	vld [tilespmem:s26+$0x3350]  }
0xe7: {  	v5 =	vld [tilespmem:s26+$0xFFFFFD50]  }
0xe8: {  	[tilespmem:s26+$0x9F20] =	vst v2;
	v2 =	vld [tilespmem:s26+$0x3360]  }
0xe9: {  	v1 =	vadd.f32 v1, v4;
	v4 =	vld [tilespmem:s26+$0xFFFFFD60]  }
0xea: {  	v0 =	vadd.f32 v0, v6;
	v6 =	vld [tilespmem:s26+$0xFFFFFD70]  }
0xeb: {  	[tilespmem:s26+$0x9F30] =	vst v1;
	v1 =	vld [tilespmem:s26+$0x3370]  }
0xec: {  	[tilespmem:s26+$0x9F40] =	vst v0;
	v0 =	vadd.f32 v5, v3;
	v3 =	vld [tilespmem:s26+$0x3380]  }
0xed: {  	v5 =	vld [tilespmem:s26+$0xFFFFFD80]  }
0xee: {  	[tilespmem:s26+$0x9F50] =	vst v0;
	v0 =	vadd.f32 v4, v2;
	v2 =	vld [tilespmem:s26+$0x3390]  }
0xef: {  	v4 =	vld [tilespmem:s26+$0xFFFFFD90]  }
0xf0: {  	[tilespmem:s26+$0x9F60] =	vst v0;
	v0 =	vadd.f32 v6, v1;
	v1 =	vld [tilespmem:s26+$0x33A0]  }
0xf1: {  	v6 =	vld [tilespmem:s26+$0xFFFFFDA0]  }
0xf2: {  	[tilespmem:s26+$0x9F70] =	vst v0;
	v0 =	vadd.f32 v5, v3;
	v3 =	vld [tilespmem:s26+$0x33B0]  }
0xf3: {  	v5 =	vld [tilespmem:s26+$0xFFFFFDB0]  }
0xf4: {  	[tilespmem:s26+$0x9F80] =	vst v0;
	v0 =	vadd.f32 v4, v2;
	v2 =	vld [tilespmem:s26+$0x33C0]  }
0xf5: {  	v4 =	vld [tilespmem:s26+$0xFFFFFDC0]  }
0xf6: {  	[tilespmem:s26+$0x9F90] =	vst v0;
	v0 =	vadd.f32 v6, v1;
	v1 =	vld [tilespmem:s26+$0x33D0]  }
0xf7: {  	v6 =	vld [tilespmem:s26+$0xFFFFFDD0]  }
0xf8: {  	[tilespmem:s26+$0x9FA0] =	vst v0;
	v0 =	vadd.f32 v5, v3;
	v3 =	vld [tilespmem:s26+$0x33E0]  }
0xf9: {  	v5 =	vld [tilespmem:s26+$0xFFFFFDE0]  }
0xfa: {  	[tilespmem:s26+$0x9FB0] =	vst v0;
	v0 =	vadd.f32 v4, v2;
	v2 =	vld [tilespmem:s26+$0x33F0]  }
0xfb: {  	v4 =	vld [tilespmem:s26+$0xFFFFFDF0]  }
0xfc: {  	[tilespmem:s26+$0x9FC0] =	vst v0;
	v0 =	vadd.f32 v6, v1;
	v1 =	vld [tilespmem:s26+$0x3400]  }
0xfd: {  	v6 =	vld [tilespmem:s26+$0xFFFFFE00]  }
0xfe: {  	[tilespmem:s26+$0x9FD0] =	vst v0;
	v0 =	vadd.f32 v5, v3;
	v3 =	vld [tilespmem:s26+$0x3410]  }
0xff: {  	v5 =	vld [tilespmem:s26+$0xFFFFFE10]  }
0x100: {  	[tilespmem:s26+$0x9FE0] =	vst v0;
	v0 =	vadd.f32 v4, v2;
	v2 =	vld [tilespmem:s26+$0x3420]  }
0x101: {  	v4 =	vld [tilespmem:s26+$0xFFFFFE20]  }
0x102: {  	[tilespmem:s26+$0x9FF0] =	vst v0;
	v0 =	vadd.f32 v6, v1;
	v1 =	vld [tilespmem:s26+$0x3430]  }
0x103: {  	v6 =	vld [tilespmem:s26+$0xFFFFFE30]  }
0x104: {  	[tilespmem:s26+$0xA000] =	vst v0;
	v0 =	vadd.f32 v5, v3;
	v3 =	vld [tilespmem:s26+$0x3440]  }
0x105: {  	v5 =	vld [tilespmem:s26+$0xFFFFFE40]  }
0x106: {  	[tilespmem:s26+$0xA010] =	vst v0;
	v0 =	vadd.f32 v4, v2;
	v2 =	vld [tilespmem:s26+$0x3450]  }
0x107: {  	v4 =	vld [tilespmem:s26+$0xFFFFFE50]  }
0x108: {  	[tilespmem:s26+$0xA020] =	vst v0;
	v0 =	vadd.f32 v6, v1;
	v1 =	vld [tilespmem:s26+$0x3460]  }
0x109: {  	v6 =	vld [tilespmem:s26+$0xFFFFFE60]  }
0x10a: {  	[tilespmem:s26+$0xA030] =	vst v0;
	v0 =	vadd.f32 v5, v3;
	v3 =	vld [tilespmem:s26+$0x3470]  }
0x10b: {  	v5 =	vld [tilespmem:s26+$0xFFFFFE70]  }
0x10c: {  	[tilespmem:s26+$0xA040] =	vst v0;
	v0 =	vadd.f32 v4, v2;
	v2 =	vld [tilespmem:s26+$0x3480]  }
0x10d: {  	v4 =	vld [tilespmem:s26+$0xFFFFFE80]  }
0x10e: {  	[tilespmem:s26+$0xA050] =	vst v0;
	v0 =	vadd.f32 v6, v1;
	v1 =	vld [tilespmem:s26+$0x3490]  }
0x10f: {  	v6 =	vld [tilespmem:s26+$0xFFFFFE90]  }
0x110: {  	[tilespmem:s26+$0xA060] =	vst v0;
	v0 =	vadd.f32 v5, v3;
	v3 =	vld [tilespmem:s26+$0x34A0]  }
0x111: {  	v5 =	vld [tilespmem:s26+$0xFFFFFEA0]  }
0x112: {  	[tilespmem:s26+$0xA070] =	vst v0;
	v0 =	vadd.f32 v4, v2;
	v2 =	vld [tilespmem:s26+$0x34B0]  }
0x113: {  	v4 =	vld [tilespmem:s26+$0xFFFFFEB0]  }
0x114: {  	[tilespmem:s26+$0xA080] =	vst v0;
	v0 =	vadd.f32 v6, v1;
	v1 =	vld [tilespmem:s26+$0x34C0]  }
0x115: {  	v6 =	vld [tilespmem:s26+$0xFFFFFEC0]  }
0x116: {  	[tilespmem:s26+$0xA090] =	vst v0;
	v0 =	vadd.f32 v5, v3;
	v3 =	vld [tilespmem:s26+$0x34D0]  }
0x117: {  	v5 =	vld [tilespmem:s26+$0xFFFFFED0]  }
0x118: {  	[tilespmem:s26+$0xA0A0] =	vst v0;
	v0 =	vadd.f32 v4, v2;
	v2 =	vld [tilespmem:s26+$0x34E0]  }
0x119: {  	v4 =	vld [tilespmem:s26+$0xFFFFFEE0]  }
0x11a: {  	[tilespmem:s26+$0xA0B0] =	vst v0;
	v0 =	vadd.f32 v6, v1;
	v1 =	vld [tilespmem:s26+$0x34F0]  }
0x11b: {  	v6 =	vld [tilespmem:s26+$0xFFFFFEF0]  }
0x11c: {  	[tilespmem:s26+$0xA0C0] =	vst v0;
	v0 =	vadd.f32 v5, v3;
	v3 =	vld [tilespmem:s26+$0x3500]  }
0x11d: {  	v5 =	vld [tilespmem:s26+$0xFFFFFF00]  }
0x11e: {  	[tilespmem:s26+$0xA0D0] =	vst v0;
	v0 =	vadd.f32 v4, v2;
	v2 =	vld [tilespmem:s26+$0x3510]  }
0x11f: {  	v4 =	vld [tilespmem:s26+$0xFFFFFF10]  }
0x120: {  	[tilespmem:s26+$0xA0E0] =	vst v0;
	v0 =	vadd.f32 v6, v1;
	v1 =	vld [tilespmem:s26+$0x3520]  }
0x121: {  	v6 =	vld [tilespmem:s26+$0xFFFFFF20]  }
0x122: {  	[tilespmem:s26+$0xA0F0] =	vst v0;
	v0 =	vadd.f32 v5, v3;
	v3 =	vld [tilespmem:s26+$0x3530]  }
0x123: {  	v5 =	vld [tilespmem:s26+$0xFFFFFF30]  }
0x124: {  	[tilespmem:s26+$0xA100] =	vst v0;
	v0 =	vadd.f32 v4, v2;
	v2 =	vld [tilespmem:s26+$0x3540]  }
0x125: {  	v4 =	vld [tilespmem:s26+$0xFFFFFF40]  }
0x126: {  	[tilespmem:s26+$0xA110] =	vst v0;
	v0 =	vadd.f32 v6, v1;
	v1 =	vld [tilespmem:s26+$0x3550]  }
0x127: {  	v6 =	vld [tilespmem:s26+$0xFFFFFF50]  }
0x128: {  	[tilespmem:s26+$0xA120] =	vst v0;
	v0 =	vadd.f32 v5, v3;
	v3 =	vld [tilespmem:s26+$0x3560]  }
0x129: {  	v5 =	vld [tilespmem:s26+$0xFFFFFF60]  }
0x12a: {  	[tilespmem:s26+$0xA130] =	vst v0;
	v0 =	vadd.f32 v4, v2;
	v2 =	vld [tilespmem:s26+$0x3570]  }
0x12b: {  	v4 =	vld [tilespmem:s26+$0xFFFFFF70]  }
0x12c: {  	[tilespmem:s26+$0xA140] =	vst v0;
	v0 =	vadd.f32 v6, v1;
	v1 =	vld [tilespmem:s26+$0x3580]  }
0x12d: {  	v6 =	vld [tilespmem:s26+$0xFFFFFF80]  }
0x12e: {  	[tilespmem:s26+$0xA150] =	vst v0;
	v0 =	vadd.f32 v5, v3;
	v3 =	vld [tilespmem:s26+$0x3590]  }
0x12f: {  	v5 =	vld [tilespmem:s26+$0xFFFFFF90]  }
0x130: {  	[tilespmem:s26+$0xA160] =	vst v0;
	v0 =	vadd.f32 v4, v2;
	v2 =	vld [tilespmem:s26+$0x35A0]  }
0x131: {  	v4 =	vld [tilespmem:s26+$0xFFFFFFA0]  }
0x132: {  	[tilespmem:s26+$0xA170] =	vst v0;
	v0 =	vadd.f32 v6, v1;
	v1 =	vld [tilespmem:s26+$0x35B0]  }
0x133: {  	v6 =	vld [tilespmem:s26+$0xFFFFFFB0]  }
0x134: {  	[tilespmem:s26+$0xA180] =	vst v0;
	v0 =	vadd.f32 v5, v3;
	v3 =	vld [tilespmem:s26+$0x35C0]  }
0x135: {  	v5 =	vld [tilespmem:s26+$0xFFFFFFC0]  }
0x136: {  	[tilespmem:s26+$0xA190] =	vst v0;
	v0 =	vadd.f32 v4, v2;
	v2 =	vld [tilespmem:s26+$0x35D0]  }
0x137: {  	v4 =	vld [tilespmem:s26+$0xFFFFFFD0]  }
0x138: {  	[tilespmem:s26+$0xA1A0] =	vst v0;
	v0 =	vadd.f32 v6, v1;
	v1 =	vld [tilespmem:s26+$0x35E0]  }
0x139: {  	v6 =	vld [tilespmem:s26+$0xFFFFFFE0]  }
0x13a: {  	[tilespmem:s26+$0xA1B0] =	vst v0;
	v0 =	vld [tilespmem:s26+$0x35F0];
	_ =	sdelay $0x1  }
0x13b: {  	p0 =	seq.s32 s23, $0x1F;
	v3 =	vadd.f32 v5, v3  }
0x13c: {  	s24 =	smul.u32 @!p0 $0xD8000, s23;
	v2 =	vadd.f32 v4, v2  }
0x13d: {  	[tilespmem:s26+$0xA1C0] =	vst v3;
	v1 =	vadd.f32 v6, v1  }
0x13e: {  	s25 =	sadd.s32 @!p0 s24, s10;
	[tilespmem:s26+$0xA1D0] =	vst v2;
	v0 =	vadd.f32 v7, v0  }
0x13f: {  	s28 =	simm.s32 @!p0 $0x3600;
	s24 =	simm.s32 @p0 $0x1A28000;
	s25 =	sshrl.u32 @!p0 s25, $0x3;
	[tilespmem:s26+$0xA1E0] =	vst v1  }
0x140: {  	s31 =	sadd.s32 s3, s24;
	s25 =	sadd.s32 @!p0 s2, s25;
	[tilespmem:s26+$0xA1F0] =	vst v0;
	s26 =	simm.s32 @!p0 $0x0  }
0x141: {  	[tilespmem:s28], [sflag:$0x1] =	stream.linear.gather @!p0 [hbm4b:s25+s26], $0x3600, $0x38;
	[tilespmem:$0x10E00] =	vst v63  }
0x142: {  	s25 =	sshrl.u32 s31, $0x3  }
0x143: {  	s25 =	sadd.s32 s5, s25  }
0x144: {  	[hbm4b:s25+s4] =	stream.linear.scatter [tilespmem:s17], [sflag:$0x3], $0x3600, $0x38;
	[tilespmem:$0x10E00] =	vst v63  }
0x145: {  	_ =	swait.ge [sflag:s18], $0x3600  }
0x146: {  	[sflag:s18] =	ssyncset.done $0x0  }
0x147: {  	s25 =	simm.s32 @!p1 $0x4;
	[sflag:s18] =	ssyncadd.s32 $0xFFFFCA00  }
0x148: {  	_ =	swait.ge @!p1 [sflag:s25], $0x3600  }
0x149: {  	[sflag:s25] =	ssyncset.done @!p1 $0x0  }
0x14a: {  	[sflag:s25] =	ssyncadd.s32 @!p1 $0xFFFFCA00;
	s25 =	simm.s32 $0x2F0  }
0x14b: {  	v0 =	vld [tilespmem:s25+$0x6C00]  }
0x14c: {  	v1 =	vld [tilespmem:s25+$0x0]  }
0x14d: {  	v2 =	vld [tilespmem:s25+$0x6910]  }
0x14e: {  	v3 =	vld [tilespmem:s25+$0xFFFFFD10]  }
0x14f: {  	v4 =	vld [tilespmem:s25+$0x6920]  }
0x150: {  	v5 =	vld [tilespmem:s25+$0xFFFFFD20]  }
0x151: {  	v6 =	vld [tilespmem:s25+$0x6930]  }
0x152: {  	v7 =	vld [tilespmem:s25+$0x6940]  }
0x153: {  	v0 =	vadd.f32 v1, v0;
	v1 =	vld [tilespmem:s25+$0xFFFFFD30]  }
0x154: {  	v2 =	vadd.f32 v3, v2;
	v3 =	vld [tilespmem:s25+$0x6950]  }
0x155: {  	[tilespmem:s25+$0xD800] =	vst v0;
	v0 =	vld [tilespmem:s25+$0xFFFFFD40]  }
0x156: {  	[tilespmem:s25+$0xD510] =	vst v2;
	v2 =	vadd.f32 v5, v4;
	v4 =	vld [tilespmem:s25+$0xFFFFFD50]  }
0x157: {  	v5 =	vld [tilespmem:s25+$0xFFFFFD60]  }
0x158: {  	[tilespmem:s25+$0xD520] =	vst v2;
	v2 =	vld [tilespmem:s25+$0x6960];
	v1 =	vadd.f32 v1, v6  }
0x159: {  	v6 =	vld [tilespmem:s25+$0xFFFFFD70]  }
0x15a: {  	[tilespmem:s25+$0xD530] =	vst v1;
	v0 =	vadd.f32 v0, v7;
	v1 =	vld [tilespmem:s25+$0x6970]  }
0x15b: {  	v7 =	vld [tilespmem:s25+$0xFFFFFFC0]  }
0x15c: {  	[tilespmem:s25+$0xD540] =	vst v0;
	v0 =	vadd.f32 v4, v3;
	v3 =	vld [tilespmem:s25+$0x6980]  }
0x15d: {  	v4 =	vld [tilespmem:s25+$0xFFFFFD80]  }
0x15e: {  	[tilespmem:s25+$0xD550] =	vst v0;
	v0 =	vadd.f32 v5, v2;
	v2 =	vld [tilespmem:s25+$0x6990]  }
0x15f: {  	v5 =	vld [tilespmem:s25+$0xFFFFFD90]  }
0x160: {  	[tilespmem:s25+$0xD560] =	vst v0;
	v0 =	vadd.f32 v6, v1;
	v1 =	vld [tilespmem:s25+$0x69A0]  }
0x161: {  	v6 =	vld [tilespmem:s25+$0xFFFFFDA0]  }
0x162: {  	[tilespmem:s25+$0xD570] =	vst v0;
	v0 =	vadd.f32 v4, v3;
	v3 =	vld [tilespmem:s25+$0x69B0]  }
0x163: {  	v4 =	vld [tilespmem:s25+$0xFFFFFDB0]  }
0x164: {  	[tilespmem:s25+$0xD580] =	vst v0;
	v0 =	vadd.f32 v5, v2;
	v2 =	vld [tilespmem:s25+$0x69C0]  }
0x165: {  	v5 =	vld [tilespmem:s25+$0xFFFFFDC0]  }
0x166: {  	[tilespmem:s25+$0xD590] =	vst v0;
	v0 =	vadd.f32 v6, v1;
	v1 =	vld [tilespmem:s25+$0x69D0]  }
0x167: {  	v6 =	vld [tilespmem:s25+$0xFFFFFDD0]  }
0x168: {  	[tilespmem:s25+$0xD5A0] =	vst v0;
	v0 =	vadd.f32 v4, v3;
	v3 =	vld [tilespmem:s25+$0x69E0]  }
0x169: {  	v4 =	vld [tilespmem:s25+$0xFFFFFDE0]  }
0x16a: {  	[tilespmem:s25+$0xD5B0] =	vst v0;
	v0 =	vadd.f32 v5, v2;
	v2 =	vld [tilespmem:s25+$0x69F0]  }
0x16b: {  	v5 =	vld [tilespmem:s25+$0xFFFFFDF0]  }
0x16c: {  	[tilespmem:s25+$0xD5C0] =	vst v0;
	v0 =	vadd.f32 v6, v1;
	v1 =	vld [tilespmem:s25+$0x6A00]  }
0x16d: {  	v6 =	vld [tilespmem:s25+$0xFFFFFE00]  }
0x16e: {  	[tilespmem:s25+$0xD5D0] =	vst v0;
	v0 =	vadd.f32 v4, v3;
	v3 =	vld [tilespmem:s25+$0x6A10]  }
0x16f: {  	v4 =	vld [tilespmem:s25+$0xFFFFFE10]  }
0x170: {  	[tilespmem:s25+$0xD5E0] =	vst v0;
	v0 =	vadd.f32 v5, v2;
	v2 =	vld [tilespmem:s25+$0x6A20]  }
0x171: {  	v5 =	vld [tilespmem:s25+$0xFFFFFE20]  }
0x172: {  	[tilespmem:s25+$0xD5F0] =	vst v0;
	v0 =	vadd.f32 v6, v1;
	v1 =	vld [tilespmem:s25+$0x6A30]  }
0x173: {  	v6 =	vld [tilespmem:s25+$0xFFFFFE30]  }
0x174: {  	[tilespmem:s25+$0xD600] =	vst v0;
	v0 =	vadd.f32 v4, v3;
	v3 =	vld [tilespmem:s25+$0x6A40]  }
0x175: {  	v4 =	vld [tilespmem:s25+$0xFFFFFE40]  }
0x176: {  	[tilespmem:s25+$0xD610] =	vst v0;
	v0 =	vadd.f32 v5, v2;
	v2 =	vld [tilespmem:s25+$0x6A50]  }
0x177: {  	v5 =	vld [tilespmem:s25+$0xFFFFFE50]  }
0x178: {  	[tilespmem:s25+$0xD620] =	vst v0;
	v0 =	vadd.f32 v6, v1;
	v1 =	vld [tilespmem:s25+$0x6A60]  }
0x179: {  	v6 =	vld [tilespmem:s25+$0xFFFFFE60]  }
0x17a: {  	[tilespmem:s25+$0xD630] =	vst v0;
	v0 =	vadd.f32 v4, v3;
	v3 =	vld [tilespmem:s25+$0x6A70]  }
0x17b: {  	v4 =	vld [tilespmem:s25+$0xFFFFFE70]  }
0x17c: {  	[tilespmem:s25+$0xD640] =	vst v0;
	v0 =	vadd.f32 v5, v2;
	v2 =	vld [tilespmem:s25+$0x6A80]  }
0x17d: {  	v5 =	vld [tilespmem:s25+$0xFFFFFE80]  }
0x17e: {  	[tilespmem:s25+$0xD650] =	vst v0;
	v0 =	vadd.f32 v6, v1;
	v1 =	vld [tilespmem:s25+$0x6A90]  }
0x17f: {  	v6 =	vld [tilespmem:s25+$0xFFFFFE90]  }
0x180: {  	[tilespmem:s25+$0xD660] =	vst v0;
	v0 =	vadd.f32 v4, v3;
	v3 =	vld [tilespmem:s25+$0x6AA0]  }
0x181: {  	v4 =	vld [tilespmem:s25+$0xFFFFFEA0]  }
0x182: {  	[tilespmem:s25+$0xD670] =	vst v0;
	v0 =	vadd.f32 v5, v2;
	v2 =	vld [tilespmem:s25+$0x6AB0]  }
0x183: {  	v5 =	vld [tilespmem:s25+$0xFFFFFEB0]  }
0x184: {  	[tilespmem:s25+$0xD680] =	vst v0;
	v0 =	vadd.f32 v6, v1;
	v1 =	vld [tilespmem:s25+$0x6AC0]  }
0x185: {  	v6 =	vld [tilespmem:s25+$0xFFFFFEC0]  }
0x186: {  	[tilespmem:s25+$0xD690] =	vst v0;
	v0 =	vadd.f32 v4, v3;
	v3 =	vld [tilespmem:s25+$0x6AD0]  }
0x187: {  	v4 =	vld [tilespmem:s25+$0xFFFFFED0]  }
0x188: {  	[tilespmem:s25+$0xD6A0] =	vst v0;
	v0 =	vadd.f32 v5, v2;
	v2 =	vld [tilespmem:s25+$0x6AE0]  }
0x189: {  	v5 =	vld [tilespmem:s25+$0xFFFFFEE0]  }
0x18a: {  	[tilespmem:s25+$0xD6B0] =	vst v0;
	v0 =	vadd.f32 v6, v1;
	v1 =	vld [tilespmem:s25+$0x6AF0]  }
0x18b: {  	v6 =	vld [tilespmem:s25+$0xFFFFFEF0]  }
0x18c: {  	[tilespmem:s25+$0xD6C0] =	vst v0;
	v0 =	vadd.f32 v4, v3;
	v3 =	vld [tilespmem:s25+$0x6B00]  }
0x18d: {  	v4 =	vld [tilespmem:s25+$0xFFFFFF00]  }
0x18e: {  	[tilespmem:s25+$0xD6D0] =	vst v0;
	v0 =	vadd.f32 v5, v2;
	v2 =	vld [tilespmem:s25+$0x6B10]  }
0x18f: {  	v5 =	vld [tilespmem:s25+$0xFFFFFF10]  }
0x190: {  	[tilespmem:s25+$0xD6E0] =	vst v0;
	v0 =	vadd.f32 v6, v1;
	v1 =	vld [tilespmem:s25+$0x6B20]  }
0x191: {  	v6 =	vld [tilespmem:s25+$0xFFFFFF20]  }
0x192: {  	[tilespmem:s25+$0xD6F0] =	vst v0;
	v0 =	vadd.f32 v4, v3;
	v3 =	vld [tilespmem:s25+$0x6B30]  }
0x193: {  	v4 =	vld [tilespmem:s25+$0xFFFFFF30]  }
0x194: {  	[tilespmem:s25+$0xD700] =	vst v0;
	v0 =	vadd.f32 v5, v2;
	v2 =	vld [tilespmem:s25+$0x6B40]  }
0x195: {  	v5 =	vld [tilespmem:s25+$0xFFFFFF40]  }
0x196: {  	[tilespmem:s25+$0xD710] =	vst v0;
	v0 =	vadd.f32 v6, v1;
	v1 =	vld [tilespmem:s25+$0x6B50]  }
0x197: {  	v6 =	vld [tilespmem:s25+$0xFFFFFF50]  }
0x198: {  	[tilespmem:s25+$0xD720] =	vst v0;
	v0 =	vadd.f32 v4, v3;
	v3 =	vld [tilespmem:s25+$0x6B60]  }
0x199: {  	v4 =	vld [tilespmem:s25+$0xFFFFFF60]  }
0x19a: {  	[tilespmem:s25+$0xD730] =	vst v0;
	v0 =	vadd.f32 v5, v2;
	v2 =	vld [tilespmem:s25+$0x6B70]  }
0x19b: {  	v5 =	vld [tilespmem:s25+$0xFFFFFF70]  }
0x19c: {  	[tilespmem:s25+$0xD740] =	vst v0;
	v0 =	vadd.f32 v6, v1;
	v1 =	vld [tilespmem:s25+$0x6B80]  }
0x19d: {  	v6 =	vld [tilespmem:s25+$0xFFFFFF80]  }
0x19e: {  	[tilespmem:s25+$0xD750] =	vst v0;
	v0 =	vadd.f32 v4, v3;
	v3 =	vld [tilespmem:s25+$0x6B90]  }
0x19f: {  	v4 =	vld [tilespmem:s25+$0xFFFFFF90]  }
0x1a0: {  	[tilespmem:s25+$0xD760] =	vst v0;
	v0 =	vadd.f32 v5, v2;
	v2 =	vld [tilespmem:s25+$0x6BA0]  }
0x1a1: {  	v5 =	vld [tilespmem:s25+$0xFFFFFFA0]  }
0x1a2: {  	[tilespmem:s25+$0xD770] =	vst v0;
	v0 =	vadd.f32 v6, v1;
	v1 =	vld [tilespmem:s25+$0x6BB0]  }
0x1a3: {  	v6 =	vld [tilespmem:s25+$0xFFFFFFB0]  }
0x1a4: {  	[tilespmem:s25+$0xD780] =	vst v0;
	v0 =	vadd.f32 v4, v3;
	v4 =	vld [tilespmem:s25+$0x6BC0]  }
0x1a5: {  	v8 =	vld [tilespmem:s25+$0xFFFFFFD0]  }
0x1a6: {  	[tilespmem:s25+$0xD790] =	vst v0;
	v0 =	vadd.f32 v5, v2;
	v5 =	vld [tilespmem:s25+$0x6BD0]  }
0x1a7: {  	v3 =	vld [tilespmem:s25+$0xFFFFFFE0]  }
0x1a8: {  	v2 =	vld [tilespmem:s25+$0x6BE0];
	[tilespmem:s25+$0xD7A0] =	vst v0;
	v0 =	vadd.f32 v6, v1  }
0x1a9: {  	v6 =	vadd.f32 v7, v4;
	v4 =	vld [tilespmem:s25+$0xFFFFFFF0]  }
0x1aa: {  	s28 =	simm.s32 $0x5F0;
	[tilespmem:s25+$0xD7B0] =	vst v0;
	v0 =	vld [tilespmem:s25+$0x6BF0]  }
0x1ab: {  	s26 =	simm.s32 $0x23C0;
	v1 =	vld [tilespmem:s28+$0x6C00];
	[tilespmem:s25+$0xD7C0] =	vst v6;
	v5 =	vadd.f32 v8, v5  }
.LBB2_5:
0x1ac: {  	p1 =	sne.s32 s26, $0xD7C0;
	v6 =	vld [tilespmem:s28+$0x0]  }
0x1ad: {  	v7 =	vld [tilespmem:s28+$0x6910];
	[tilespmem:s25+$0xD7D0] =	vst v5;
	v2 =	vadd.f32 v3, v2  }
0x1ae: {  	v3 =	vld [tilespmem:s28+$0xFFFFFD10]  }
0x1af: {  	v5 =	vld [tilespmem:s28+$0x6920];
	[tilespmem:s25+$0xD7E0] =	vst v2;
	v0 =	vadd.f32 v4, v0  }
0x1b0: {  	v2 =	vld [tilespmem:s28+$0xFFFFFD20]  }
0x1b1: {  	v4 =	vld [tilespmem:s28+$0x6930];
	v1 =	vadd.f32 v6, v1;
	[tilespmem:s25+$0xD7F0] =	vst v0;
	s25 =	smov.u32 s28  }
0x1b2: {  	v0 =	vld [tilespmem:s25+$0xFFFFFD30]  }
0x1b3: {  	v3 =	vadd.f32 v3, v7;
	v6 =	vld [tilespmem:s25+$0x6940];
	[tilespmem:s25+$0xD800] =	vst v1  }
0x1b4: {  	v1 =	vld [tilespmem:s25+$0xFFFFFD40]  }
0x1b5: {  	[tilespmem:s25+$0xD510] =	vst v3;
	v2 =	vadd.f32 v2, v5;
	v3 =	vld [tilespmem:s25+$0x6950]  }
0x1b6: {  	v5 =	vld [tilespmem:s25+$0xFFFFFD50]  }
0x1b7: {  	[tilespmem:s25+$0xD520] =	vst v2;
	v0 =	vadd.f32 v0, v4;
	v2 =	vld [tilespmem:s25+$0x6960]  }
0x1b8: {  	v4 =	vld [tilespmem:s25+$0xFFFFFD60]  }
0x1b9: {  	[tilespmem:s25+$0xD530] =	vst v0;
	v0 =	vadd.f32 v1, v6;
	v1 =	vld [tilespmem:s25+$0x6970]  }
0x1ba: {  	v6 =	vld [tilespmem:s25+$0xFFFFFD70]  }
0x1bb: {  	[tilespmem:s25+$0xD540] =	vst v0;
	v0 =	vadd.f32 v5, v3;
	v3 =	vld [tilespmem:s25+$0x6980]  }
0x1bc: {  	v5 =	vld [tilespmem:s25+$0xFFFFFD80]  }
0x1bd: {  	[tilespmem:s25+$0xD550] =	vst v0;
	v0 =	vadd.f32 v4, v2;
	v2 =	vld [tilespmem:s25+$0x6990]  }
0x1be: {  	v4 =	vld [tilespmem:s25+$0xFFFFFD90]  }
0x1bf: {  	[tilespmem:s25+$0xD560] =	vst v0;
	v0 =	vadd.f32 v6, v1;
	v1 =	vld [tilespmem:s25+$0x69A0]  }
0x1c0: {  	v6 =	vld [tilespmem:s25+$0xFFFFFDA0]  }
0x1c1: {  	[tilespmem:s25+$0xD570] =	vst v0;
	v0 =	vadd.f32 v5, v3;
	v3 =	vld [tilespmem:s25+$0x69B0]  }
0x1c2: {  	v5 =	vld [tilespmem:s25+$0xFFFFFDB0]  }
0x1c3: {  	[tilespmem:s25+$0xD580] =	vst v0;
	v0 =	vadd.f32 v4, v2;
	v2 =	vld [tilespmem:s25+$0x69C0]  }
0x1c4: {  	v4 =	vld [tilespmem:s25+$0xFFFFFDC0]  }
0x1c5: {  	[tilespmem:s25+$0xD590] =	vst v0;
	v0 =	vadd.f32 v6, v1;
	v1 =	vld [tilespmem:s25+$0x69D0]  }
0x1c6: {  	v6 =	vld [tilespmem:s25+$0xFFFFFDD0]  }
0x1c7: {  	[tilespmem:s25+$0xD5A0] =	vst v0;
	v0 =	vadd.f32 v5, v3;
	v3 =	vld [tilespmem:s25+$0x69E0]  }
0x1c8: {  	v5 =	vld [tilespmem:s25+$0xFFFFFDE0]  }
0x1c9: {  	[tilespmem:s25+$0xD5B0] =	vst v0;
	v0 =	vadd.f32 v4, v2;
	v2 =	vld [tilespmem:s25+$0x69F0]  }
0x1ca: {  	v4 =	vld [tilespmem:s25+$0xFFFFFDF0]  }
0x1cb: {  	[tilespmem:s25+$0xD5C0] =	vst v0;
	v0 =	vadd.f32 v6, v1;
	v1 =	vld [tilespmem:s25+$0x6A00]  }
0x1cc: {  	v6 =	vld [tilespmem:s25+$0xFFFFFE00]  }
0x1cd: {  	[tilespmem:s25+$0xD5D0] =	vst v0;
	v0 =	vadd.f32 v5, v3;
	v3 =	vld [tilespmem:s25+$0x6A10]  }
0x1ce: {  	v5 =	vld [tilespmem:s25+$0xFFFFFE10]  }
0x1cf: {  	[tilespmem:s25+$0xD5E0] =	vst v0;
	v0 =	vadd.f32 v4, v2;
	v2 =	vld [tilespmem:s25+$0x6A20]  }
0x1d0: {  	v4 =	vld [tilespmem:s25+$0xFFFFFE20]  }
0x1d1: {  	[tilespmem:s25+$0xD5F0] =	vst v0;
	v0 =	vadd.f32 v6, v1;
	v1 =	vld [tilespmem:s25+$0x6A30]  }
0x1d2: {  	v6 =	vld [tilespmem:s25+$0xFFFFFE30]  }
0x1d3: {  	[tilespmem:s25+$0xD600] =	vst v0;
	v0 =	vadd.f32 v5, v3;
	v3 =	vld [tilespmem:s25+$0x6A40]  }
0x1d4: {  	v5 =	vld [tilespmem:s25+$0xFFFFFE40]  }
0x1d5: {  	[tilespmem:s25+$0xD610] =	vst v0;
	v0 =	vadd.f32 v4, v2;
	v2 =	vld [tilespmem:s25+$0x6A50]  }
0x1d6: {  	v4 =	vld [tilespmem:s25+$0xFFFFFE50]  }
0x1d7: {  	[tilespmem:s25+$0xD620] =	vst v0;
	v0 =	vadd.f32 v6, v1;
	v1 =	vld [tilespmem:s25+$0x6A60]  }
0x1d8: {  	v6 =	vld [tilespmem:s25+$0xFFFFFE60]  }
0x1d9: {  	[tilespmem:s25+$0xD630] =	vst v0;
	v0 =	vadd.f32 v5, v3;
	v3 =	vld [tilespmem:s25+$0x6A70]  }
0x1da: {  	v5 =	vld [tilespmem:s25+$0xFFFFFE70]  }
0x1db: {  	[tilespmem:s25+$0xD640] =	vst v0;
	v0 =	vadd.f32 v4, v2;
	v2 =	vld [tilespmem:s25+$0x6A80]  }
0x1dc: {  	v4 =	vld [tilespmem:s25+$0xFFFFFE80]  }
0x1dd: {  	[tilespmem:s25+$0xD650] =	vst v0;
	v0 =	vadd.f32 v6, v1;
	v1 =	vld [tilespmem:s25+$0x6A90]  }
0x1de: {  	v6 =	vld [tilespmem:s25+$0xFFFFFE90]  }
0x1df: {  	[tilespmem:s25+$0xD660] =	vst v0;
	v0 =	vadd.f32 v5, v3;
	v3 =	vld [tilespmem:s25+$0x6AA0]  }
0x1e0: {  	v5 =	vld [tilespmem:s25+$0xFFFFFEA0]  }
0x1e1: {  	[tilespmem:s25+$0xD670] =	vst v0;
	v0 =	vadd.f32 v4, v2;
	v2 =	vld [tilespmem:s25+$0x6AB0]  }
0x1e2: {  	v4 =	vld [tilespmem:s25+$0xFFFFFEB0]  }
0x1e3: {  	[tilespmem:s25+$0xD680] =	vst v0;
	v0 =	vadd.f32 v6, v1;
	v1 =	vld [tilespmem:s25+$0x6AC0]  }
0x1e4: {  	v6 =	vld [tilespmem:s25+$0xFFFFFEC0]  }
0x1e5: {  	[tilespmem:s25+$0xD690] =	vst v0;
	v0 =	vadd.f32 v5, v3;
	v3 =	vld [tilespmem:s25+$0x6AD0]  }
0x1e6: {  	v5 =	vld [tilespmem:s25+$0xFFFFFED0]  }
0x1e7: {  	[tilespmem:s25+$0xD6A0] =	vst v0;
	v0 =	vadd.f32 v4, v2;
	v2 =	vld [tilespmem:s25+$0x6AE0]  }
0x1e8: {  	v4 =	vld [tilespmem:s25+$0xFFFFFEE0]  }
0x1e9: {  	[tilespmem:s25+$0xD6B0] =	vst v0;
	v0 =	vadd.f32 v6, v1;
	v1 =	vld [tilespmem:s25+$0x6AF0]  }
0x1ea: {  	v6 =	vld [tilespmem:s25+$0xFFFFFEF0]  }
0x1eb: {  	[tilespmem:s25+$0xD6C0] =	vst v0;
	v0 =	vadd.f32 v5, v3;
	v3 =	vld [tilespmem:s25+$0x6B00]  }
0x1ec: {  	v5 =	vld [tilespmem:s25+$0xFFFFFF00]  }
0x1ed: {  	[tilespmem:s25+$0xD6D0] =	vst v0;
	v0 =	vadd.f32 v4, v2;
	v2 =	vld [tilespmem:s25+$0x6B10]  }
0x1ee: {  	v4 =	vld [tilespmem:s25+$0xFFFFFF10]  }
0x1ef: {  	[tilespmem:s25+$0xD6E0] =	vst v0;
	v0 =	vadd.f32 v6, v1;
	v1 =	vld [tilespmem:s25+$0x6B20]  }
0x1f0: {  	v6 =	vld [tilespmem:s25+$0xFFFFFF20]  }
0x1f1: {  	[tilespmem:s25+$0xD6F0] =	vst v0;
	v0 =	vadd.f32 v5, v3;
	v3 =	vld [tilespmem:s25+$0x6B30]  }
0x1f2: {  	v5 =	vld [tilespmem:s25+$0xFFFFFF30]  }
0x1f3: {  	[tilespmem:s25+$0xD700] =	vst v0;
	v0 =	vadd.f32 v4, v2;
	v2 =	vld [tilespmem:s25+$0x6B40]  }
0x1f4: {  	v4 =	vld [tilespmem:s25+$0xFFFFFF40]  }
0x1f5: {  	[tilespmem:s25+$0xD710] =	vst v0;
	v0 =	vadd.f32 v6, v1;
	v1 =	vld [tilespmem:s25+$0x6B50]  }
0x1f6: {  	v6 =	vld [tilespmem:s25+$0xFFFFFF50]  }
0x1f7: {  	[tilespmem:s25+$0xD720] =	vst v0;
	v0 =	vadd.f32 v5, v3;
	v3 =	vld [tilespmem:s25+$0x6B60]  }
0x1f8: {  	v5 =	vld [tilespmem:s25+$0xFFFFFF60]  }
0x1f9: {  	[tilespmem:s25+$0xD730] =	vst v0;
	v0 =	vadd.f32 v4, v2;
	v2 =	vld [tilespmem:s25+$0x6B70]  }
0x1fa: {  	v4 =	vld [tilespmem:s25+$0xFFFFFF70]  }
0x1fb: {  	[tilespmem:s25+$0xD740] =	vst v0;
	v0 =	vadd.f32 v6, v1;
	v1 =	vld [tilespmem:s25+$0x6B80]  }
0x1fc: {  	v6 =	vld [tilespmem:s25+$0xFFFFFF80]  }
0x1fd: {  	[tilespmem:s25+$0xD750] =	vst v0;
	v0 =	vadd.f32 v5, v3;
	v3 =	vld [tilespmem:s25+$0x6B90]  }
0x1fe: {  	v5 =	vld [tilespmem:s25+$0xFFFFFF90]  }
0x1ff: {  	[tilespmem:s25+$0xD760] =	vst v0;
	v0 =	vadd.f32 v4, v2;
	v2 =	vld [tilespmem:s25+$0x6BA0]  }
0x200: {  	v4 =	vld [tilespmem:s25+$0xFFFFFFA0]  }
0x201: {  	[tilespmem:s25+$0xD770] =	vst v0;
	v0 =	vadd.f32 v6, v1;
	v1 =	vld [tilespmem:s25+$0x6BB0]  }
0x202: {  	v6 =	vld [tilespmem:s25+$0xFFFFFFB0]  }
0x203: {  	[tilespmem:s25+$0xD780] =	vst v0;
	v0 =	vadd.f32 v5, v3;
	v5 =	vld [tilespmem:s25+$0x6BC0]  }
0x204: {  	v7 =	vld [tilespmem:s25+$0xFFFFFFC0]  }
0x205: {  	[tilespmem:s25+$0xD790] =	vst v0;
	v0 =	vadd.f32 v4, v2;
	v8 =	vld [tilespmem:s25+$0x6BD0]  }
0x206: {  	v9 =	vld [tilespmem:s25+$0xFFFFFFD0]  }
.Ltmp1:
0x207: {  	[tilespmem:s25+$0xD7A0] =	vst v0;
	v0 =	vadd.f32 v6, v1;
	v2 =	vld [tilespmem:s25+$0x6BE0];
	(pc) =	sbr.rel @p1 .LBB2_5-.Ltmp1, $4  }
0x208: {  	v3 =	vld [tilespmem:s25+$0xFFFFFFE0]  }
0x209: {  	[tilespmem:s25+$0xD7B0] =	vst v0;
	v5 =	vadd.f32 v7, v5;
	v0 =	vld [tilespmem:s25+$0x6BF0]  }
0x20a: {  	s28 =	sshra.s32 s26, $0x2;
	v4 =	vld [tilespmem:s25+$0xFFFFFFF0]  }
0x20b: {  	s26 =	sadd.s32 $0xC00, s26;
	v1 =	vld [tilespmem:s28+$0x6C00];
	[tilespmem:s25+$0xD7C0] =	vst v5;
	v5 =	vadd.f32 v9, v8  }
0x20c: {  	v6 =	vld [tilespmem:s28+$0x0]  }
0x20d: {  	v7 =	vld [tilespmem:s28+$0x6910];
	[tilespmem:s25+$0xD7D0] =	vst v5;
	v2 =	vadd.f32 v3, v2  }
0x20e: {  	v44 =	vld [tilespmem:s28+$0xFFFFFD10]  }
0x20f: {  	v5 =	vld [tilespmem:s28+$0x6920];
	[tilespmem:s25+$0xD7E0] =	vst v2;
	v0 =	vadd.f32 v4, v0  }
0x210: {  	v2 =	vld [tilespmem:s28+$0xFFFFFD20]  }
0x211: {  	v45 =	vld [tilespmem:s28+$0x6930];
	[tilespmem:s25+$0xD7F0] =	vst v0  }
0x212: {  	v47 =	vld [tilespmem:s28+$0xFFFFFD30]  }
0x213: {  	v48 =	vld [tilespmem:s28+$0x6940]  }
0x214: {  	v49 =	vld [tilespmem:s28+$0xFFFFFD40]  }
0x215: {  	v50 =	vld [tilespmem:s28+$0x6950]  }
0x216: {  	v51 =	vld [tilespmem:s28+$0xFFFFFD50]  }
0x217: {  	v52 =	vld [tilespmem:s28+$0x6960]  }
0x218: {  	v53 =	vld [tilespmem:s28+$0xFFFFFD60]  }
0x219: {  	v54 =	vld [tilespmem:s28+$0x6970]  }
0x21a: {  	v55 =	vld [tilespmem:s28+$0xFFFFFD70]  }
0x21b: {  	v57 =	vld [tilespmem:s28+$0x6980]  }
0x21c: {  	v58 =	vld [tilespmem:s28+$0xFFFFFD80]  }
0x21d: {  	v60 =	vld [tilespmem:s28+$0x6990]  }
0x21e: {  	v61 =	vld [tilespmem:s28+$0xFFFFFD90]  }
0x21f: {  	v63 =	vld [tilespmem:s28+$0x69A0]  }
0x220: {  	v9 =	vld [tilespmem:s28+$0xFFFFFDA0]  }
0x221: {  	v11 =	vld [tilespmem:s28+$0x69B0]  }
0x222: {  	v12 =	vld [tilespmem:s28+$0xFFFFFDB0]  }
0x223: {  	v14 =	vld [tilespmem:s28+$0x69C0]  }
0x224: {  	v15 =	vld [tilespmem:s28+$0xFFFFFDC0]  }
0x225: {  	v17 =	vld [tilespmem:s28+$0x69D0]  }
0x226: {  	v18 =	vld [tilespmem:s28+$0xFFFFFDD0]  }
0x227: {  	v20 =	vld [tilespmem:s28+$0x69E0]  }
0x228: {  	v21 =	vld [tilespmem:s28+$0xFFFFFDE0]  }
0x229: {  	v23 =	vld [tilespmem:s28+$0x69F0]  }
0x22a: {  	v24 =	vld [tilespmem:s28+$0xFFFFFDF0]  }
0x22b: {  	v26 =	vld [tilespmem:s28+$0x6A00]  }
0x22c: {  	v27 =	vld [tilespmem:s28+$0xFFFFFE00]  }
0x22d: {  	v29 =	vld [tilespmem:s28+$0x6A10]  }
0x22e: {  	v30 =	vld [tilespmem:s28+$0xFFFFFE10]  }
0x22f: {  	v32 =	vld [tilespmem:s28+$0x6A20]  }
0x230: {  	v33 =	vld [tilespmem:s28+$0xFFFFFE20]  }
0x231: {  	v35 =	vld [tilespmem:s28+$0x6A30]  }
0x232: {  	v36 =	vld [tilespmem:s28+$0xFFFFFE30]  }
0x233: {  	v38 =	vld [tilespmem:s28+$0x6A40]  }
0x234: {  	v39 =	vld [tilespmem:s28+$0xFFFFFE40]  }
0x235: {  	v41 =	vld [tilespmem:s28+$0x6A50]  }
0x236: {  	v42 =	vld [tilespmem:s28+$0xFFFFFE50]  }
0x237: {  	v3 =	vadd.f32 v44, v7;
	v44 =	vld [tilespmem:s28+$0x6A60]  }
0x238: {  	v46 =	vadd.f32 v6, v1;
	v1 =	vadd.f32 v47, v45;
	v45 =	vld [tilespmem:s28+$0xFFFFFE60]  }
0x239: {  	v47 =	vld [tilespmem:s28+$0x6A70]  }
0x23a: {  	v0 =	vadd.f32 v49, v48;
	v48 =	vld [tilespmem:s28+$0xFFFFFE70]  }
0x23b: {  	v56 =	vadd.f32 v51, v50;
	v50 =	vld [tilespmem:s28+$0x6A80]  }
0x23c: {  	v51 =	vld [tilespmem:s28+$0xFFFFFE80]  }
0x23d: {  	v59 =	vadd.f32 v53, v52;
	v53 =	vld [tilespmem:s28+$0x6A90]  }
0x23e: {  	v62 =	vadd.f32 v55, v54;
	v54 =	vld [tilespmem:s28+$0xFFFFFE90]  }
0x23f: {  	v10 =	vadd.f32 v58, v57;
	v57 =	vld [tilespmem:s28+$0xFFFFFEA0]  }
0x240: {  	v13 =	vadd.f32 v61, v60;
	v60 =	vld [tilespmem:s28+$0xFFFFFEB0]  }
0x241: {  	v16 =	vadd.f32 v9, v63;
	v63 =	vld [tilespmem:s28+$0xFFFFFEC0]  }
0x242: {  	[tilespmem:s28+$0xD800] =	vst v46;
	v2 =	vadd.f32 v2, v5;
	v9 =	vld [tilespmem:s28+$0x6AD0]  }
0x243: {  	[tilespmem:s28+$0xD510] =	vst v3;
	v19 =	vadd.f32 v12, v11;
	v12 =	vld [tilespmem:s28+$0x6AE0]  }
0x244: {  	[tilespmem:s28+$0xD520] =	vst v2;
	v22 =	vadd.f32 v15, v14;
	v15 =	vld [tilespmem:s28+$0x6AF0]  }
0x245: {  	v25 =	vadd.f32 v18, v17;
	v18 =	vld [tilespmem:s28+$0x6B00];
	[tilespmem:s28+$0xD530] =	vst v1  }
0x246: {  	v28 =	vadd.f32 v21, v20;
	v21 =	vld [tilespmem:s28+$0x6B10];
	[tilespmem:s28+$0xD540] =	vst v0  }
0x247: {  	v31 =	vadd.f32 v24, v23;
	v24 =	vld [tilespmem:s28+$0x6B20];
	[tilespmem:s28+$0xD550] =	vst v56  }
0x248: {  	v34 =	vadd.f32 v27, v26;
	v27 =	vld [tilespmem:s28+$0x6B30];
	[tilespmem:s28+$0xD560] =	vst v59  }
0x249: {  	v37 =	vadd.f32 v30, v29;
	v30 =	vld [tilespmem:s28+$0x6B40];
	[tilespmem:s28+$0xD570] =	vst v62  }
0x24a: {  	v40 =	vadd.f32 v33, v32;
	v33 =	vld [tilespmem:s28+$0x6B50];
	[tilespmem:s28+$0xD580] =	vst v10  }
0x24b: {  	v43 =	vadd.f32 v36, v35;
	v36 =	vld [tilespmem:s28+$0x6B60];
	[tilespmem:s28+$0xD590] =	vst v13  }
0x24c: {  	v46 =	vadd.f32 v39, v38;
	v39 =	vld [tilespmem:s28+$0x6B70];
	[tilespmem:s28+$0xD5A0] =	vst v16  }
0x24d: {  	v49 =	vadd.f32 v42, v41;
	v42 =	vld [tilespmem:s28+$0x6B80];
	[tilespmem:s28+$0xD5B0] =	vst v19  }
0x24e: {  	[tilespmem:s28+$0xD5C0] =	vst v22;
	v56 =	vld [tilespmem:s28+$0x6AA0]  }
0x24f: {  	[tilespmem:s28+$0xD5D0] =	vst v25;
	v59 =	vld [tilespmem:s28+$0x6AB0]  }
0x250: {  	[tilespmem:s28+$0xD5E0] =	vst v28;
	v62 =	vld [tilespmem:s28+$0x6AC0]  }
0x251: {  	[tilespmem:s28+$0xD5F0] =	vst v31;
	v10 =	vld [tilespmem:s28+$0xFFFFFED0]  }
0x252: {  	[tilespmem:s28+$0xD600] =	vst v34;
	v13 =	vld [tilespmem:s28+$0xFFFFFEE0]  }
0x253: {  	[tilespmem:s28+$0xD610] =	vst v37;
	v16 =	vld [tilespmem:s28+$0xFFFFFEF0]  }
0x254: {  	[tilespmem:s28+$0xD620] =	vst v40;
	v19 =	vld [tilespmem:s28+$0xFFFFFF00]  }
0x255: {  	[tilespmem:s28+$0xD630] =	vst v43;
	v22 =	vld [tilespmem:s28+$0xFFFFFF10]  }
0x256: {  	[tilespmem:s28+$0xD640] =	vst v46;
	v25 =	vld [tilespmem:s28+$0xFFFFFF20];
	v52 =	vadd.f32 v45, v44  }
0x257: {  	[tilespmem:s28+$0xD650] =	vst v49;
	v28 =	vld [tilespmem:s28+$0xFFFFFF30];
	v55 =	vadd.f32 v48, v47  }
0x258: {  	v31 =	vld [tilespmem:s28+$0xFFFFFF40];
	v58 =	vadd.f32 v51, v50;
	[tilespmem:s28+$0xD660] =	vst v52  }
0x259: {  	v34 =	vld [tilespmem:s28+$0xFFFFFF50];
	v61 =	vadd.f32 v54, v53;
	[tilespmem:s28+$0xD670] =	vst v55  }
0x25a: {  	v37 =	vld [tilespmem:s28+$0xFFFFFF60];
	[tilespmem:s28+$0xD680] =	vst v58;
	v8 =	vadd.f32 v57, v56  }
0x25b: {  	v40 =	vld [tilespmem:s28+$0xFFFFFF70];
	[tilespmem:s28+$0xD690] =	vst v61;
	v11 =	vadd.f32 v60, v59  }
0x25c: {  	v43 =	vld [tilespmem:s28+$0xFFFFFF80];
	v14 =	vadd.f32 v63, v62;
	[tilespmem:s28+$0xD6A0] =	vst v8  }
0x25d: {  	v46 =	vld [tilespmem:s28+$0xFFFFFF90];
	v17 =	vadd.f32 v10, v9;
	[tilespmem:s28+$0xD6B0] =	vst v11  }
0x25e: {  	v49 =	vld [tilespmem:s28+$0xFFFFFFA0];
	v20 =	vadd.f32 v13, v12;
	[tilespmem:s28+$0xD6C0] =	vst v14  }
0x25f: {  	v45 =	vld [tilespmem:s28+$0x6B90];
	v23 =	vadd.f32 v16, v15;
	[tilespmem:s28+$0xD6D0] =	vst v17  }
0x260: {  	v48 =	vld [tilespmem:s28+$0x6BA0];
	v26 =	vadd.f32 v19, v18;
	[tilespmem:s28+$0xD6E0] =	vst v20  }
0x261: {  	v51 =	vld [tilespmem:s28+$0x6BB0];
	v29 =	vadd.f32 v22, v21;
	[tilespmem:s28+$0xD6F0] =	vst v23  }
0x262: {  	v54 =	vld [tilespmem:s28+$0x6BC0];
	v32 =	vadd.f32 v25, v24;
	[tilespmem:s28+$0xD700] =	vst v26  }
0x263: {  	v35 =	vadd.f32 v28, v27;
	v52 =	vld [tilespmem:s28+$0xFFFFFFB0];
	[tilespmem:s28+$0xD710] =	vst v29  }
0x264: {  	v38 =	vadd.f32 v31, v30;
	v55 =	vld [tilespmem:s28+$0xFFFFFFC0];
	[tilespmem:s28+$0xD720] =	vst v32  }
0x265: {  	v41 =	vadd.f32 v34, v33;
	v57 =	vld [tilespmem:s28+$0x6BD0];
	[tilespmem:s28+$0xD730] =	vst v35  }
0x266: {  	v44 =	vadd.f32 v37, v36;
	v58 =	vld [tilespmem:s28+$0xFFFFFFD0];
	[tilespmem:s28+$0xD740] =	vst v38  }
0x267: {  	v47 =	vadd.f32 v40, v39;
	v60 =	vld [tilespmem:s28+$0x6BE0];
	[tilespmem:s28+$0xD750] =	vst v41  }
0x268: {  	v50 =	vadd.f32 v43, v42;
	v61 =	vld [tilespmem:s28+$0xFFFFFFE0];
	[tilespmem:s28+$0xD760] =	vst v44  }
0x269: {  	v62 =	vld [tilespmem:s28+$0x6BF0];
	[tilespmem:s28+$0xD770] =	vst v47;
	v53 =	vadd.f32 v46, v45  }
0x26a: {  	v63 =	vld [tilespmem:s28+$0xFFFFFFF0];
	[tilespmem:s28+$0xD780] =	vst v50;
	v56 =	vadd.f32 v49, v48  }
0x26b: {  	[tilespmem:s28+$0xD790] =	vst v53;
	v59 =	vadd.f32 v52, v51  }
0x26c: {  	[tilespmem:s28+$0xD7A0] =	vst v56;
	v3 =	vadd.f32 v55, v54  }
0x26d: {  	v2 =	vadd.f32 v58, v57;
	[tilespmem:s28+$0xD7B0] =	vst v59  }
0x26e: {  	v1 =	vadd.f32 v61, v60;
	[tilespmem:s28+$0xD7C0] =	vst v3  }
0x26f: {  	s25 =	sadd.s32 @!p0 s24, s11;
	v0 =	vadd.f32 v63, v62;
	[tilespmem:s28+$0xD7D0] =	vst v2  }
0x270: {  	s26 =	simm.s32 @!p0 $0x0;
	s25 =	sshrl.u32 @!p0 s25, $0x3;
	[tilespmem:s28+$0xD7E0] =	vst v1  }
0x271: {  	s23 =	sadd.s32 $0x1, s23;
	s25 =	sadd.s32 @!p0 s2, s25;
	[tilespmem:s28+$0xD7F0] =	vst v0;
	s28 =	simm.s32 @!p0 $0x6C00  }
0x272: {  	[tilespmem:s28], [sflag:$0x2] =	stream.linear.gather @!p0 [hbm4b:s25+s26], $0x3600, $0x38;
	[tilespmem:$0x10E00] =	vst v63  }
0x273: {  	p0 =	sne.s32 s23, $0x20  }
.Ltmp2:
0x274: {  	_ = 	snop;
	(pc) =	sbr.rel @p0 .LBB2_2-.Ltmp2, $4  }
0x275: {  	s31 =	sadd.s32 s24, s6  }
0x276: {  	s24 =	sshrl.u32 s31, $0x3  }
0x277: {  	s24 =	sadd.s32 s5, s24  }
0x278: {  	[hbm4b:s24+s4] =	stream.linear.scatter [tilespmem:s19], [sflag:$0x4], $0x3600, $0x38;
	[tilespmem:$0x10E00] =	vst v63  }
0x279: {  	s22 =	sadd.s32 $0x1, s22  }
0x27a: {  	_ =	swait.ge [sflag:s20], $0x3600;
	p0 =	sne.s32 s22, s12  }
.Ltmp3:
0x27b: {  	[sflag:s20] =	ssyncset.done $0x0;
	(pc) =	sbr.rel @p0 .LBB2_1-.Ltmp3, $4  }
0x27c: {  	[sflag:s20] =	ssyncadd.s32 $0xFFFFCA00  }
0x27d: {  	_ =	swait.ge [sflag:s21], $0x3600  }
0x27e: {  	[sflag:s21] =	ssyncset.done $0x0  }
0x27f: {  	[sflag:s21] =	ssyncadd.s32 $0xFFFFCA00  }
0x280: {  	_ =	sfence.sel $0x180000  }
0x281: {  	[bflag:$0x0] =	sbarrier.arrive $0xFFFF  }
0x282: {  	p0 =	sne.s32 s0, $0x0;
	_ =	strace $0x90000047  }
0x283: {  	s0 =	sadd.s32 @!p0 $0x100000, s1;
	[bflag:$0x2] =	sbarrier.arrive $0xFFFF  }
0x284: {  	[sflag:s0] =	ssyncadd.tile.s32 @!p0 $0x1;
	_ =	shalt  }
.Lfunc_end2:
_tile_overlayer_lowered:
.L_overlay_start_2:
0x285: {  	(tag) =	ssettag $0x2  }
0x286: {  	s0 =	rddreg [dreg:$0x0];
	s2 =	stileid.u32  }
0x287: {  	s1 =	rddreg [dreg:$0x1];
	p0 =	sne.s32 s2, $0x0  }
0x288: {  	s3 =	rddreg [dreg:$0x2];
	[bflag:$0x3] =	sbarrier.arrive $0xFFFF;
	s2 =	simm.s32 @!p0 $0x1C05  }
0x289: {  	[timem:s3], [sflag:s2] =	dma.local @!p0 [hbm:s0], s1  }
0x28a: {  	s0 =	simm.s32 @!p0 $0x5  }
0x28b: {  	_ =	swait.ge @!p0 [sflag:s0], s1  }
0x28c: {  	s1 =	ssub.s32 @!p0 $0x0, s1;
	[sflag:s0] =	ssyncset.done @!p0 $0x0  }
0x28d: {  	[sflag:s0] =	ssyncadd.s32 @!p0 s1  }
0x28e: {  	[bflag:$0x3] =	sbarrier.arrive $0xFFFF  }
0x28f: {  	_ =	shalt  }

</sc_bundles>
